<compile_context>
chip_gen: v7x
topology: tpu7x:2x2x1
jax: 0.10.2.dev20260603
libtpu: 0.0.44.dev20260713+nightly
codegen_flags: <defaults>
</compile_context>

<pallas_src>
import functools

import jax
import jax.numpy as jnp
from jax import lax
from jax.experimental import pallas as pl
from jax.experimental.pallas import tpu as pltpu
from jax.experimental.pallas import tpu_sc as plsc

BATCH = 4096
SEQ_LEN = 50
EMBED_DIM = 64
ROWS = BATCH * SEQ_LEN
NTILE = 125000
NC, NS = 2, 16
NW = NC * NS
ROWS_PER_W = ROWS // NW
CHUNK = 128
NCHUNK = ROWS_PER_W // CHUNK


@functools.cache
def _make_gather():
    mesh = plsc.VectorSubcoreMesh(core_axis_name="c", subcore_axis_name="s",
                                  num_cores=NC, num_subcores=NS)

    @functools.partial(
        pl.kernel,
        mesh=mesh,
        out_type=jax.ShapeDtypeStruct((ROWS // 2, 2 * EMBED_DIM),
                                      jnp.float32),
        scratch_types=[
            pltpu.VMEM((NCHUNK, CHUNK), jnp.int32),
            pltpu.VMEM((CHUNK // 2, 2 * EMBED_DIM), jnp.float32),
            pltpu.VMEM((CHUNK // 2, 2 * EMBED_DIM), jnp.float32),
            pltpu.SemaphoreType.DMA,
            pltpu.SemaphoreType.DMA,
        ],
        compiler_params=pltpu.CompilerParams(use_tc_tiling_on_sc=True),
    )
    def gather_k(ids_hbm, table_hbm, out_hbm, idx_v, buf0, buf1, sem0, sem1):
        wid = lax.axis_index("s") * NC + lax.axis_index("c")
        pltpu.sync_copy(ids_hbm.at[wid], idx_v)
        base = wid * (ROWS_PER_W // 2)

        def fetch_chunk(j, buf, sem):
            def grp_body(g, _):
                vids = idx_v[j, pl.ds(g * 16, 16)]
                for k in range(16):
                    rid = vids[k]
                    pltpu.async_copy(
                        table_hbm.at[rid >> 3, rid & 7],
                        buf.at[g * 8 + k // 2,
                               pl.ds((k % 2) * EMBED_DIM, EMBED_DIM)],
                        sem)
                return 0

            lax.fori_loop(0, CHUNK // 16, grp_body, 0)

        def drain_chunk(buf, sem):
            def drain_body(r, _):
                pltpu.make_async_copy(
                    table_hbm.at[0, 0],
                    buf.at[0, pl.ds(0, EMBED_DIM)], sem).wait()
                return 0

            lax.fori_loop(0, CHUNK, drain_body, 0)

        fetch_chunk(0, buf0, sem0)

        def body(j, _):
            def even():
                drain_chunk(buf0, sem0)

                @pl.when(j < NCHUNK - 1)
                def _():
                    fetch_chunk(j + 1, buf1, sem1)

                pltpu.sync_copy(
                    buf0,
                    out_hbm.at[pl.ds(base + j * (CHUNK // 2), CHUNK // 2)])

            def odd():
                drain_chunk(buf1, sem1)

                @pl.when(j < NCHUNK - 1)
                def _():
                    fetch_chunk(j + 1, buf0, sem0)

                pltpu.sync_copy(
                    buf1,
                    out_hbm.at[pl.ds(base + j * (CHUNK // 2), CHUNK // 2)])

            pl.when((j & 1) == 0)(even)
            pl.when((j & 1) == 1)(odd)
            return 0

        lax.fori_loop(0, NCHUNK, body, 0)

    return gather_k


_BLK = 1024
PAIR_ROWS = ROWS // 2
PD = 2 * EMBED_DIM


def _mm_body(ue_ref, soc_ref, w1_ref, w2_ref, b_ref, out_ref):
    acc = jnp.dot(ue_ref[...], w1_ref[...], preferred_element_type=jnp.float32)
    acc += jnp.dot(soc_ref[...], w2_ref[...], preferred_element_type=jnp.float32)
    out_ref[...] = jnp.maximum(acc + b_ref[...], 0.0)


def _fused_linear(ue_p, soc_p, w1bd, w2bd, b_p):
    return pl.pallas_call(
        _mm_body,
        grid=(PAIR_ROWS // _BLK,),
        in_specs=[
            pl.BlockSpec((_BLK, PD), lambda i: (i, 0)),
            pl.BlockSpec((_BLK, PD), lambda i: (i, 0)),
            pl.BlockSpec((PD, PD), lambda i: (0, 0)),
            pl.BlockSpec((PD, PD), lambda i: (0, 0)),
            pl.BlockSpec((1, PD), lambda i: (0, 0)),
        ],
        out_specs=pl.BlockSpec((_BLK, PD), lambda i: (i, 0)),
        out_shape=jax.ShapeDtypeStruct((PAIR_ROWS, PD), jnp.float32),
        compiler_params=pltpu.CompilerParams(
            dimension_semantics=("arbitrary",)),
    )(ue_p, soc_p, w1bd, w2bd, b_p)


def _blockdiag(m):
    z = jnp.zeros((EMBED_DIM, EMBED_DIM), m.dtype)
    return jnp.block([[m, z], [z, m]])


def kernel(user_embeds, user_ids, emb_table, W, b):
    ids = user_ids.astype(jnp.int32).reshape(NW, NCHUNK, CHUNK)
    table3 = emb_table.reshape(NTILE, 8, EMBED_DIM)
    social_p = _make_gather()(ids, table3)
    ue_p = user_embeds.reshape(PAIR_ROWS, PD)
    wt = W.T
    w1bd = _blockdiag(wt[:EMBED_DIM])
    w2bd = _blockdiag(wt[EMBED_DIM:])
    b_p = jnp.concatenate([b, b]).reshape(1, PD)
    out = _fused_linear(ue_p, social_p, w1bd, w2bd, b_p)
    return out.reshape(BATCH, SEQ_LEN, EMBED_DIM)

# --- scband reference (transcript-rebuilt; emitter-appended) ---
"""Pipeline reference for scband-social-embedding-37417755082989 (READ-ONLY COPY).

The authoritative reference and input builder live on the scoring server;
editing this copy changes nothing except your own understanding.
"""

import jax, jax.numpy as jnp
import numpy as np

USER_SIZE = 1000000
EMBED_DIM = 64
BATCH = 4096
SEQ_LEN = 50

def setup_inputs(seed: int = 0) -> dict:
    key = jax.random.key(seed)
    k1, k2, k3, k4, k5 = jax.random.split(key, 5)
    user_embeds = jax.random.normal(k1, (BATCH, SEQ_LEN, EMBED_DIM), dtype=jnp.float32)
    user_ids = jax.random.randint(k2, (BATCH, SEQ_LEN), 0, USER_SIZE, dtype=jnp.int64)
    emb_table = jax.random.normal(k3, (USER_SIZE, EMBED_DIM), dtype=jnp.float32)
    # torch Linear: weight [out_features, in_features] = [EMBED_DIM, 2*EMBED_DIM]
    bound = 1.0 / np.sqrt(2 * EMBED_DIM)
    W = jax.random.uniform(k4, (EMBED_DIM, 2 * EMBED_DIM), minval=-bound, maxval=bound, dtype=jnp.float32)
    b = jax.random.uniform(k5, (EMBED_DIM,), minval=-bound, maxval=bound, dtype=jnp.float32)
    return {"user_embeds": user_embeds, "user_ids": user_ids, "emb_table": emb_table, "W": W, "b": b}

def reference(user_embeds, user_ids, emb_table, W, b):
    # social_embeds = self.social_embedding(user_ids)
    social_embeds = jnp.take(emb_table, user_ids, axis=0)
    # combined = torch.cat([user_embeds, social_embeds], dim=-1)
    combined = jnp.concatenate([user_embeds, social_embeds], axis=-1)
    # fused = self.fusion(combined)
    fused = combined @ W.T + b
    # return self.activation(fused)
    return jax.nn.relu(fused)

if __name__ == "__main__":
    import jax
    _d = setup_inputs()
    print(jax.jit(kernel)(*tuple(_d.values())))

</pallas_src>

<mosaic_0001>
#map = affine_map<(d0, d1) -> (0, 0, 0)>
#map1 = affine_map<(d0, d1) -> (0, 0)>
module attributes {stable_mosaic.version = 14 : i64} {
  func.func @gather_k(%arg0: i32, %arg1: i32, %arg2: memref<32x50x128xi32, #tpu.memory_space<hbm>>, %arg3: memref<125000x8x64xf32, #tpu.memory_space<hbm>>, %arg4: memref<102400x128xf32, #tpu.memory_space<hbm>>, %arg5: memref<50x128xi32, #tpu.memory_space<vmem>>, %arg6: memref<64x128xf32, #tpu.memory_space<vmem>>, %arg7: memref<64x128xf32, #tpu.memory_space<vmem>>, %arg8: memref<!tpu.dma_semaphore, #tpu.memory_space<semaphore_mem>>, %arg9: memref<!tpu.dma_semaphore, #tpu.memory_space<semaphore_mem>>) attributes {dimension_semantics = [#tpu.dimension_semantics<core_parallel>, #tpu.dimension_semantics<subcore_parallel>], iteration_bounds = array<i64: 2, 16>, scalar_prefetch = 0 : i64, scratch_operands = 5 : i64, tpu.core_type = #tpu.core_type<sc_vector_subcore>, window_params = [{transform_indices = #map}, {transform_indices = #map}, {transform_indices = #map1}]} {
    %mul3A = arith.constant 2 : i32
    %mul3A_0 = arith.muli %arg1, %mul3A : i32
    %add3A = arith.addi %mul3A_0, %arg0 : i32
    "tpu.region"() ({
      %run_scoped3A = tpu.sem_alloc : memref<!tpu.dma_semaphore, #tpu.memory_space<semaphore_mem>>
      %dma_start3A = arith.constant 0 : i32
      %dma_start3A_16 = arith.constant 0 : i32
      %dma_start3A_17 = tpu.memref_slice %arg2[%add3A, %dma_start3A, %dma_start3A_16] : memref<32x50x128xi32, #tpu.memory_space<hbm>> -> memref<1x50x128xi32, #tpu.memory_space<hbm>>
      %dma_start3A_18 = tpu.memref_squeeze %dma_start3A_17 : memref<1x50x128xi32, #tpu.memory_space<hbm>> -> memref<50x128xi32, #tpu.memory_space<hbm>>
      %dma_start3A_19 = arith.constant 0 : i32
      %dma_start3A_20 = arith.constant 0 : i32
      %dma_start3A_21 = tpu.memref_slice %arg2[%add3A, %dma_start3A_19, %dma_start3A_20] : memref<32x50x128xi32, #tpu.memory_space<hbm>> -> memref<1x50x128xi32, #tpu.memory_space<hbm>>
      %dma_start3A_22 = tpu.memref_squeeze %dma_start3A_21 : memref<1x50x128xi32, #tpu.memory_space<hbm>> -> memref<50x128xi32, #tpu.memory_space<hbm>>
      tpu.enqueue_dma source(%dma_start3A_22 : memref<50x128xi32, #tpu.memory_space<hbm>>) target(%arg5 : memref<50x128xi32, #tpu.memory_space<vmem>>) target_semaphore(%run_scoped3A : memref<!tpu.dma_semaphore, #tpu.memory_space<semaphore_mem>>)
      %dma_wait3A = arith.constant 0 : i32
      %dma_wait3A_23 = arith.constant 0 : i32
      %dma_wait3A_24 = tpu.memref_slice %arg2[%add3A, %dma_wait3A, %dma_wait3A_23] : memref<32x50x128xi32, #tpu.memory_space<hbm>> -> memref<1x50x128xi32, #tpu.memory_space<hbm>>
      %dma_wait3A_25 = tpu.memref_squeeze %dma_wait3A_24 : memref<1x50x128xi32, #tpu.memory_space<hbm>> -> memref<50x128xi32, #tpu.memory_space<hbm>>
      %dma_wait3A_26 = arith.constant 0 : i32
      %dma_wait3A_27 = arith.constant 0 : i32
      %dma_wait3A_28 = tpu.memref_slice %arg2[%add3A, %dma_wait3A_26, %dma_wait3A_27] : memref<32x50x128xi32, #tpu.memory_space<hbm>> -> memref<1x50x128xi32, #tpu.memory_space<hbm>>
      %dma_wait3A_29 = tpu.memref_squeeze %dma_wait3A_28 : memref<1x50x128xi32, #tpu.memory_space<hbm>> -> memref<50x128xi32, #tpu.memory_space<hbm>>
      tpu.wait_dma2 semaphore(%run_scoped3A : memref<!tpu.dma_semaphore, #tpu.memory_space<semaphore_mem>>) src(%dma_wait3A_29 : memref<50x128xi32, #tpu.memory_space<hbm>>) dst(%arg5 : memref<50x128xi32, #tpu.memory_space<vmem>>)
      tpu.yield
    }) : () -> ()
    %mul3A_1 = arith.constant 3200 : i32
    %mul3A_2 = arith.muli %add3A, %mul3A_1 : i32
    %scan3A = arith.constant 0 : i32
    %scan3A_3 = arith.constant 0 : i32
    %scan3A_4 = arith.constant 8 : i32
    %scan3A_5 = arith.addi %scan3A_3, %scan3A_4 : i32
    %scan3A_6 = arith.constant 1 : i32
    %scan3A_7 = scf.for %scan3A_16 = %scan3A_3 to %scan3A_5 step %scan3A_6 iter_args(%scan3A_17 = %scan3A) -> (i32)  : i32 {
      %mul3A_18 = arith.constant 16 : i32
      %mul3A_19 = arith.muli %scan3A_16, %mul3A_18 : i32
      %get3A = arith.constant 0 : i32
      %get3A_20 = arith.index_cast %get3A : i32 to index
      %get3A_21 = arith.index_cast %mul3A_19 : i32 to index
      %get3A_22 = tpu.vector_load %arg5[%get3A_20, %get3A_21] {strides = array<i32>} : memref<50x128xi32, #tpu.memory_space<vmem>>, vector<1x16xi32>,
      %get3A_23 = vector.shape_cast %get3A_22 : vector<1x16xi32> to vector<16xi32>
      %slice3A = vector.extract_strided_slice %get3A_23 {offsets = [0], sizes = [1], strides = [1]} : vector<16xi32> to vector<1xi32>
      %squeeze3A = vector.extract %slice3A[0] : i32 from vector<1xi32>
      %shift_right_arithmetic3A = arith.constant 3 : i32
      %shift_right_arithmetic3A_24 = arith.shrsi %squeeze3A, %shift_right_arithmetic3A : i32
      %and3A = arith.constant 7 : i32
      %and3A_25 = arith.andi %squeeze3A, %and3A : i32
      %mul3A_26 = arith.constant 8 : i32
      %mul3A_27 = arith.muli %scan3A_16, %mul3A_26 : i32
      %add3A_28 = arith.constant 0 : i32
      %add3A_29 = arith.addi %mul3A_27, %add3A_28 : i32
      %dma_start3A = arith.constant 0 : i32
      %dma_start3A_30 = tpu.memref_slice %arg6[%add3A_29, %dma_start3A] : memref<64x128xf32, #tpu.memory_space<vmem>> -> memref<1x64xf32, #tpu.memory_space<vmem>>
      %dma_start3A_31 = tpu.memref_squeeze %dma_start3A_30 : memref<1x64xf32, #tpu.memory_space<vmem>> -> memref<64xf32, #tpu.memory_space<vmem>>
      %dma_start3A_32 = arith.constant 0 : i32
      %dma_start3A_33 = tpu.memref_slice %arg3[%shift_right_arithmetic3A_24, %and3A_25, %dma_start3A_32] : memref<125000x8x64xf32, #tpu.memory_space<hbm>> -> memref<1x1x64xf32, #tpu.memory_space<hbm>>
      %dma_start3A_34 = tpu.memref_squeeze %dma_start3A_33 : memref<1x1x64xf32, #tpu.memory_space<hbm>> -> memref<64xf32, #tpu.memory_space<hbm>>
      %dma_start3A_35 = arith.constant 0 : i32
      %dma_start3A_36 = tpu.memref_slice %arg6[%add3A_29, %dma_start3A_35] : memref<64x128xf32, #tpu.memory_space<vmem>> -> memref<1x64xf32, #tpu.memory_space<vmem>>
      %dma_start3A_37 = tpu.memref_squeeze %dma_start3A_36 : memref<1x64xf32, #tpu.memory_space<vmem>> -> memref<64xf32, #tpu.memory_space<vmem>>
      %dma_start3A_38 = arith.constant 0 : i32
      %dma_start3A_39 = tpu.memref_slice %arg3[%shift_right_arithmetic3A_24, %and3A_25, %dma_start3A_38] : memref<125000x8x64xf32, #tpu.memory_space<hbm>> -> memref<1x1x64xf32, #tpu.memory_space<hbm>>
      %dma_start3A_40 = tpu.memref_squeeze %dma_start3A_39 : memref<1x1x64xf32, #tpu.memory_space<hbm>> -> memref<64xf32, #tpu.memory_space<hbm>>
      tpu.enqueue_dma source(%dma_start3A_40 : memref<64xf32, #tpu.memory_space<hbm>>) target(%dma_start3A_37 : memref<64xf32, #tpu.memory_space<vmem>>) target_semaphore(%arg8 : memref<!tpu.dma_semaphore, #tpu.memory_space<semaphore_mem>>)
      %slice3A_41 = vector.extract_strided_slice %get3A_23 {offsets = [1], sizes = [1], strides = [1]} : vector<16xi32> to vector<1xi32>
      %squeeze3A_42 = vector.extract %slice3A_41[0] : i32 from vector<1xi32>
      %shift_right_arithmetic3A_43 = arith.constant 3 : i32
      %shift_right_arithmetic3A_44 = arith.shrsi %squeeze3A_42, %shift_right_arithmetic3A_43 : i32
      %and3A_45 = arith.constant 7 : i32
      %and3A_46 = arith.andi %squeeze3A_42, %and3A_45 : i32
      %mul3A_47 = arith.constant 8 : i32
      %mul3A_48 = arith.muli %scan3A_16, %mul3A_47 : i32
      %add3A_49 = arith.constant 0 : i32
      %add3A_50 = arith.addi %mul3A_48, %add3A_49 : i32
      %dma_start3A_51 = arith.constant 64 : i32
      %dma_start3A_52 = tpu.memref_slice %arg6[%add3A_50, %dma_start3A_51] : memref<64x128xf32, #tpu.memory_space<vmem>> -> memref<1x64xf32, #tpu.memory_space<vmem>>
      %dma_start3A_53 = tpu.memref_squeeze %dma_start3A_52 : memref<1x64xf32, #tpu.memory_space<vmem>> -> memref<64xf32, #tpu.memory_space<vmem>>
      %dma_start3A_54 = arith.constant 0 : i32
      %dma_start3A_55 = tpu.memref_slice %arg3[%shift_right_arithmetic3A_44, %and3A_46, %dma_start3A_54] : memref<125000x8x64xf32, #tpu.memory_space<hbm>> -> memref<1x1x64xf32, #tpu.memory_space<hbm>>
      %dma_start3A_56 = tpu.memref_squeeze %dma_start3A_55 : memref<1x1x64xf32, #tpu.memory_space<hbm>> -> memref<64xf32, #tpu.memory_space<hbm>>
      %dma_start3A_57 = arith.constant 64 : i32
      %dma_start3A_58 = tpu.memref_slice %arg6[%add3A_50, %dma_start3A_57] : memref<64x128xf32, #tpu.memory_space<vmem>> -> memref<1x64xf32, #tpu.memory_space<vmem>>
      %dma_start3A_59 = tpu.memref_squeeze %dma_start3A_58 : memref<1x64xf32, #tpu.memory_space<vmem>> -> memref<64xf32, #tpu.memory_space<vmem>>
      %dma_start3A_60 = arith.constant 0 : i32
      %dma_start3A_61 = tpu.memref_slice %arg3[%shift_right_arithmetic3A_44, %and3A_46, %dma_start3A_60] : memref<125000x8x64xf32, #tpu.memory_space<hbm>> -> memref<1x1x64xf32, #tpu.memory_space<hbm>>
      %dma_start3A_62 = tpu.memref_squeeze %dma_start3A_61 : memref<1x1x64xf32, #tpu.memory_space<hbm>> -> memref<64xf32, #tpu.memory_space<hbm>>
      tpu.enqueue_dma source(%dma_start3A_62 : memref<64xf32, #tpu.memory_space<hbm>>) target(%dma_start3A_59 : memref<64xf32, #tpu.memory_space<vmem>>) target_semaphore(%arg8 : memref<!tpu.dma_semaphore, #tpu.memory_space<semaphore_mem>>)
      %slice3A_63 = vector.extract_strided_slice %get3A_23 {offsets = [2], sizes = [1], strides = [1]} : vector<16xi32> to vector<1xi32>
      %squeeze3A_64 = vector.extract %slice3A_63[0] : i32 from vector<1xi32>
      %shift_right_arithmetic3A_65 = arith.constant 3 : i32
      %shift_right_arithmetic3A_66 = arith.shrsi %squeeze3A_64, %shift_right_arithmetic3A_65 : i32
      %and3A_67 = arith.constant 7 : i32
      %and3A_68 = arith.andi %squeeze3A_64, %and3A_67 : i32
      %mul3A_69 = arith.constant 8 : i32
      %mul3A_70 = arith.muli %scan3A_16, %mul3A_69 : i32
      %add3A_71 = arith.constant 1 : i32
      %add3A_72 = arith.addi %mul3A_70, %add3A_71 : i32
      %dma_start3A_73 = arith.constant 0 : i32
      %dma_start3A_74 = tpu.memref_slice %arg6[%add3A_72, %dma_start3A_73] : memref<64x128xf32, #tpu.memory_space<vmem>> -> memref<1x64xf32, #tpu.memory_space<vmem>>
      %dma_start3A_75 = tpu.memref_squeeze %dma_start3A_74 : memref<1x64xf32, #tpu.memory_space<vmem>> -> memref<64xf32, #tpu.memory_space<vmem>>
      %dma_start3A_76 = arith.constant 0 : i32
      %dma_start3A_77 = tpu.memref_slice %arg3[%shift_right_arithmetic3A_66, %and3A_68, %dma_start3A_76] : memref<125000x8x64xf32, #tpu.memory_space<hbm>> -> memref<1x1x64xf32, #tpu.memory_space<hbm>>
      %dma_start3A_78 = tpu.memref_squeeze %dma_start3A_77 : memref<1x1x64xf32, #tpu.memory_space<hbm>> -> memref<64xf32, #tpu.memory_space<hbm>>
      %dma_start3A_79 = arith.constant 0 : i32
      %dma_start3A_80 = tpu.memref_slice %arg6[%add3A_72, %dma_start3A_79] : memref<64x128xf32, #tpu.memory_space<vmem>> -> memref<1x64xf32, #tpu.memory_space<vmem>>
      %dma_start3A_81 = tpu.memref_squeeze %dma_start3A_80 : memref<1x64xf32, #tpu.memory_space<vmem>> -> memref<64xf32, #tpu.memory_space<vmem>>
      %dma_start3A_82 = arith.constant 0 : i32
      %dma_start3A_83 = tpu.memref_slice %arg3[%shift_right_arithmetic3A_66, %and3A_68, %dma_start3A_82] : memref<125000x8x64xf32, #tpu.memory_space<hbm>> -> memref<1x1x64xf32, #tpu.memory_space<hbm>>
      %dma_start3A_84 = tpu.memref_squeeze %dma_start3A_83 : memref<1x1x64xf32, #tpu.memory_space<hbm>> -> memref<64xf32, #tpu.memory_space<hbm>>
      tpu.enqueue_dma source(%dma_start3A_84 : memref<64xf32, #tpu.memory_space<hbm>>) target(%dma_start3A_81 : memref<64xf32, #tpu.memory_space<vmem>>) target_semaphore(%arg8 : memref<!tpu.dma_semaphore, #tpu.memory_space<semaphore_mem>>)
      %slice3A_85 = vector.extract_strided_slice %get3A_23 {offsets = [3], sizes = [1], strides = [1]} : vector<16xi32> to vector<1xi32>
      %squeeze3A_86 = vector.extract %slice3A_85[0] : i32 from vector<1xi32>
      %shift_right_arithmetic3A_87 = arith.constant 3 : i32
      %shift_right_arithmetic3A_88 = arith.shrsi %squeeze3A_86, %shift_right_arithmetic3A_87 : i32
      %and3A_89 = arith.constant 7 : i32
      %and3A_90 = arith.andi %squeeze3A_86, %and3A_89 : i32
      %mul3A_91 = arith.constant 8 : i32
      %mul3A_92 = arith.muli %scan3A_16, %mul3A_91 : i32
      %add3A_93 = arith.constant 1 : i32
      %add3A_94 = arith.addi %mul3A_92, %add3A_93 : i32
      %dma_start3A_95 = arith.constant 64 : i32
      %dma_start3A_96 = tpu.memref_slice %arg6[%add3A_94, %dma_start3A_95] : memref<64x128xf32, #tpu.memory_space<vmem>> -> memref<1x64xf32, #tpu.memory_space<vmem>>
      %dma_start3A_97 = tpu.memref_squeeze %dma_start3A_96 : memref<1x64xf32, #tpu.memory_space<vmem>> -> memref<64xf32, #tpu.memory_space<vmem>>
      %dma_start3A_98 = arith.constant 0 : i32
      %dma_start3A_99 = tpu.memref_slice %arg3[%shift_right_arithmetic3A_88, %and3A_90, %dma_start3A_98] : memref<125000x8x64xf32, #tpu.memory_space<hbm>> -> memref<1x1x64xf32, #tpu.memory_space<hbm>>
      %dma_start3A_100 = tpu.memref_squeeze %dma_start3A_99 : memref<1x1x64xf32, #tpu.memory_space<hbm>> -> memref<64xf32, #tpu.memory_space<hbm>>
      %dma_start3A_101 = arith.constant 64 : i32
      %dma_start3A_102 = tpu.memref_slice %arg6[%add3A_94, %dma_start3A_101] : memref<64x128xf32, #tpu.memory_space<vmem>> -> memref<1x64xf32, #tpu.memory_space<vmem>>
      %dma_start3A_103 = tpu.memref_squeeze %dma_start3A_102 : memref<1x64xf32, #tpu.memory_space<vmem>> -> memref<64xf32, #tpu.memory_space<vmem>>
      %dma_start3A_104 = arith.constant 0 : i32
      %dma_start3A_105 = tpu.memref_slice %arg3[%shift_right_arithmetic3A_88, %and3A_90, %dma_start3A_104] : memref<125000x8x64xf32, #tpu.memory_space<hbm>> -> memref<1x1x64xf32, #tpu.memory_space<hbm>>
      %dma_start3A_106 = tpu.memref_squeeze %dma_start3A_105 : memref<1x1x64xf32, #tpu.memory_space<hbm>> -> memref<64xf32, #tpu.memory_space<hbm>>
      tpu.enqueue_dma source(%dma_start3A_106 : memref<64xf32, #tpu.memory_space<hbm>>) target(%dma_start3A_103 : memref<64xf32, #tpu.memory_space<vmem>>) target_semaphore(%arg8 : memref<!tpu.dma_semaphore, #tpu.memory_space<semaphore_mem>>)
      %slice3A_107 = vector.extract_strided_slice %get3A_23 {offsets = [4], sizes = [1], strides = [1]} : vector<16xi32> to vector<1xi32>
      %squeeze3A_108 = vector.extract %slice3A_107[0] : i32 from vector<1xi32>
      %shift_right_arithmetic3A_109 = arith.constant 3 : i32
      %shift_right_arithmetic3A_110 = arith.shrsi %squeeze3A_108, %shift_right_arithmetic3A_109 : i32
      %and3A_111 = arith.constant 7 : i32
      %and3A_112 = arith.andi %squeeze3A_108, %and3A_111 : i32
      %mul3A_113 = arith.constant 8 : i32
      %mul3A_114 = arith.muli %scan3A_16, %mul3A_113 : i32
      %add3A_115 = arith.constant 2 : i32
      %add3A_116 = arith.addi %mul3A_114, %add3A_115 : i32
      %dma_start3A_117 = arith.constant 0 : i32
      %dma_start3A_118 = tpu.memref_slice %arg6[%add3A_116, %dma_start3A_117] : memref<64x128xf32, #tpu.memory_space<vmem>> -> memref<1x64xf32, #tpu.memory_space<vmem>>
      %dma_start3A_119 = tpu.memref_squeeze %dma_start3A_118 : memref<1x64xf32, #tpu.memory_space<vmem>> -> memref<64xf32, #tpu.memory_space<vmem>>
      %dma_start3A_120 = arith.constant 0 : i32
      %dma_start3A_121 = tpu.memref_slice %arg3[%shift_right_arithmetic3A_110, %and3A_112, %dma_start3A_120] : memref<125000x8x64xf32, #tpu.memory_space<hbm>> -> memref<1x1x64xf32, #tpu.memory_space<hbm>>
      %dma_start3A_122 = tpu.memref_squeeze %dma_start3A_121 : memref<1x1x64xf32, #tpu.memory_space<hbm>> -> memref<64xf32, #tpu.memory_space<hbm>>
      %dma_start3A_123 = arith.constant 0 : i32
      %dma_start3A_124 = tpu.memref_slice %arg6[%add3A_116, %dma_start3A_123] : memref<64x128xf32, #tpu.memory_space<vmem>> -> memref<1x64xf32, #tpu.memory_space<vmem>>
      %dma_start3A_125 = tpu.memref_squeeze %dma_start3A_124 : memref<1x64xf32, #tpu.memory_space<vmem>> -> memref<64xf32, #tpu.memory_space<vmem>>
      %dma_start3A_126 = arith.constant 0 : i32
      %dma_start3A_127 = tpu.memref_slice %arg3[%shift_right_arithmetic3A_110, %and3A_112, %dma_start3A_126] : memref<125000x8x64xf32, #tpu.memory_space<hbm>> -> memref<1x1x64xf32, #tpu.memory_space<hbm>>
      %dma_start3A_128 = tpu.memref_squeeze %dma_start3A_127 : memref<1x1x64xf32, #tpu.memory_space<hbm>> -> memref<64xf32, #tpu.memory_space<hbm>>
      tpu.enqueue_dma source(%dma_start3A_128 : memref<64xf32, #tpu.memory_space<hbm>>) target(%dma_start3A_125 : memref<64xf32, #tpu.memory_space<vmem>>) target_semaphore(%arg8 : memref<!tpu.dma_semaphore, #tpu.memory_space<semaphore_mem>>)
      %slice3A_129 = vector.extract_strided_slice %get3A_23 {offsets = [5], sizes = [1], strides = [1]} : vector<16xi32> to vector<1xi32>
      %squeeze3A_130 = vector.extract %slice3A_129[0] : i32 from vector<1xi32>
      %shift_right_arithmetic3A_131 = arith.constant 3 : i32
      %shift_right_arithmetic3A_132 = arith.shrsi %squeeze3A_130, %shift_right_arithmetic3A_131 : i32
      %and3A_133 = arith.constant 7 : i32
      %and3A_134 = arith.andi %squeeze3A_130, %and3A_133 : i32
      %mul3A_135 = arith.constant 8 : i32
      %mul3A_136 = arith.muli %scan3A_16, %mul3A_135 : i32
      %add3A_137 = arith.constant 2 : i32
      %add3A_138 = arith.addi %mul3A_136, %add3A_137 : i32
      %dma_start3A_139 = arith.constant 64 : i32
      %dma_start3A_140 = tpu.memref_slice %arg6[%add3A_138, %dma_start3A_139] : memref<64x128xf32, #tpu.memory_space<vmem>> -> memref<1x64xf32, #tpu.memory_space<vmem>>
      %dma_start3A_141 = tpu.memref_squeeze %dma_start3A_140 : memref<1x64xf32, #tpu.memory_space<vmem>> -> memref<64xf32, #tpu.memory_space<vmem>>
      %dma_start3A_142 = arith.constant 0 : i32
      %dma_start3A_143 = tpu.memref_slice %arg3[%shift_right_arithmetic3A_132, %and3A_134, %dma_start3A_142] : memref<125000x8x64xf32, #tpu.memory_space<hbm>> -> memref<1x1x64xf32, #tpu.memory_space<hbm>>
      %dma_start3A_144 = tpu.memref_squeeze %dma_start3A_143 : memref<1x1x64xf32, #tpu.memory_space<hbm>> -> memref<64xf32, #tpu.memory_space<hbm>>
      %dma_start3A_145 = arith.constant 64 : i32
      %dma_start3A_146 = tpu.memref_slice %arg6[%add3A_138, %dma_start3A_145] : memref<64x128xf32, #tpu.memory_space<vmem>> -> memref<1x64xf32, #tpu.memory_space<vmem>>
      %dma_start3A_147 = tpu.memref_squeeze %dma_start3A_146 : memref<1x64xf32, #tpu.memory_space<vmem>> -> memref<64xf32, #tpu.memory_space<vmem>>
      %dma_start3A_148 = arith.constant 0 : i32
      %dma_start3A_149 = tpu.memref_slice %arg3[%shift_right_arithmetic3A_132, %and3A_134, %dma_start3A_148] : memref<125000x8x64xf32, #tpu.memory_space<hbm>> -> memref<1x1x64xf32, #tpu.memory_space<hbm>>
      %dma_start3A_150 = tpu.memref_squeeze %dma_start3A_149 : memref<1x1x64xf32, #tpu.memory_space<hbm>> -> memref<64xf32, #tpu.memory_space<hbm>>
      tpu.enqueue_dma source(%dma_start3A_150 : memref<64xf32, #tpu.memory_space<hbm>>) target(%dma_start3A_147 : memref<64xf32, #tpu.memory_space<vmem>>) target_semaphore(%arg8 : memref<!tpu.dma_semaphore, #tpu.memory_space<semaphore_mem>>)
      %slice3A_151 = vector.extract_strided_slice %get3A_23 {offsets = [6], sizes = [1], strides = [1]} : vector<16xi32> to vector<1xi32>
      %squeeze3A_152 = vector.extract %slice3A_151[0] : i32 from vector<1xi32>
      %shift_right_arithmetic3A_153 = arith.constant 3 : i32
      %shift_right_arithmetic3A_154 = arith.shrsi %squeeze3A_152, %shift_right_arithmetic3A_153 : i32
      %and3A_155 = arith.constant 7 : i32
      %and3A_156 = arith.andi %squeeze3A_152, %and3A_155 : i32
      %mul3A_157 = arith.constant 8 : i32
      %mul3A_158 = arith.muli %scan3A_16, %mul3A_157 : i32
      %add3A_159 = arith.constant 3 : i32
      %add3A_160 = arith.addi %mul3A_158, %add3A_159 : i32
      %dma_start3A_161 = arith.constant 0 : i32
      %dma_start3A_162 = tpu.memref_slice %arg6[%add3A_160, %dma_start3A_161] : memref<64x128xf32, #tpu.memory_space<vmem>> -> memref<1x64xf32, #tpu.memory_space<vmem>>
      %dma_start3A_163 = tpu.memref_squeeze %dma_start3A_162 : memref<1x64xf32, #tpu.memory_space<vmem>> -> memref<64xf32, #tpu.memory_space<vmem>>
      %dma_start3A_164 = arith.constant 0 : i32
      %dma_start3A_165 = tpu.memref_slice %arg3[%shift_right_arithmetic3A_154, %and3A_156, %dma_start3A_164] : memref<125000x8x64xf32, #tpu.memory_space<hbm>> -> memref<1x1x64xf32, #tpu.memory_space<hbm>>
      %dma_start3A_166 = tpu.memref_squeeze %dma_start3A_165 : memref<1x1x64xf32, #tpu.memory_space<hbm>> -> memref<64xf32, #tpu.memory_space<hbm>>
      %dma_start3A_167 = arith.constant 0 : i32
      %dma_start3A_168 = tpu.memref_slice %arg6[%add3A_160, %dma_start3A_167] : memref<64x128xf32, #tpu.memory_space<vmem>> -> memref<1x64xf32, #tpu.memory_space<vmem>>
      %dma_start3A_169 = tpu.memref_squeeze %dma_start3A_168 : memref<1x64xf32, #tpu.memory_space<vmem>> -> memref<64xf32, #tpu.memory_space<vmem>>
      %dma_start3A_170 = arith.constant 0 : i32
      %dma_start3A_171 = tpu.memref_slice %arg3[%shift_right_arithmetic3A_154, %and3A_156, %dma_start3A_170] : memref<125000x8x64xf32, #tpu.memory_space<hbm>> -> memref<1x1x64xf32, #tpu.memory_space<hbm>>
      %dma_start3A_172 = tpu.memref_squeeze %dma_start3A_171 : memref<1x1x64xf32, #tpu.memory_space<hbm>> -> memref<64xf32, #tpu.memory_space<hbm>>
      tpu.enqueue_dma source(%dma_start3A_172 : memref<64xf32, #tpu.memory_space<hbm>>) target(%dma_start3A_169 : memref<64xf32, #tpu.memory_space<vmem>>) target_semaphore(%arg8 : memref<!tpu.dma_semaphore, #tpu.memory_space<semaphore_mem>>)
      %slice3A_173 = vector.extract_strided_slice %get3A_23 {offsets = [7], sizes = [1], strides = [1]} : vector<16xi32> to vector<1xi32>
      %squeeze3A_174 = vector.extract %slice3A_173[0] : i32 from vector<1xi32>
      %shift_right_arithmetic3A_175 = arith.constant 3 : i32
      %shift_right_arithmetic3A_176 = arith.shrsi %squeeze3A_174, %shift_right_arithmetic3A_175 : i32
      %and3A_177 = arith.constant 7 : i32
      %and3A_178 = arith.andi %squeeze3A_174, %and3A_177 : i32
      %mul3A_179 = arith.constant 8 : i32
      %mul3A_180 = arith.muli %scan3A_16, %mul3A_179 : i32
      %add3A_181 = arith.constant 3 : i32
      %add3A_182 = arith.addi %mul3A_180, %add3A_181 : i32
      %dma_start3A_183 = arith.constant 64 : i32
      %dma_start3A_184 = tpu.memref_slice %arg6[%add3A_182, %dma_start3A_183] : memref<64x128xf32, #tpu.memory_space<vmem>> -> memref<1x64xf32, #tpu.memory_space<vmem>>
      %dma_start3A_185 = tpu.memref_squeeze %dma_start3A_184 : memref<1x64xf32, #tpu.memory_space<vmem>> -> memref<64xf32, #tpu.memory_space<vmem>>
      %dma_start3A_186 = arith.constant 0 : i32
      %dma_start3A_187 = tpu.memref_slice %arg3[%shift_right_arithmetic3A_176, %and3A_178, %dma_start3A_186] : memref<125000x8x64xf32, #tpu.memory_space<hbm>> -> memref<1x1x64xf32, #tpu.memory_space<hbm>>
      %dma_start3A_188 = tpu.memref_squeeze %dma_start3A_187 : memref<1x1x64xf32, #tpu.memory_space<hbm>> -> memref<64xf32, #tpu.memory_space<hbm>>
      %dma_start3A_189 = arith.constant 64 : i32
      %dma_start3A_190 = tpu.memref_slice %arg6[%add3A_182, %dma_start3A_189] : memref<64x128xf32, #tpu.memory_space<vmem>> -> memref<1x64xf32, #tpu.memory_space<vmem>>
      %dma_start3A_191 = tpu.memref_squeeze %dma_start3A_190 : memref<1x64xf32, #tpu.memory_space<vmem>> -> memref<64xf32, #tpu.memory_space<vmem>>
      %dma_start3A_192 = arith.constant 0 : i32
      %dma_start3A_193 = tpu.memref_slice %arg3[%shift_right_arithmetic3A_176, %and3A_178, %dma_start3A_192] : memref<125000x8x64xf32, #tpu.memory_space<hbm>> -> memref<1x1x64xf32, #tpu.memory_space<hbm>>
      %dma_start3A_194 = tpu.memref_squeeze %dma_start3A_193 : memref<1x1x64xf32, #tpu.memory_space<hbm>> -> memref<64xf32, #tpu.memory_space<hbm>>
      tpu.enqueue_dma source(%dma_start3A_194 : memref<64xf32, #tpu.memory_space<hbm>>) target(%dma_start3A_191 : memref<64xf32, #tpu.memory_space<vmem>>) target_semaphore(%arg8 : memref<!tpu.dma_semaphore, #tpu.memory_space<semaphore_mem>>)
      %slice3A_195 = vector.extract_strided_slice %get3A_23 {offsets = [8], sizes = [1], strides = [1]} : vector<16xi32> to vector<1xi32>
      %squeeze3A_196 = vector.extract %slice3A_195[0] : i32 from vector<1xi32>
      %shift_right_arithmetic3A_197 = arith.constant 3 : i32
      %shift_right_arithmetic3A_198 = arith.shrsi %squeeze3A_196, %shift_right_arithmetic3A_197 : i32
      %and3A_199 = arith.constant 7 : i32
      %and3A_200 = arith.andi %squeeze3A_196, %and3A_199 : i32
      %mul3A_201 = arith.constant 8 : i32
      %mul3A_202 = arith.muli %scan3A_16, %mul3A_201 : i32
      %add3A_203 = arith.constant 4 : i32
      %add3A_204 = arith.addi %mul3A_202, %add3A_203 : i32
      %dma_start3A_205 = arith.constant 0 : i32
      %dma_start3A_206 = tpu.memref_slice %arg6[%add3A_204, %dma_start3A_205] : memref<64x128xf32, #tpu.memory_space<vmem>> -> memref<1x64xf32, #tpu.memory_space<vmem>>
      %dma_start3A_207 = tpu.memref_squeeze %dma_start3A_206 : memref<1x64xf32, #tpu.memory_space<vmem>> -> memref<64xf32, #tpu.memory_space<vmem>>
      %dma_start3A_208 = arith.constant 0 : i32
      %dma_start3A_209 = tpu.memref_slice %arg3[%shift_right_arithmetic3A_198, %and3A_200, %dma_start3A_208] : memref<125000x8x64xf32, #tpu.memory_space<hbm>> -> memref<1x1x64xf32, #tpu.memory_space<hbm>>
      %dma_start3A_210 = tpu.memref_squeeze %dma_start3A_209 : memref<1x1x64xf32, #tpu.memory_space<hbm>> -> memref<64xf32, #tpu.memory_space<hbm>>
      %dma_start3A_211 = arith.constant 0 : i32
      %dma_start3A_212 = tpu.memref_slice %arg6[%add3A_204, %dma_start3A_211] : memref<64x128xf32, #tpu.memory_space<vmem>> -> memref<1x64xf32, #tpu.memory_space<vmem>>
      %dma_start3A_213 = tpu.memref_squeeze %dma_start3A_212 : memref<1x64xf32, #tpu.memory_space<vmem>> -> memref<64xf32, #tpu.memory_space<vmem>>
      %dma_start3A_214 = arith.constant 0 : i32
      %dma_start3A_215 = tpu.memref_slice %arg3[%shift_right_arithmetic3A_198, %and3A_200, %dma_start3A_214] : memref<125000x8x64xf32, #tpu.memory_space<hbm>> -> memref<1x1x64xf32, #tpu.memory_space<hbm>>
      %dma_start3A_216 = tpu.memref_squeeze %dma_start3A_215 : memref<1x1x64xf32, #tpu.memory_space<hbm>> -> memref<64xf32, #tpu.memory_space<hbm>>
      tpu.enqueue_dma source(%dma_start3A_216 : memref<64xf32, #tpu.memory_space<hbm>>) target(%dma_start3A_213 : memref<64xf32, #tpu.memory_space<vmem>>) target_semaphore(%arg8 : memref<!tpu.dma_semaphore, #tpu.memory_space<semaphore_mem>>)
      %slice3A_217 = vector.extract_strided_slice %get3A_23 {offsets = [9], sizes = [1], strides = [1]} : vector<16xi32> to vector<1xi32>
      %squeeze3A_218 = vector.extract %slice3A_217[0] : i32 from vector<1xi32>
      %shift_right_arithmetic3A_219 = arith.constant 3 : i32
      %shift_right_arithmetic3A_220 = arith.shrsi %squeeze3A_218, %shift_right_arithmetic3A_219 : i32
      %and3A_221 = arith.constant 7 : i32
      %and3A_222 = arith.andi %squeeze3A_218, %and3A_221 : i32
      %mul3A_223 = arith.constant 8 : i32
      %mul3A_224 = arith.muli %scan3A_16, %mul3A_223 : i32
      %add3A_225 = arith.constant 4 : i32
      %add3A_226 = arith.addi %mul3A_224, %add3A_225 : i32
      %dma_start3A_227 = arith.constant 64 : i32
      %dma_start3A_228 = tpu.memref_slice %arg6[%add3A_226, %dma_start3A_227] : memref<64x128xf32, #tpu.memory_space<vmem>> -> memref<1x64xf32, #tpu.memory_space<vmem>>
      %dma_start3A_229 = tpu.memref_squeeze %dma_start3A_228 : memref<1x64xf32, #tpu.memory_space<vmem>> -> memref<64xf32, #tpu.memory_space<vmem>>
      %dma_start3A_230 = arith.constant 0 : i32
      %dma_start3A_231 = tpu.memref_slice %arg3[%shift_right_arithmetic3A_220, %and3A_222, %dma_start3A_230] : memref<125000x8x64xf32, #tpu.memory_space<hbm>> -> memref<1x1x64xf32, #tpu.memory_space<hbm>>
      %dma_start3A_232 = tpu.memref_squeeze %dma_start3A_231 : memref<1x1x64xf32, #tpu.memory_space<hbm>> -> memref<64xf32, #tpu.memory_space<hbm>>
      %dma_start3A_233 = arith.constant 64 : i32
      %dma_start3A_234 = tpu.memref_slice %arg6[%add3A_226, %dma_start3A_233] : memref<64x128xf32, #tpu.memory_space<vmem>> -> memref<1x64xf32, #tpu.memory_space<vmem>>
      %dma_start3A_235 = tpu.memref_squeeze %dma_start3A_234 : memref<1x64xf32, #tpu.memory_space<vmem>> -> memref<64xf32, #tpu.memory_space<vmem>>
      %dma_start3A_236 = arith.constant 0 : i32
      %dma_start3A_237 = tpu.memref_slice %arg3[%shift_right_arithmetic3A_220, %and3A_222, %dma_start3A_236] : memref<125000x8x64xf32, #tpu.memory_space<hbm>> -> memref<1x1x64xf32, #tpu.memory_space<hbm>>
      %dma_start3A_238 = tpu.memref_squeeze %dma_start3A_237 : memref<1x1x64xf32, #tpu.memory_space<hbm>> -> memref<64xf32, #tpu.memory_space<hbm>>
      tpu.enqueue_dma source(%dma_start3A_238 : memref<64xf32, #tpu.memory_space<hbm>>) target(%dma_start3A_235 : memref<64xf32, #tpu.memory_space<vmem>>) target_semaphore(%arg8 : memref<!tpu.dma_semaphore, #tpu.memory_space<semaphore_mem>>)
      %slice3A_239 = vector.extract_strided_slice %get3A_23 {offsets = [10], sizes = [1], strides = [1]} : vector<16xi32> to vector<1xi32>
      %squeeze3A_240 = vector.extract %slice3A_239[0] : i32 from vector<1xi32>
      %shift_right_arithmetic3A_241 = arith.constant 3 : i32
      %shift_right_arithmetic3A_242 = arith.shrsi %squeeze3A_240, %shift_right_arithmetic3A_241 : i32
      %and3A_243 = arith.constant 7 : i32
      %and3A_244 = arith.andi %squeeze3A_240, %and3A_243 : i32
      %mul3A_245 = arith.constant 8 : i32
      %mul3A_246 = arith.muli %scan3A_16, %mul3A_245 : i32
      %add3A_247 = arith.constant 5 : i32
      %add3A_248 = arith.addi %mul3A_246, %add3A_247 : i32
      %dma_start3A_249 = arith.constant 0 : i32
      %dma_start3A_250 = tpu.memref_slice %arg6[%add3A_248, %dma_start3A_249] : memref<64x128xf32, #tpu.memory_space<vmem>> -> memref<1x64xf32, #tpu.memory_space<vmem>>
      %dma_start3A_251 = tpu.memref_squeeze %dma_start3A_250 : memref<1x64xf32, #tpu.memory_space<vmem>> -> memref<64xf32, #tpu.memory_space<vmem>>
      %dma_start3A_252 = arith.constant 0 : i32
      %dma_start3A_253 = tpu.memref_slice %arg3[%shift_right_arithmetic3A_242, %and3A_244, %dma_start3A_252] : memref<125000x8x64xf32, #tpu.memory_space<hbm>> -> memref<1x1x64xf32, #tpu.memory_space<hbm>>
      %dma_start3A_254 = tpu.memref_squeeze %dma_start3A_253 : memref<1x1x64xf32, #tpu.memory_space<hbm>> -> memref<64xf32, #tpu.memory_space<hbm>>
      %dma_start3A_255 = arith.constant 0 : i32
      %dma_start3A_256 = tpu.memref_slice %arg6[%add3A_248, %dma_start3A_255] : memref<64x128xf32, #tpu.memory_space<vmem>> -> memref<1x64xf32, #tpu.memory_space<vmem>>
      %dma_start3A_257 = tpu.memref_squeeze %dma_start3A_256 : memref<1x64xf32, #tpu.memory_space<vmem>> -> memref<64xf32, #tpu.memory_space<vmem>>
      %dma_start3A_258 = arith.constant 0 : i32
      %dma_start3A_259 = tpu.memref_slice %arg3[%shift_right_arithmetic3A_242, %and3A_244, %dma_start3A_258] : memref<125000x8x64xf32, #tpu.memory_space<hbm>> -> memref<1x1x64xf32, #tpu.memory_space<hbm>>
      %dma_start3A_260 = tpu.memref_squeeze %dma_start3A_259 : memref<1x1x64xf32, #tpu.memory_space<hbm>> -> memref<64xf32, #tpu.memory_space<hbm>>
      tpu.enqueue_dma source(%dma_start3A_260 : memref<64xf32, #tpu.memory_space<hbm>>) target(%dma_start3A_257 : memref<64xf32, #tpu.memory_space<vmem>>) target_semaphore(%arg8 : memref<!tpu.dma_semaphore, #tpu.memory_space<semaphore_mem>>)
      %slice3A_261 = vector.extract_strided_slice %get3A_23 {offsets = [11], sizes = [1], strides = [1]} : vector<16xi32> to vector<1xi32>
      %squeeze3A_262 = vector.extract %slice3A_261[0] : i32 from vector<1xi32>
      %shift_right_arithmetic3A_263 = arith.constant 3 : i32
      %shift_right_arithmetic3A_264 = arith.shrsi %squeeze3A_262, %shift_right_arithmetic3A_263 : i32
      %and3A_265 = arith.constant 7 : i32
      %and3A_266 = arith.andi %squeeze3A_262, %and3A_265 : i32
      %mul3A_267 = arith.constant 8 : i32
      %mul3A_268 = arith.muli %scan3A_16, %mul3A_267 : i32
      %add3A_269 = arith.constant 5 : i32
      %add3A_270 = arith.addi %mul3A_268, %add3A_269 : i32
      %dma_start3A_271 = arith.constant 64 : i32
      %dma_start3A_272 = tpu.memref_slice %arg6[%add3A_270, %dma_start3A_271] : memref<64x128xf32, #tpu.memory_space<vmem>> -> memref<1x64xf32, #tpu.memory_space<vmem>>
      %dma_start3A_273 = tpu.memref_squeeze %dma_start3A_272 : memref<1x64xf32, #tpu.memory_space<vmem>> -> memref<64xf32, #tpu.memory_space<vmem>>
      %dma_start3A_274 = arith.constant 0 : i32
      %dma_start3A_275 = tpu.memref_slice %arg3[%shift_right_arithmetic3A_264, %and3A_266, %dma_start3A_274] : memref<125000x8x64xf32, #tpu.memory_space<hbm>> -> memref<1x1x64xf32, #tpu.memory_space<hbm>>
      %dma_start3A_276 = tpu.memref_squeeze %dma_start3A_275 : memref<1x1x64xf32, #tpu.memory_space<hbm>> -> memref<64xf32, #tpu.memory_space<hbm>>
      %dma_start3A_277 = arith.constant 64 : i32
      %dma_start3A_278 = tpu.memref_slice %arg6[%add3A_270, %dma_start3A_277] : memref<64x128xf32, #tpu.memory_space<vmem>> -> memref<1x64xf32, #tpu.memory_space<vmem>>
      %dma_start3A_279 = tpu.memref_squeeze %dma_start3A_278 : memref<1x64xf32, #tpu.memory_space<vmem>> -> memref<64xf32, #tpu.memory_space<vmem>>
      %dma_start3A_280 = arith.constant 0 : i32
      %dma_start3A_281 = tpu.memref_slice %arg3[%shift_right_arithmetic3A_264, %and3A_266, %dma_start3A_280] : memref<125000x8x64xf32, #tpu.memory_space<hbm>> -> memref<1x1x64xf32, #tpu.memory_space<hbm>>
      %dma_start3A_282 = tpu.memref_squeeze %dma_start3A_281 : memref<1x1x64xf32, #tpu.memory_space<hbm>> -> memref<64xf32, #tpu.memory_space<hbm>>
      tpu.enqueue_dma source(%dma_start3A_282 : memref<64xf32, #tpu.memory_space<hbm>>) target(%dma_start3A_279 : memref<64xf32, #tpu.memory_space<vmem>>) target_semaphore(%arg8 : memref<!tpu.dma_semaphore, #tpu.memory_space<semaphore_mem>>)
      %slice3A_283 = vector.extract_strided_slice %get3A_23 {offsets = [12], sizes = [1], strides = [1]} : vector<16xi32> to vector<1xi32>
      %squeeze3A_284 = vector.extract %slice3A_283[0] : i32 from vector<1xi32>
      %shift_right_arithmetic3A_285 = arith.constant 3 : i32
      %shift_right_arithmetic3A_286 = arith.shrsi %squeeze3A_284, %shift_right_arithmetic3A_285 : i32
      %and3A_287 = arith.constant 7 : i32
      %and3A_288 = arith.andi %squeeze3A_284, %and3A_287 : i32
      %mul3A_289 = arith.constant 8 : i32
      %mul3A_290 = arith.muli %scan3A_16, %mul3A_289 : i32
      %add3A_291 = arith.constant 6 : i32
      %add3A_292 = arith.addi %mul3A_290, %add3A_291 : i32
      %dma_start3A_293 = arith.constant 0 : i32
      %dma_start3A_294 = tpu.memref_slice %arg6[%add3A_292, %dma_start3A_293] : memref<64x128xf32, #tpu.memory_space<vmem>> -> memref<1x64xf32, #tpu.memory_space<vmem>>
      %dma_start3A_295 = tpu.memref_squeeze %dma_start3A_294 : memref<1x64xf32, #tpu.memory_space<vmem>> -> memref<64xf32, #tpu.memory_space<vmem>>
      %dma_start3A_296 = arith.constant 0 : i32
      %dma_start3A_297 = tpu.memref_slice %arg3[%shift_right_arithmetic3A_286, %and3A_288, %dma_start3A_296] : memref<125000x8x64xf32, #tpu.memory_space<hbm>> -> memref<1x1x64xf32, #tpu.memory_space<hbm>>
      %dma_start3A_298 = tpu.memref_squeeze %dma_start3A_297 : memref<1x1x64xf32, #tpu.memory_space<hbm>> -> memref<64xf32, #tpu.memory_space<hbm>>
      %dma_start3A_299 = arith.constant 0 : i32
      %dma_start3A_300 = tpu.memref_slice %arg6[%add3A_292, %dma_start3A_299] : memref<64x128xf32, #tpu.memory_space<vmem>> -> memref<1x64xf32, #tpu.memory_space<vmem>>
      %dma_start3A_301 = tpu.memref_squeeze %dma_start3A_300 : memref<1x64xf32, #tpu.memory_space<vmem>> -> memref<64xf32, #tpu.memory_space<vmem>>
      %dma_start3A_302 = arith.constant 0 : i32
      %dma_start3A_303 = tpu.memref_slice %arg3[%shift_right_arithmetic3A_286, %and3A_288, %dma_start3A_302] : memref<125000x8x64xf32, #tpu.memory_space<hbm>> -> memref<1x1x64xf32, #tpu.memory_space<hbm>>
      %dma_start3A_304 = tpu.memref_squeeze %dma_start3A_303 : memref<1x1x64xf32, #tpu.memory_space<hbm>> -> memref<64xf32, #tpu.memory_space<hbm>>
      tpu.enqueue_dma source(%dma_start3A_304 : memref<64xf32, #tpu.memory_space<hbm>>) target(%dma_start3A_301 : memref<64xf32, #tpu.memory_space<vmem>>) target_semaphore(%arg8 : memref<!tpu.dma_semaphore, #tpu.memory_space<semaphore_mem>>)
      %slice3A_305 = vector.extract_strided_slice %get3A_23 {offsets = [13], sizes = [1], strides = [1]} : vector<16xi32> to vector<1xi32>
      %squeeze3A_306 = vector.extract %slice3A_305[0] : i32 from vector<1xi32>
      %shift_right_arithmetic3A_307 = arith.constant 3 : i32
      %shift_right_arithmetic3A_308 = arith.shrsi %squeeze3A_306, %shift_right_arithmetic3A_307 : i32
      %and3A_309 = arith.constant 7 : i32
      %and3A_310 = arith.andi %squeeze3A_306, %and3A_309 : i32
      %mul3A_311 = arith.constant 8 : i32
      %mul3A_312 = arith.muli %scan3A_16, %mul3A_311 : i32
      %add3A_313 = arith.constant 6 : i32
      %add3A_314 = arith.addi %mul3A_312, %add3A_313 : i32
      %dma_start3A_315 = arith.constant 64 : i32
      %dma_start3A_316 = tpu.memref_slice %arg6[%add3A_314, %dma_start3A_315] : memref<64x128xf32, #tpu.memory_space<vmem>> -> memref<1x64xf32, #tpu.memory_space<vmem>>
      %dma_start3A_317 = tpu.memref_squeeze %dma_start3A_316 : memref<1x64xf32, #tpu.memory_space<vmem>> -> memref<64xf32, #tpu.memory_space<vmem>>
      %dma_start3A_318 = arith.constant 0 : i32
      %dma_start3A_319 = tpu.memref_slice %arg3[%shift_right_arithmetic3A_308, %and3A_310, %dma_start3A_318] : memref<125000x8x64xf32, #tpu.memory_space<hbm>> -> memref<1x1x64xf32, #tpu.memory_space<hbm>>
      %dma_start3A_320 = tpu.memref_squeeze %dma_start3A_319 : memref<1x1x64xf32, #tpu.memory_space<hbm>> -> memref<64xf32, #tpu.memory_space<hbm>>
      %dma_start3A_321 = arith.constant 64 : i32
      %dma_start3A_322 = tpu.memref_slice %arg6[%add3A_314, %dma_start3A_321] : memref<64x128xf32, #tpu.memory_space<vmem>> -> memref<1x64xf32, #tpu.memory_space<vmem>>
      %dma_start3A_323 = tpu.memref_squeeze %dma_start3A_322 : memref<1x64xf32, #tpu.memory_space<vmem>> -> memref<64xf32, #tpu.memory_space<vmem>>
      %dma_start3A_324 = arith.constant 0 : i32
      %dma_start3A_325 = tpu.memref_slice %arg3[%shift_right_arithmetic3A_308, %and3A_310, %dma_start3A_324] : memref<125000x8x64xf32, #tpu.memory_space<hbm>> -> memref<1x1x64xf32, #tpu.memory_space<hbm>>
      %dma_start3A_326 = tpu.memref_squeeze %dma_start3A_325 : memref<1x1x64xf32, #tpu.memory_space<hbm>> -> memref<64xf32, #tpu.memory_space<hbm>>
      tpu.enqueue_dma source(%dma_start3A_326 : memref<64xf32, #tpu.memory_space<hbm>>) target(%dma_start3A_323 : memref<64xf32, #tpu.memory_space<vmem>>) target_semaphore(%arg8 : memref<!tpu.dma_semaphore, #tpu.memory_space<semaphore_mem>>)
      %slice3A_327 = vector.extract_strided_slice %get3A_23 {offsets = [14], sizes = [1], strides = [1]} : vector<16xi32> to vector<1xi32>
      %squeeze3A_328 = vector.extract %slice3A_327[0] : i32 from vector<1xi32>
      %shift_right_arithmetic3A_329 = arith.constant 3 : i32
      %shift_right_arithmetic3A_330 = arith.shrsi %squeeze3A_328, %shift_right_arithmetic3A_329 : i32
      %and3A_331 = arith.constant 7 : i32
      %and3A_332 = arith.andi %squeeze3A_328, %and3A_331 : i32
      %mul3A_333 = arith.constant 8 : i32
      %mul3A_334 = arith.muli %scan3A_16, %mul3A_333 : i32
      %add3A_335 = arith.constant 7 : i32
      %add3A_336 = arith.addi %mul3A_334, %add3A_335 : i32
      %dma_start3A_337 = arith.constant 0 : i32
      %dma_start3A_338 = tpu.memref_slice %arg6[%add3A_336, %dma_start3A_337] : memref<64x128xf32, #tpu.memory_space<vmem>> -> memref<1x64xf32, #tpu.memory_space<vmem>>
      %dma_start3A_339 = tpu.memref_squeeze %dma_start3A_338 : memref<1x64xf32, #tpu.memory_space<vmem>> -> memref<64xf32, #tpu.memory_space<vmem>>
      %dma_start3A_340 = arith.constant 0 : i32
      %dma_start3A_341 = tpu.memref_slice %arg3[%shift_right_arithmetic3A_330, %and3A_332, %dma_start3A_340] : memref<125000x8x64xf32, #tpu.memory_space<hbm>> -> memref<1x1x64xf32, #tpu.memory_space<hbm>>
      %dma_start3A_342 = tpu.memref_squeeze %dma_start3A_341 : memref<1x1x64xf32, #tpu.memory_space<hbm>> -> memref<64xf32, #tpu.memory_space<hbm>>
      %dma_start3A_343 = arith.constant 0 : i32
      %dma_start3A_344 = tpu.memref_slice %arg6[%add3A_336, %dma_start3A_343] : memref<64x128xf32, #tpu.memory_space<vmem>> -> memref<1x64xf32, #tpu.memory_space<vmem>>
      %dma_start3A_345 = tpu.memref_squeeze %dma_start3A_344 : memref<1x64xf32, #tpu.memory_space<vmem>> -> memref<64xf32, #tpu.memory_space<vmem>>
      %dma_start3A_346 = arith.constant 0 : i32
      %dma_start3A_347 = tpu.memref_slice %arg3[%shift_right_arithmetic3A_330, %and3A_332, %dma_start3A_346] : memref<125000x8x64xf32, #tpu.memory_space<hbm>> -> memref<1x1x64xf32, #tpu.memory_space<hbm>>
      %dma_start3A_348 = tpu.memref_squeeze %dma_start3A_347 : memref<1x1x64xf32, #tpu.memory_space<hbm>> -> memref<64xf32, #tpu.memory_space<hbm>>
      tpu.enqueue_dma source(%dma_start3A_348 : memref<64xf32, #tpu.memory_space<hbm>>) target(%dma_start3A_345 : memref<64xf32, #tpu.memory_space<vmem>>) target_semaphore(%arg8 : memref<!tpu.dma_semaphore, #tpu.memory_space<semaphore_mem>>)
      %slice3A_349 = vector.extract_strided_slice %get3A_23 {offsets = [15], sizes = [1], strides = [1]} : vector<16xi32> to vector<1xi32>
      %squeeze3A_350 = vector.extract %slice3A_349[0] : i32 from vector<1xi32>
      %shift_right_arithmetic3A_351 = arith.constant 3 : i32
      %shift_right_arithmetic3A_352 = arith.shrsi %squeeze3A_350, %shift_right_arithmetic3A_351 : i32
      %and3A_353 = arith.constant 7 : i32
      %and3A_354 = arith.andi %squeeze3A_350, %and3A_353 : i32
      %mul3A_355 = arith.constant 8 : i32
      %mul3A_356 = arith.muli %scan3A_16, %mul3A_355 : i32
      %add3A_357 = arith.constant 7 : i32
      %add3A_358 = arith.addi %mul3A_356, %add3A_357 : i32
      %dma_start3A_359 = arith.constant 64 : i32
      %dma_start3A_360 = tpu.memref_slice %arg6[%add3A_358, %dma_start3A_359] : memref<64x128xf32, #tpu.memory_space<vmem>> -> memref<1x64xf32, #tpu.memory_space<vmem>>
      %dma_start3A_361 = tpu.memref_squeeze %dma_start3A_360 : memref<1x64xf32, #tpu.memory_space<vmem>> -> memref<64xf32, #tpu.memory_space<vmem>>
      %dma_start3A_362 = arith.constant 0 : i32
      %dma_start3A_363 = tpu.memref_slice %arg3[%shift_right_arithmetic3A_352, %and3A_354, %dma_start3A_362] : memref<125000x8x64xf32, #tpu.memory_space<hbm>> -> memref<1x1x64xf32, #tpu.memory_space<hbm>>
      %dma_start3A_364 = tpu.memref_squeeze %dma_start3A_363 : memref<1x1x64xf32, #tpu.memory_space<hbm>> -> memref<64xf32, #tpu.memory_space<hbm>>
      %dma_start3A_365 = arith.constant 64 : i32
      %dma_start3A_366 = tpu.memref_slice %arg6[%add3A_358, %dma_start3A_365] : memref<64x128xf32, #tpu.memory_space<vmem>> -> memref<1x64xf32, #tpu.memory_space<vmem>>
      %dma_start3A_367 = tpu.memref_squeeze %dma_start3A_366 : memref<1x64xf32, #tpu.memory_space<vmem>> -> memref<64xf32, #tpu.memory_space<vmem>>
      %dma_start3A_368 = arith.constant 0 : i32
      %dma_start3A_369 = tpu.memref_slice %arg3[%shift_right_arithmetic3A_352, %and3A_354, %dma_start3A_368] : memref<125000x8x64xf32, #tpu.memory_space<hbm>> -> memref<1x1x64xf32, #tpu.memory_space<hbm>>
      %dma_start3A_370 = tpu.memref_squeeze %dma_start3A_369 : memref<1x1x64xf32, #tpu.memory_space<hbm>> -> memref<64xf32, #tpu.memory_space<hbm>>
      tpu.enqueue_dma source(%dma_start3A_370 : memref<64xf32, #tpu.memory_space<hbm>>) target(%dma_start3A_367 : memref<64xf32, #tpu.memory_space<vmem>>) target_semaphore(%arg8 : memref<!tpu.dma_semaphore, #tpu.memory_space<semaphore_mem>>)
      %scan3A_371 = arith.constant 0 : i32
      scf.yield %scan3A_371 : i32
    }
    %scan3A_8 = arith.constant 8 : i32
    %scan3A_9 = arith.constant 0 : i32
    %scan3A_10 = arith.constant 0 : i32
    %scan3A_11 = arith.constant 50 : i32
    %scan3A_12 = arith.addi %scan3A_10, %scan3A_11 : i32
    %scan3A_13 = arith.constant 1 : i32
    %scan3A_14 = scf.for %scan3A_16 = %scan3A_10 to %scan3A_12 step %scan3A_13 iter_args(%scan3A_17 = %scan3A_9) -> (i32)  : i32 {
      %and3A = arith.constant 1 : i32
      %and3A_18 = arith.andi %scan3A_16, %and3A : i32
      %eq3A = arith.constant 0 : i32
      %eq3A_19 = arith.cmpi eq, %and3A_18, %eq3A : i32
      %convert_element_type3A = arith.extui %eq3A_19 : i1 to i32
      %cond3A = arith.constant 0 : i32
      %cond3A_20 = arith.cmpi ne, %convert_element_type3A, %cond3A : i32
      scf.if %cond3A_20 {
        %scan3A_29 = arith.constant 0 : i32
        %scan3A_30 = arith.constant 0 : i32
        %scan3A_31 = arith.constant 128 : i32
        %scan3A_32 = arith.addi %scan3A_30, %scan3A_31 : i32
        %scan3A_33 = arith.constant 1 : i32
        %scan3A_34 = scf.for %scan3A_43 = %scan3A_30 to %scan3A_32 step %scan3A_33 iter_args(%scan3A_44 = %scan3A_29) -> (i32)  : i32 {
          %dma_wait3A = arith.constant 0 : i32
          %dma_wait3A_45 = arith.constant 0 : i32
          %dma_wait3A_46 = arith.constant 0 : i32
          %dma_wait3A_47 = arith.constant 0 : i32
          %dma_wait3A_48 = tpu.memref_slice %arg6[%dma_wait3A_46, %dma_wait3A_47] : memref<64x128xf32, #tpu.memory_space<vmem>> -> memref<1x64xf32, #tpu.memory_space<vmem>>
          %dma_wait3A_49 = tpu.memref_squeeze %dma_wait3A_48 : memref<1x64xf32, #tpu.memory_space<vmem>> -> memref<64xf32, #tpu.memory_space<vmem>>
          %dma_wait3A_50 = arith.constant 0 : i32
          %dma_wait3A_51 = tpu.memref_slice %arg3[%dma_wait3A, %dma_wait3A_45, %dma_wait3A_50] : memref<125000x8x64xf32, #tpu.memory_space<hbm>> -> memref<1x1x64xf32, #tpu.memory_space<hbm>>
          %dma_wait3A_52 = tpu.memref_squeeze %dma_wait3A_51 : memref<1x1x64xf32, #tpu.memory_space<hbm>> -> memref<64xf32, #tpu.memory_space<hbm>>
          %dma_wait3A_53 = arith.constant 0 : i32
          %dma_wait3A_54 = tpu.memref_slice %arg6[%dma_wait3A_46, %dma_wait3A_53] : memref<64x128xf32, #tpu.memory_space<vmem>> -> memref<1x64xf32, #tpu.memory_space<vmem>>
          %dma_wait3A_55 = tpu.memref_squeeze %dma_wait3A_54 : memref<1x64xf32, #tpu.memory_space<vmem>> -> memref<64xf32, #tpu.memory_space<vmem>>
          %dma_wait3A_56 = arith.constant 0 : i32
          %dma_wait3A_57 = tpu.memref_slice %arg3[%dma_wait3A, %dma_wait3A_45, %dma_wait3A_56] : memref<125000x8x64xf32, #tpu.memory_space<hbm>> -> memref<1x1x64xf32, #tpu.memory_space<hbm>>
          %dma_wait3A_58 = tpu.memref_squeeze %dma_wait3A_57 : memref<1x1x64xf32, #tpu.memory_space<hbm>> -> memref<64xf32, #tpu.memory_space<hbm>>
          tpu.wait_dma2 semaphore(%arg8 : memref<!tpu.dma_semaphore, #tpu.memory_space<semaphore_mem>>) src(%dma_wait3A_58 : memref<64xf32, #tpu.memory_space<hbm>>) dst(%dma_wait3A_55 : memref<64xf32, #tpu.memory_space<vmem>>)
          %scan3A_59 = arith.constant 0 : i32
          scf.yield %scan3A_59 : i32
        }
        %scan3A_35 = arith.constant 128 : i32
        %lt3A = arith.constant 49 : i32
        %lt3A_36 = arith.cmpi slt, %scan3A_16, %lt3A : i32
        %convert_element_type3A_37 = arith.extui %lt3A_36 : i1 to i32
        %cond3A_38 = arith.constant 0 : i32
        %cond3A_39 = arith.cmpi ne, %convert_element_type3A_37, %cond3A_38 : i32
        scf.if %cond3A_39 {
          %add3A_43 = arith.constant 1 : i32
          %add3A_44 = arith.addi %scan3A_16, %add3A_43 : i32
          %scan3A_45 = arith.constant 0 : i32
          %scan3A_46 = arith.constant 0 : i32
          %scan3A_47 = arith.constant 8 : i32
          %scan3A_48 = arith.addi %scan3A_46, %scan3A_47 : i32
          %scan3A_49 = arith.constant 1 : i32
          %scan3A_50 = scf.for %scan3A_52 = %scan3A_46 to %scan3A_48 step %scan3A_49 iter_args(%scan3A_53 = %scan3A_45) -> (i32)  : i32 {
            %mul3A_54 = arith.constant 16 : i32
            %mul3A_55 = arith.muli %scan3A_52, %mul3A_54 : i32
            %get3A = arith.index_cast %add3A_44 : i32 to index
            %get3A_56 = arith.index_cast %mul3A_55 : i32 to index
            %get3A_57 = tpu.vector_load %arg5[%get3A, %get3A_56] {strides = array<i32>} : memref<50x128xi32, #tpu.memory_space<vmem>>, vector<1x16xi32>,
            %get3A_58 = vector.shape_cast %get3A_57 : vector<1x16xi32> to vector<16xi32>
            %slice3A = vector.extract_strided_slice %get3A_58 {offsets = [0], sizes = [1], strides = [1]} : vector<16xi32> to vector<1xi32>
            %squeeze3A = vector.extract %slice3A[0] : i32 from vector<1xi32>
            %shift_right_arithmetic3A = arith.constant 3 : i32
            %shift_right_arithmetic3A_59 = arith.shrsi %squeeze3A, %shift_right_arithmetic3A : i32
            %and3A_60 = arith.constant 7 : i32
            %and3A_61 = arith.andi %squeeze3A, %and3A_60 : i32
            %mul3A_62 = arith.constant 8 : i32
            %mul3A_63 = arith.muli %scan3A_52, %mul3A_62 : i32
            %add3A_64 = arith.constant 0 : i32
            %add3A_65 = arith.addi %mul3A_63, %add3A_64 : i32
            %dma_start3A = arith.constant 0 : i32
            %dma_start3A_66 = tpu.memref_slice %arg7[%add3A_65, %dma_start3A] : memref<64x128xf32, #tpu.memory_space<vmem>> -> memref<1x64xf32, #tpu.memory_space<vmem>>
            %dma_start3A_67 = tpu.memref_squeeze %dma_start3A_66 : memref<1x64xf32, #tpu.memory_space<vmem>> -> memref<64xf32, #tpu.memory_space<vmem>>
            %dma_start3A_68 = arith.constant 0 : i32
            %dma_start3A_69 = tpu.memref_slice %arg3[%shift_right_arithmetic3A_59, %and3A_61, %dma_start3A_68] : memref<125000x8x64xf32, #tpu.memory_space<hbm>> -> memref<1x1x64xf32, #tpu.memory_space<hbm>>
            %dma_start3A_70 = tpu.memref_squeeze %dma_start3A_69 : memref<1x1x64xf32, #tpu.memory_space<hbm>> -> memref<64xf32, #tpu.memory_space<hbm>>
            %dma_start3A_71 = arith.constant 0 : i32
            %dma_start3A_72 = tpu.memref_slice %arg7[%add3A_65, %dma_start3A_71] : memref<64x128xf32, #tpu.memory_space<vmem>> -> memref<1x64xf32, #tpu.memory_space<vmem>>
            %dma_start3A_73 = tpu.memref_squeeze %dma_start3A_72 : memref<1x64xf32, #tpu.memory_space<vmem>> -> memref<64xf32, #tpu.memory_space<vmem>>
            %dma_start3A_74 = arith.constant 0 : i32
            %dma_start3A_75 = tpu.memref_slice %arg3[%shift_right_arithmetic3A_59, %and3A_61, %dma_start3A_74] : memref<125000x8x64xf32, #tpu.memory_space<hbm>> -> memref<1x1x64xf32, #tpu.memory_space<hbm>>
            %dma_start3A_76 = tpu.memref_squeeze %dma_start3A_75 : memref<1x1x64xf32, #tpu.memory_space<hbm>> -> memref<64xf32, #tpu.memory_space<hbm>>
            tpu.enqueue_dma source(%dma_start3A_76 : memref<64xf32, #tpu.memory_space<hbm>>) target(%dma_start3A_73 : memref<64xf32, #tpu.memory_space<vmem>>) target_semaphore(%arg9 : memref<!tpu.dma_semaphore, #tpu.memory_space<semaphore_mem>>)
            %slice3A_77 = vector.extract_strided_slice %get3A_58 {offsets = [1], sizes = [1], strides = [1]} : vector<16xi32> to vector<1xi32>
            %squeeze3A_78 = vector.extract %slice3A_77[0] : i32 from vector<1xi32>
            %shift_right_arithmetic3A_79 = arith.constant 3 : i32
            %shift_right_arithmetic3A_80 = arith.shrsi %squeeze3A_78, %shift_right_arithmetic3A_79 : i32
            %and3A_81 = arith.constant 7 : i32
            %and3A_82 = arith.andi %squeeze3A_78, %and3A_81 : i32
            %mul3A_83 = arith.constant 8 : i32
            %mul3A_84 = arith.muli %scan3A_52, %mul3A_83 : i32
            %add3A_85 = arith.constant 0 : i32
            %add3A_86 = arith.addi %mul3A_84, %add3A_85 : i32
            %dma_start3A_87 = arith.constant 64 : i32
            %dma_start3A_88 = tpu.memref_slice %arg7[%add3A_86, %dma_start3A_87] : memref<64x128xf32, #tpu.memory_space<vmem>> -> memref<1x64xf32, #tpu.memory_space<vmem>>
            %dma_start3A_89 = tpu.memref_squeeze %dma_start3A_88 : memref<1x64xf32, #tpu.memory_space<vmem>> -> memref<64xf32, #tpu.memory_space<vmem>>
            %dma_start3A_90 = arith.constant 0 : i32
            %dma_start3A_91 = tpu.memref_slice %arg3[%shift_right_arithmetic3A_80, %and3A_82, %dma_start3A_90] : memref<125000x8x64xf32, #tpu.memory_space<hbm>> -> memref<1x1x64xf32, #tpu.memory_space<hbm>>
            %dma_start3A_92 = tpu.memref_squeeze %dma_start3A_91 : memref<1x1x64xf32, #tpu.memory_space<hbm>> -> memref<64xf32, #tpu.memory_space<hbm>>
            %dma_start3A_93 = arith.constant 64 : i32
            %dma_start3A_94 = tpu.memref_slice %arg7[%add3A_86, %dma_start3A_93] : memref<64x128xf32, #tpu.memory_space<vmem>> -> memref<1x64xf32, #tpu.memory_space<vmem>>
            %dma_start3A_95 = tpu.memref_squeeze %dma_start3A_94 : memref<1x64xf32, #tpu.memory_space<vmem>> -> memref<64xf32, #tpu.memory_space<vmem>>
            %dma_start3A_96 = arith.constant 0 : i32
            %dma_start3A_97 = tpu.memref_slice %arg3[%shift_right_arithmetic3A_80, %and3A_82, %dma_start3A_96] : memref<125000x8x64xf32, #tpu.memory_space<hbm>> -> memref<1x1x64xf32, #tpu.memory_space<hbm>>
            %dma_start3A_98 = tpu.memref_squeeze %dma_start3A_97 : memref<1x1x64xf32, #tpu.memory_space<hbm>> -> memref<64xf32, #tpu.memory_space<hbm>>
            tpu.enqueue_dma source(%dma_start3A_98 : memref<64xf32, #tpu.memory_space<hbm>>) target(%dma_start3A_95 : memref<64xf32, #tpu.memory_space<vmem>>) target_semaphore(%arg9 : memref<!tpu.dma_semaphore, #tpu.memory_space<semaphore_mem>>)
            %slice3A_99 = vector.extract_strided_slice %get3A_58 {offsets = [2], sizes = [1], strides = [1]} : vector<16xi32> to vector<1xi32>
            %squeeze3A_100 = vector.extract %slice3A_99[0] : i32 from vector<1xi32>
            %shift_right_arithmetic3A_101 = arith.constant 3 : i32
            %shift_right_arithmetic3A_102 = arith.shrsi %squeeze3A_100, %shift_right_arithmetic3A_101 : i32
            %and3A_103 = arith.constant 7 : i32
            %and3A_104 = arith.andi %squeeze3A_100, %and3A_103 : i32
            %mul3A_105 = arith.constant 8 : i32
            %mul3A_106 = arith.muli %scan3A_52, %mul3A_105 : i32
            %add3A_107 = arith.constant 1 : i32
            %add3A_108 = arith.addi %mul3A_106, %add3A_107 : i32
            %dma_start3A_109 = arith.constant 0 : i32
            %dma_start3A_110 = tpu.memref_slice %arg7[%add3A_108, %dma_start3A_109] : memref<64x128xf32, #tpu.memory_space<vmem>> -> memref<1x64xf32, #tpu.memory_space<vmem>>
            %dma_start3A_111 = tpu.memref_squeeze %dma_start3A_110 : memref<1x64xf32, #tpu.memory_space<vmem>> -> memref<64xf32, #tpu.memory_space<vmem>>
            %dma_start3A_112 = arith.constant 0 : i32
            %dma_start3A_113 = tpu.memref_slice %arg3[%shift_right_arithmetic3A_102, %and3A_104, %dma_start3A_112] : memref<125000x8x64xf32, #tpu.memory_space<hbm>> -> memref<1x1x64xf32, #tpu.memory_space<hbm>>
            %dma_start3A_114 = tpu.memref_squeeze %dma_start3A_113 : memref<1x1x64xf32, #tpu.memory_space<hbm>> -> memref<64xf32, #tpu.memory_space<hbm>>
            %dma_start3A_115 = arith.constant 0 : i32
            %dma_start3A_116 = tpu.memref_slice %arg7[%add3A_108, %dma_start3A_115] : memref<64x128xf32, #tpu.memory_space<vmem>> -> memref<1x64xf32, #tpu.memory_space<vmem>>
            %dma_start3A_117 = tpu.memref_squeeze %dma_start3A_116 : memref<1x64xf32, #tpu.memory_space<vmem>> -> memref<64xf32, #tpu.memory_space<vmem>>
            %dma_start3A_118 = arith.constant 0 : i32
            %dma_start3A_119 = tpu.memref_slice %arg3[%shift_right_arithmetic3A_102, %and3A_104, %dma_start3A_118] : memref<125000x8x64xf32, #tpu.memory_space<hbm>> -> memref<1x1x64xf32, #tpu.memory_space<hbm>>
            %dma_start3A_120 = tpu.memref_squeeze %dma_start3A_119 : memref<1x1x64xf32, #tpu.memory_space<hbm>> -> memref<64xf32, #tpu.memory_space<hbm>>
            tpu.enqueue_dma source(%dma_start3A_120 : memref<64xf32, #tpu.memory_space<hbm>>) target(%dma_start3A_117 : memref<64xf32, #tpu.memory_space<vmem>>) target_semaphore(%arg9 : memref<!tpu.dma_semaphore, #tpu.memory_space<semaphore_mem>>)
            %slice3A_121 = vector.extract_strided_slice %get3A_58 {offsets = [3], sizes = [1], strides = [1]} : vector<16xi32> to vector<1xi32>
            %squeeze3A_122 = vector.extract %slice3A_121[0] : i32 from vector<1xi32>
            %shift_right_arithmetic3A_123 = arith.constant 3 : i32
            %shift_right_arithmetic3A_124 = arith.shrsi %squeeze3A_122, %shift_right_arithmetic3A_123 : i32
            %and3A_125 = arith.constant 7 : i32
            %and3A_126 = arith.andi %squeeze3A_122, %and3A_125 : i32
            %mul3A_127 = arith.constant 8 : i32
            %mul3A_128 = arith.muli %scan3A_52, %mul3A_127 : i32
            %add3A_129 = arith.constant 1 : i32
            %add3A_130 = arith.addi %mul3A_128, %add3A_129 : i32
            %dma_start3A_131 = arith.constant 64 : i32
            %dma_start3A_132 = tpu.memref_slice %arg7[%add3A_130, %dma_start3A_131] : memref<64x128xf32, #tpu.memory_space<vmem>> -> memref<1x64xf32, #tpu.memory_space<vmem>>
            %dma_start3A_133 = tpu.memref_squeeze %dma_start3A_132 : memref<1x64xf32, #tpu.memory_space<vmem>> -> memref<64xf32, #tpu.memory_space<vmem>>
            %dma_start3A_134 = arith.constant 0 : i32
            %dma_start3A_135 = tpu.memref_slice %arg3[%shift_right_arithmetic3A_124, %and3A_126, %dma_start3A_134] : memref<125000x8x64xf32, #tpu.memory_space<hbm>> -> memref<1x1x64xf32, #tpu.memory_space<hbm>>
            %dma_start3A_136 = tpu.memref_squeeze %dma_start3A_135 : memref<1x1x64xf32, #tpu.memory_space<hbm>> -> memref<64xf32, #tpu.memory_space<hbm>>
            %dma_start3A_137 = arith.constant 64 : i32
            %dma_start3A_138 = tpu.memref_slice %arg7[%add3A_130, %dma_start3A_137] : memref<64x128xf32, #tpu.memory_space<vmem>> -> memref<1x64xf32, #tpu.memory_space<vmem>>
            %dma_start3A_139 = tpu.memref_squeeze %dma_start3A_138 : memref<1x64xf32, #tpu.memory_space<vmem>> -> memref<64xf32, #tpu.memory_space<vmem>>
            %dma_start3A_140 = arith.constant 0 : i32
            %dma_start3A_141 = tpu.memref_slice %arg3[%shift_right_arithmetic3A_124, %and3A_126, %dma_start3A_140] : memref<125000x8x64xf32, #tpu.memory_space<hbm>> -> memref<1x1x64xf32, #tpu.memory_space<hbm>>
            %dma_start3A_142 = tpu.memref_squeeze %dma_start3A_141 : memref<1x1x64xf32, #tpu.memory_space<hbm>> -> memref<64xf32, #tpu.memory_space<hbm>>
            tpu.enqueue_dma source(%dma_start3A_142 : memref<64xf32, #tpu.memory_space<hbm>>) target(%dma_start3A_139 : memref<64xf32, #tpu.memory_space<vmem>>) target_semaphore(%arg9 : memref<!tpu.dma_semaphore, #tpu.memory_space<semaphore_mem>>)
            %slice3A_143 = vector.extract_strided_slice %get3A_58 {offsets = [4], sizes = [1], strides = [1]} : vector<16xi32> to vector<1xi32>
            %squeeze3A_144 = vector.extract %slice3A_143[0] : i32 from vector<1xi32>
            %shift_right_arithmetic3A_145 = arith.constant 3 : i32
            %shift_right_arithmetic3A_146 = arith.shrsi %squeeze3A_144, %shift_right_arithmetic3A_145 : i32
            %and3A_147 = arith.constant 7 : i32
            %and3A_148 = arith.andi %squeeze3A_144, %and3A_147 : i32
            %mul3A_149 = arith.constant 8 : i32
            %mul3A_150 = arith.muli %scan3A_52, %mul3A_149 : i32
            %add3A_151 = arith.constant 2 : i32
            %add3A_152 = arith.addi %mul3A_150, %add3A_151 : i32
            %dma_start3A_153 = arith.constant 0 : i32
            %dma_start3A_154 = tpu.memref_slice %arg7[%add3A_152, %dma_start3A_153] : memref<64x128xf32, #tpu.memory_space<vmem>> -> memref<1x64xf32, #tpu.memory_space<vmem>>
            %dma_start3A_155 = tpu.memref_squeeze %dma_start3A_154 : memref<1x64xf32, #tpu.memory_space<vmem>> -> memref<64xf32, #tpu.memory_space<vmem>>
            %dma_start3A_156 = arith.constant 0 : i32
            %dma_start3A_157 = tpu.memref_slice %arg3[%shift_right_arithmetic3A_146, %and3A_148, %dma_start3A_156] : memref<125000x8x64xf32, #tpu.memory_space<hbm>> -> memref<1x1x64xf32, #tpu.memory_space<hbm>>
            %dma_start3A_158 = tpu.memref_squeeze %dma_start3A_157 : memref<1x1x64xf32, #tpu.memory_space<hbm>> -> memref<64xf32, #tpu.memory_space<hbm>>
            %dma_start3A_159 = arith.constant 0 : i32
            %dma_start3A_160 = tpu.memref_slice %arg7[%add3A_152, %dma_start3A_159] : memref<64x128xf32, #tpu.memory_space<vmem>> -> memref<1x64xf32, #tpu.memory_space<vmem>>
            %dma_start3A_161 = tpu.memref_squeeze %dma_start3A_160 : memref<1x64xf32, #tpu.memory_space<vmem>> -> memref<64xf32, #tpu.memory_space<vmem>>
            %dma_start3A_162 = arith.constant 0 : i32
            %dma_start3A_163 = tpu.memref_slice %arg3[%shift_right_arithmetic3A_146, %and3A_148, %dma_start3A_162] : memref<125000x8x64xf32, #tpu.memory_space<hbm>> -> memref<1x1x64xf32, #tpu.memory_space<hbm>>
            %dma_start3A_164 = tpu.memref_squeeze %dma_start3A_163 : memref<1x1x64xf32, #tpu.memory_space<hbm>> -> memref<64xf32, #tpu.memory_space<hbm>>
            tpu.enqueue_dma source(%dma_start3A_164 : memref<64xf32, #tpu.memory_space<hbm>>) target(%dma_start3A_161 : memref<64xf32, #tpu.memory_space<vmem>>) target_semaphore(%arg9 : memref<!tpu.dma_semaphore, #tpu.memory_space<semaphore_mem>>)
            %slice3A_165 = vector.extract_strided_slice %get3A_58 {offsets = [5], sizes = [1], strides = [1]} : vector<16xi32> to vector<1xi32>
            %squeeze3A_166 = vector.extract %slice3A_165[0] : i32 from vector<1xi32>
            %shift_right_arithmetic3A_167 = arith.constant 3 : i32
            %shift_right_arithmetic3A_168 = arith.shrsi %squeeze3A_166, %shift_right_arithmetic3A_167 : i32
            %and3A_169 = arith.constant 7 : i32
            %and3A_170 = arith.andi %squeeze3A_166, %and3A_169 : i32
            %mul3A_171 = arith.constant 8 : i32
            %mul3A_172 = arith.muli %scan3A_52, %mul3A_171 : i32
            %add3A_173 = arith.constant 2 : i32
            %add3A_174 = arith.addi %mul3A_172, %add3A_173 : i32
            %dma_start3A_175 = arith.constant 64 : i32
            %dma_start3A_176 = tpu.memref_slice %arg7[%add3A_174, %dma_start3A_175] : memref<64x128xf32, #tpu.memory_space<vmem>> -> memref<1x64xf32, #tpu.memory_space<vmem>>
            %dma_start3A_177 = tpu.memref_squeeze %dma_start3A_176 : memref<1x64xf32, #tpu.memory_space<vmem>> -> memref<64xf32, #tpu.memory_space<vmem>>
            %dma_start3A_178 = arith.constant 0 : i32
            %dma_start3A_179 = tpu.memref_slice %arg3[%shift_right_arithmetic3A_168, %and3A_170, %dma_start3A_178] : memref<125000x8x64xf32, #tpu.memory_space<hbm>> -> memref<1x1x64xf32, #tpu.memory_space<hbm>>
            %dma_start3A_180 = tpu.memref_squeeze %dma_start3A_179 : memref<1x1x64xf32, #tpu.memory_space<hbm>> -> memref<64xf32, #tpu.memory_space<hbm>>
            %dma_start3A_181 = arith.constant 64 : i32
            %dma_start3A_182 = tpu.memref_slice %arg7[%add3A_174, %dma_start3A_181] : memref<64x128xf32, #tpu.memory_space<vmem>> -> memref<1x64xf32, #tpu.memory_space<vmem>>
            %dma_start3A_183 = tpu.memref_squeeze %dma_start3A_182 : memref<1x64xf32, #tpu.memory_space<vmem>> -> memref<64xf32, #tpu.memory_space<vmem>>
            %dma_start3A_184 = arith.constant 0 : i32
            %dma_start3A_185 = tpu.memref_slice %arg3[%shift_right_arithmetic3A_168, %and3A_170, %dma_start3A_184] : memref<125000x8x64xf32, #tpu.memory_space<hbm>> -> memref<1x1x64xf32, #tpu.memory_space<hbm>>
            %dma_start3A_186 = tpu.memref_squeeze %dma_start3A_185 : memref<1x1x64xf32, #tpu.memory_space<hbm>> -> memref<64xf32, #tpu.memory_space<hbm>>
            tpu.enqueue_dma source(%dma_start3A_186 : memref<64xf32, #tpu.memory_space<hbm>>) target(%dma_start3A_183 : memref<64xf32, #tpu.memory_space<vmem>>) target_semaphore(%arg9 : memref<!tpu.dma_semaphore, #tpu.memory_space<semaphore_mem>>)
            %slice3A_187 = vector.extract_strided_slice %get3A_58 {offsets = [6], sizes = [1], strides = [1]} : vector<16xi32> to vector<1xi32>
            %squeeze3A_188 = vector.extract %slice3A_187[0] : i32 from vector<1xi32>
            %shift_right_arithmetic3A_189 = arith.constant 3 : i32
            %shift_right_arithmetic3A_190 = arith.shrsi %squeeze3A_188, %shift_right_arithmetic3A_189 : i32
            %and3A_191 = arith.constant 7 : i32
            %and3A_192 = arith.andi %squeeze3A_188, %and3A_191 : i32
            %mul3A_193 = arith.constant 8 : i32
            %mul3A_194 = arith.muli %scan3A_52, %mul3A_193 : i32
            %add3A_195 = arith.constant 3 : i32
            %add3A_196 = arith.addi %mul3A_194, %add3A_195 : i32
            %dma_start3A_197 = arith.constant 0 : i32
            %dma_start3A_198 = tpu.memref_slice %arg7[%add3A_196, %dma_start3A_197] : memref<64x128xf32, #tpu.memory_space<vmem>> -> memref<1x64xf32, #tpu.memory_space<vmem>>
            %dma_start3A_199 = tpu.memref_squeeze %dma_start3A_198 : memref<1x64xf32, #tpu.memory_space<vmem>> -> memref<64xf32, #tpu.memory_space<vmem>>
            %dma_start3A_200 = arith.constant 0 : i32
            %dma_start3A_201 = tpu.memref_slice %arg3[%shift_right_arithmetic3A_190, %and3A_192, %dma_start3A_200] : memref<125000x8x64xf32, #tpu.memory_space<hbm>> -> memref<1x1x64xf32, #tpu.memory_space<hbm>>
            %dma_start3A_202 = tpu.memref_squeeze %dma_start3A_201 : memref<1x1x64xf32, #tpu.memory_space<hbm>> -> memref<64xf32, #tpu.memory_space<hbm>>
            %dma_start3A_203 = arith.constant 0 : i32
            %dma_start3A_204 = tpu.memref_slice %arg7[%add3A_196, %dma_start3A_203] : memref<64x128xf32, #tpu.memory_space<vmem>> -> memref<1x64xf32, #tpu.memory_space<vmem>>
            %dma_start3A_205 = tpu.memref_squeeze %dma_start3A_204 : memref<1x64xf32, #tpu.memory_space<vmem>> -> memref<64xf32, #tpu.memory_space<vmem>>
            %dma_start3A_206 = arith.constant 0 : i32
            %dma_start3A_207 = tpu.memref_slice %arg3[%shift_right_arithmetic3A_190, %and3A_192, %dma_start3A_206] : memref<125000x8x64xf32, #tpu.memory_space<hbm>> -> memref<1x1x64xf32, #tpu.memory_space<hbm>>
            %dma_start3A_208 = tpu.memref_squeeze %dma_start3A_207 : memref<1x1x64xf32, #tpu.memory_space<hbm>> -> memref<64xf32, #tpu.memory_space<hbm>>
            tpu.enqueue_dma source(%dma_start3A_208 : memref<64xf32, #tpu.memory_space<hbm>>) target(%dma_start3A_205 : memref<64xf32, #tpu.memory_space<vmem>>) target_semaphore(%arg9 : memref<!tpu.dma_semaphore, #tpu.memory_space<semaphore_mem>>)
            %slice3A_209 = vector.extract_strided_slice %get3A_58 {offsets = [7], sizes = [1], strides = [1]} : vector<16xi32> to vector<1xi32>
            %squeeze3A_210 = vector.extract %slice3A_209[0] : i32 from vector<1xi32>
            %shift_right_arithmetic3A_211 = arith.constant 3 : i32
            %shift_right_arithmetic3A_212 = arith.shrsi %squeeze3A_210, %shift_right_arithmetic3A_211 : i32
            %and3A_213 = arith.constant 7 : i32
            %and3A_214 = arith.andi %squeeze3A_210, %and3A_213 : i32
            %mul3A_215 = arith.constant 8 : i32
            %mul3A_216 = arith.muli %scan3A_52, %mul3A_215 : i32
            %add3A_217 = arith.constant 3 : i32
            %add3A_218 = arith.addi %mul3A_216, %add3A_217 : i32
            %dma_start3A_219 = arith.constant 64 : i32
            %dma_start3A_220 = tpu.memref_slice %arg7[%add3A_218, %dma_start3A_219] : memref<64x128xf32, #tpu.memory_space<vmem>> -> memref<1x64xf32, #tpu.memory_space<vmem>>
            %dma_start3A_221 = tpu.memref_squeeze %dma_start3A_220 : memref<1x64xf32, #tpu.memory_space<vmem>> -> memref<64xf32, #tpu.memory_space<vmem>>
            %dma_start3A_222 = arith.constant 0 : i32
            %dma_start3A_223 = tpu.memref_slice %arg3[%shift_right_arithmetic3A_212, %and3A_214, %dma_start3A_222] : memref<125000x8x64xf32, #tpu.memory_space<hbm>> -> memref<1x1x64xf32, #tpu.memory_space<hbm>>
            %dma_start3A_224 = tpu.memref_squeeze %dma_start3A_223 : memref<1x1x64xf32, #tpu.memory_space<hbm>> -> memref<64xf32, #tpu.memory_space<hbm>>
            %dma_start3A_225 = arith.constant 64 : i32
            %dma_start3A_226 = tpu.memref_slice %arg7[%add3A_218, %dma_start3A_225] : memref<64x128xf32, #tpu.memory_space<vmem>> -> memref<1x64xf32, #tpu.memory_space<vmem>>
            %dma_start3A_227 = tpu.memref_squeeze %dma_start3A_226 : memref<1x64xf32, #tpu.memory_space<vmem>> -> memref<64xf32, #tpu.memory_space<vmem>>
            %dma_start3A_228 = arith.constant 0 : i32
            %dma_start3A_229 = tpu.memref_slice %arg3[%shift_right_arithmetic3A_212, %and3A_214, %dma_start3A_228] : memref<125000x8x64xf32, #tpu.memory_space<hbm>> -> memref<1x1x64xf32, #tpu.memory_space<hbm>>
            %dma_start3A_230 = tpu.memref_squeeze %dma_start3A_229 : memref<1x1x64xf32, #tpu.memory_space<hbm>> -> memref<64xf32, #tpu.memory_space<hbm>>
            tpu.enqueue_dma source(%dma_start3A_230 : memref<64xf32, #tpu.memory_space<hbm>>) target(%dma_start3A_227 : memref<64xf32, #tpu.memory_space<vmem>>) target_semaphore(%arg9 : memref<!tpu.dma_semaphore, #tpu.memory_space<semaphore_mem>>)
            %slice3A_231 = vector.extract_strided_slice %get3A_58 {offsets = [8], sizes = [1], strides = [1]} : vector<16xi32> to vector<1xi32>
            %squeeze3A_232 = vector.extract %slice3A_231[0] : i32 from vector<1xi32>
            %shift_right_arithmetic3A_233 = arith.constant 3 : i32
            %shift_right_arithmetic3A_234 = arith.shrsi %squeeze3A_232, %shift_right_arithmetic3A_233 : i32
            %and3A_235 = arith.constant 7 : i32
            %and3A_236 = arith.andi %squeeze3A_232, %and3A_235 : i32
            %mul3A_237 = arith.constant 8 : i32
            %mul3A_238 = arith.muli %scan3A_52, %mul3A_237 : i32
            %add3A_239 = arith.constant 4 : i32
            %add3A_240 = arith.addi %mul3A_238, %add3A_239 : i32
            %dma_start3A_241 = arith.constant 0 : i32
            %dma_start3A_242 = tpu.memref_slice %arg7[%add3A_240, %dma_start3A_241] : memref<64x128xf32, #tpu.memory_space<vmem>> -> memref<1x64xf32, #tpu.memory_space<vmem>>
            %dma_start3A_243 = tpu.memref_squeeze %dma_start3A_242 : memref<1x64xf32, #tpu.memory_space<vmem>> -> memref<64xf32, #tpu.memory_space<vmem>>
            %dma_start3A_244 = arith.constant 0 : i32
            %dma_start3A_245 = tpu.memref_slice %arg3[%shift_right_arithmetic3A_234, %and3A_236, %dma_start3A_244] : memref<125000x8x64xf32, #tpu.memory_space<hbm>> -> memref<1x1x64xf32, #tpu.memory_space<hbm>>
            %dma_start3A_246 = tpu.memref_squeeze %dma_start3A_245 : memref<1x1x64xf32, #tpu.memory_space<hbm>> -> memref<64xf32, #tpu.memory_space<hbm>>
            %dma_start3A_247 = arith.constant 0 : i32
            %dma_start3A_248 = tpu.memref_slice %arg7[%add3A_240, %dma_start3A_247] : memref<64x128xf32, #tpu.memory_space<vmem>> -> memref<1x64xf32, #tpu.memory_space<vmem>>
            %dma_start3A_249 = tpu.memref_squeeze %dma_start3A_248 : memref<1x64xf32, #tpu.memory_space<vmem>> -> memref<64xf32, #tpu.memory_space<vmem>>
            %dma_start3A_250 = arith.constant 0 : i32
            %dma_start3A_251 = tpu.memref_slice %arg3[%shift_right_arithmetic3A_234, %and3A_236, %dma_start3A_250] : memref<125000x8x64xf32, #tpu.memory_space<hbm>> -> memref<1x1x64xf32, #tpu.memory_space<hbm>>
            %dma_start3A_252 = tpu.memref_squeeze %dma_start3A_251 : memref<1x1x64xf32, #tpu.memory_space<hbm>> -> memref<64xf32, #tpu.memory_space<hbm>>
            tpu.enqueue_dma source(%dma_start3A_252 : memref<64xf32, #tpu.memory_space<hbm>>) target(%dma_start3A_249 : memref<64xf32, #tpu.memory_space<vmem>>) target_semaphore(%arg9 : memref<!tpu.dma_semaphore, #tpu.memory_space<semaphore_mem>>)
            %slice3A_253 = vector.extract_strided_slice %get3A_58 {offsets = [9], sizes = [1], strides = [1]} : vector<16xi32> to vector<1xi32>
            %squeeze3A_254 = vector.extract %slice3A_253[0] : i32 from vector<1xi32>
            %shift_right_arithmetic3A_255 = arith.constant 3 : i32
            %shift_right_arithmetic3A_256 = arith.shrsi %squeeze3A_254, %shift_right_arithmetic3A_255 : i32
            %and3A_257 = arith.constant 7 : i32
            %and3A_258 = arith.andi %squeeze3A_254, %and3A_257 : i32
            %mul3A_259 = arith.constant 8 : i32
            %mul3A_260 = arith.muli %scan3A_52, %mul3A_259 : i32
            %add3A_261 = arith.constant 4 : i32
            %add3A_262 = arith.addi %mul3A_260, %add3A_261 : i32
            %dma_start3A_263 = arith.constant 64 : i32
            %dma_start3A_264 = tpu.memref_slice %arg7[%add3A_262, %dma_start3A_263] : memref<64x128xf32, #tpu.memory_space<vmem>> -> memref<1x64xf32, #tpu.memory_space<vmem>>
            %dma_start3A_265 = tpu.memref_squeeze %dma_start3A_264 : memref<1x64xf32, #tpu.memory_space<vmem>> -> memref<64xf32, #tpu.memory_space<vmem>>
            %dma_start3A_266 = arith.constant 0 : i32
            %dma_start3A_267 = tpu.memref_slice %arg3[%shift_right_arithmetic3A_256, %and3A_258, %dma_start3A_266] : memref<125000x8x64xf32, #tpu.memory_space<hbm>> -> memref<1x1x64xf32, #tpu.memory_space<hbm>>
            %dma_start3A_268 = tpu.memref_squeeze %dma_start3A_267 : memref<1x1x64xf32, #tpu.memory_space<hbm>> -> memref<64xf32, #tpu.memory_space<hbm>>
            %dma_start3A_269 = arith.constant 64 : i32
            %dma_start3A_270 = tpu.memref_slice %arg7[%add3A_262, %dma_start3A_269] : memref<64x128xf32, #tpu.memory_space<vmem>> -> memref<1x64xf32, #tpu.memory_space<vmem>>
            %dma_start3A_271 = tpu.memref_squeeze %dma_start3A_270 : memref<1x64xf32, #tpu.memory_space<vmem>> -> memref<64xf32, #tpu.memory_space<vmem>>
            %dma_start3A_272 = arith.constant 0 : i32
            %dma_start3A_273 = tpu.memref_slice %arg3[%shift_right_arithmetic3A_256, %and3A_258, %dma_start3A_272] : memref<125000x8x64xf32, #tpu.memory_space<hbm>> -> memref<1x1x64xf32, #tpu.memory_space<hbm>>
            %dma_start3A_274 = tpu.memref_squeeze %dma_start3A_273 : memref<1x1x64xf32, #tpu.memory_space<hbm>> -> memref<64xf32, #tpu.memory_space<hbm>>
            tpu.enqueue_dma source(%dma_start3A_274 : memref<64xf32, #tpu.memory_space<hbm>>) target(%dma_start3A_271 : memref<64xf32, #tpu.memory_space<vmem>>) target_semaphore(%arg9 : memref<!tpu.dma_semaphore, #tpu.memory_space<semaphore_mem>>)
            %slice3A_275 = vector.extract_strided_slice %get3A_58 {offsets = [10], sizes = [1], strides = [1]} : vector<16xi32> to vector<1xi32>
            %squeeze3A_276 = vector.extract %slice3A_275[0] : i32 from vector<1xi32>
            %shift_right_arithmetic3A_277 = arith.constant 3 : i32
            %shift_right_arithmetic3A_278 = arith.shrsi %squeeze3A_276, %shift_right_arithmetic3A_277 : i32
            %and3A_279 = arith.constant 7 : i32
            %and3A_280 = arith.andi %squeeze3A_276, %and3A_279 : i32
            %mul3A_281 = arith.constant 8 : i32
            %mul3A_282 = arith.muli %scan3A_52, %mul3A_281 : i32
            %add3A_283 = arith.constant 5 : i32
            %add3A_284 = arith.addi %mul3A_282, %add3A_283 : i32
            %dma_start3A_285 = arith.constant 0 : i32
            %dma_start3A_286 = tpu.memref_slice %arg7[%add3A_284, %dma_start3A_285] : memref<64x128xf32, #tpu.memory_space<vmem>> -> memref<1x64xf32, #tpu.memory_space<vmem>>
            %dma_start3A_287 = tpu.memref_squeeze %dma_start3A_286 : memref<1x64xf32, #tpu.memory_space<vmem>> -> memref<64xf32, #tpu.memory_space<vmem>>
            %dma_start3A_288 = arith.constant 0 : i32
            %dma_start3A_289 = tpu.memref_slice %arg3[%shift_right_arithmetic3A_278, %and3A_280, %dma_start3A_288] : memref<125000x8x64xf32, #tpu.memory_space<hbm>> -> memref<1x1x64xf32, #tpu.memory_space<hbm>>
            %dma_start3A_290 = tpu.memref_squeeze %dma_start3A_289 : memref<1x1x64xf32, #tpu.memory_space<hbm>> -> memref<64xf32, #tpu.memory_space<hbm>>
            %dma_start3A_291 = arith.constant 0 : i32
            %dma_start3A_292 = tpu.memref_slice %arg7[%add3A_284, %dma_start3A_291] : memref<64x128xf32, #tpu.memory_space<vmem>> -> memref<1x64xf32, #tpu.memory_space<vmem>>
            %dma_start3A_293 = tpu.memref_squeeze %dma_start3A_292 : memref<1x64xf32, #tpu.memory_space<vmem>> -> memref<64xf32, #tpu.memory_space<vmem>>
            %dma_start3A_294 = arith.constant 0 : i32
            %dma_start3A_295 = tpu.memref_slice %arg3[%shift_right_arithmetic3A_278, %and3A_280, %dma_start3A_294] : memref<125000x8x64xf32, #tpu.memory_space<hbm>> -> memref<1x1x64xf32, #tpu.memory_space<hbm>>
            %dma_start3A_296 = tpu.memref_squeeze %dma_start3A_295 : memref<1x1x64xf32, #tpu.memory_space<hbm>> -> memref<64xf32, #tpu.memory_space<hbm>>
            tpu.enqueue_dma source(%dma_start3A_296 : memref<64xf32, #tpu.memory_space<hbm>>) target(%dma_start3A_293 : memref<64xf32, #tpu.memory_space<vmem>>) target_semaphore(%arg9 : memref<!tpu.dma_semaphore, #tpu.memory_space<semaphore_mem>>)
            %slice3A_297 = vector.extract_strided_slice %get3A_58 {offsets = [11], sizes = [1], strides = [1]} : vector<16xi32> to vector<1xi32>
            %squeeze3A_298 = vector.extract %slice3A_297[0] : i32 from vector<1xi32>
            %shift_right_arithmetic3A_299 = arith.constant 3 : i32
            %shift_right_arithmetic3A_300 = arith.shrsi %squeeze3A_298, %shift_right_arithmetic3A_299 : i32
            %and3A_301 = arith.constant 7 : i32
            %and3A_302 = arith.andi %squeeze3A_298, %and3A_301 : i32
            %mul3A_303 = arith.constant 8 : i32
            %mul3A_304 = arith.muli %scan3A_52, %mul3A_303 : i32
            %add3A_305 = arith.constant 5 : i32
            %add3A_306 = arith.addi %mul3A_304, %add3A_305 : i32
            %dma_start3A_307 = arith.constant 64 : i32
            %dma_start3A_308 = tpu.memref_slice %arg7[%add3A_306, %dma_start3A_307] : memref<64x128xf32, #tpu.memory_space<vmem>> -> memref<1x64xf32, #tpu.memory_space<vmem>>
            %dma_start3A_309 = tpu.memref_squeeze %dma_start3A_308 : memref<1x64xf32, #tpu.memory_space<vmem>> -> memref<64xf32, #tpu.memory_space<vmem>>
            %dma_start3A_310 = arith.constant 0 : i32
            %dma_start3A_311 = tpu.memref_slice %arg3[%shift_right_arithmetic3A_300, %and3A_302, %dma_start3A_310] : memref<125000x8x64xf32, #tpu.memory_space<hbm>> -> memref<1x1x64xf32, #tpu.memory_space<hbm>>
            %dma_start3A_312 = tpu.memref_squeeze %dma_start3A_311 : memref<1x1x64xf32, #tpu.memory_space<hbm>> -> memref<64xf32, #tpu.memory_space<hbm>>
            %dma_start3A_313 = arith.constant 64 : i32
            %dma_start3A_314 = tpu.memref_slice %arg7[%add3A_306, %dma_start3A_313] : memref<64x128xf32, #tpu.memory_space<vmem>> -> memref<1x64xf32, #tpu.memory_space<vmem>>
            %dma_start3A_315 = tpu.memref_squeeze %dma_start3A_314 : memref<1x64xf32, #tpu.memory_space<vmem>> -> memref<64xf32, #tpu.memory_space<vmem>>
            %dma_start3A_316 = arith.constant 0 : i32
            %dma_start3A_317 = tpu.memref_slice %arg3[%shift_right_arithmetic3A_300, %and3A_302, %dma_start3A_316] : memref<125000x8x64xf32, #tpu.memory_space<hbm>> -> memref<1x1x64xf32, #tpu.memory_space<hbm>>
            %dma_start3A_318 = tpu.memref_squeeze %dma_start3A_317 : memref<1x1x64xf32, #tpu.memory_space<hbm>> -> memref<64xf32, #tpu.memory_space<hbm>>
            tpu.enqueue_dma source(%dma_start3A_318 : memref<64xf32, #tpu.memory_space<hbm>>) target(%dma_start3A_315 : memref<64xf32, #tpu.memory_space<vmem>>) target_semaphore(%arg9 : memref<!tpu.dma_semaphore, #tpu.memory_space<semaphore_mem>>)
            %slice3A_319 = vector.extract_strided_slice %get3A_58 {offsets = [12], sizes = [1], strides = [1]} : vector<16xi32> to vector<1xi32>
            %squeeze3A_320 = vector.extract %slice3A_319[0] : i32 from vector<1xi32>
            %shift_right_arithmetic3A_321 = arith.constant 3 : i32
            %shift_right_arithmetic3A_322 = arith.shrsi %squeeze3A_320, %shift_right_arithmetic3A_321 : i32
            %and3A_323 = arith.constant 7 : i32
            %and3A_324 = arith.andi %squeeze3A_320, %and3A_323 : i32
            %mul3A_325 = arith.constant 8 : i32
            %mul3A_326 = arith.muli %scan3A_52, %mul3A_325 : i32
            %add3A_327 = arith.constant 6 : i32
            %add3A_328 = arith.addi %mul3A_326, %add3A_327 : i32
            %dma_start3A_329 = arith.constant 0 : i32
            %dma_start3A_330 = tpu.memref_slice %arg7[%add3A_328, %dma_start3A_329] : memref<64x128xf32, #tpu.memory_space<vmem>> -> memref<1x64xf32, #tpu.memory_space<vmem>>
            %dma_start3A_331 = tpu.memref_squeeze %dma_start3A_330 : memref<1x64xf32, #tpu.memory_space<vmem>> -> memref<64xf32, #tpu.memory_space<vmem>>
            %dma_start3A_332 = arith.constant 0 : i32
            %dma_start3A_333 = tpu.memref_slice %arg3[%shift_right_arithmetic3A_322, %and3A_324, %dma_start3A_332] : memref<125000x8x64xf32, #tpu.memory_space<hbm>> -> memref<1x1x64xf32, #tpu.memory_space<hbm>>
            %dma_start3A_334 = tpu.memref_squeeze %dma_start3A_333 : memref<1x1x64xf32, #tpu.memory_space<hbm>> -> memref<64xf32, #tpu.memory_space<hbm>>
            %dma_start3A_335 = arith.constant 0 : i32
            %dma_start3A_336 = tpu.memref_slice %arg7[%add3A_328, %dma_start3A_335] : memref<64x128xf32, #tpu.memory_space<vmem>> -> memref<1x64xf32, #tpu.memory_space<vmem>>
            %dma_start3A_337 = tpu.memref_squeeze %dma_start3A_336 : memref<1x64xf32, #tpu.memory_space<vmem>> -> memref<64xf32, #tpu.memory_space<vmem>>
            %dma_start3A_338 = arith.constant 0 : i32
            %dma_start3A_339 = tpu.memref_slice %arg3[%shift_right_arithmetic3A_322, %and3A_324, %dma_start3A_338] : memref<125000x8x64xf32, #tpu.memory_space<hbm>> -> memref<1x1x64xf32, #tpu.memory_space<hbm>>
            %dma_start3A_340 = tpu.memref_squeeze %dma_start3A_339 : memref<1x1x64xf32, #tpu.memory_space<hbm>> -> memref<64xf32, #tpu.memory_space<hbm>>
            tpu.enqueue_dma source(%dma_start3A_340 : memref<64xf32, #tpu.memory_space<hbm>>) target(%dma_start3A_337 : memref<64xf32, #tpu.memory_space<vmem>>) target_semaphore(%arg9 : memref<!tpu.dma_semaphore, #tpu.memory_space<semaphore_mem>>)
            %slice3A_341 = vector.extract_strided_slice %get3A_58 {offsets = [13], sizes = [1], strides = [1]} : vector<16xi32> to vector<1xi32>
            %squeeze3A_342 = vector.extract %slice3A_341[0] : i32 from vector<1xi32>
            %shift_right_arithmetic3A_343 = arith.constant 3 : i32
            %shift_right_arithmetic3A_344 = arith.shrsi %squeeze3A_342, %shift_right_arithmetic3A_343 : i32
            %and3A_345 = arith.constant 7 : i32
            %and3A_346 = arith.andi %squeeze3A_342, %and3A_345 : i32
            %mul3A_347 = arith.constant 8 : i32
            %mul3A_348 = arith.muli %scan3A_52, %mul3A_347 : i32
            %add3A_349 = arith.constant 6 : i32
            %add3A_350 = arith.addi %mul3A_348, %add3A_349 : i32
            %dma_start3A_351 = arith.constant 64 : i32
            %dma_start3A_352 = tpu.memref_slice %arg7[%add3A_350, %dma_start3A_351] : memref<64x128xf32, #tpu.memory_space<vmem>> -> memref<1x64xf32, #tpu.memory_space<vmem>>
            %dma_start3A_353 = tpu.memref_squeeze %dma_start3A_352 : memref<1x64xf32, #tpu.memory_space<vmem>> -> memref<64xf32, #tpu.memory_space<vmem>>
            %dma_start3A_354 = arith.constant 0 : i32
            %dma_start3A_355 = tpu.memref_slice %arg3[%shift_right_arithmetic3A_344, %and3A_346, %dma_start3A_354] : memref<125000x8x64xf32, #tpu.memory_space<hbm>> -> memref<1x1x64xf32, #tpu.memory_space<hbm>>
            %dma_start3A_356 = tpu.memref_squeeze %dma_start3A_355 : memref<1x1x64xf32, #tpu.memory_space<hbm>> -> memref<64xf32, #tpu.memory_space<hbm>>
            %dma_start3A_357 = arith.constant 64 : i32
            %dma_start3A_358 = tpu.memref_slice %arg7[%add3A_350, %dma_start3A_357] : memref<64x128xf32, #tpu.memory_space<vmem>> -> memref<1x64xf32, #tpu.memory_space<vmem>>
            %dma_start3A_359 = tpu.memref_squeeze %dma_start3A_358 : memref<1x64xf32, #tpu.memory_space<vmem>> -> memref<64xf32, #tpu.memory_space<vmem>>
            %dma_start3A_360 = arith.constant 0 : i32
            %dma_start3A_361 = tpu.memref_slice %arg3[%shift_right_arithmetic3A_344, %and3A_346, %dma_start3A_360] : memref<125000x8x64xf32, #tpu.memory_space<hbm>> -> memref<1x1x64xf32, #tpu.memory_space<hbm>>
            %dma_start3A_362 = tpu.memref_squeeze %dma_start3A_361 : memref<1x1x64xf32, #tpu.memory_space<hbm>> -> memref<64xf32, #tpu.memory_space<hbm>>
            tpu.enqueue_dma source(%dma_start3A_362 : memref<64xf32, #tpu.memory_space<hbm>>) target(%dma_start3A_359 : memref<64xf32, #tpu.memory_space<vmem>>) target_semaphore(%arg9 : memref<!tpu.dma_semaphore, #tpu.memory_space<semaphore_mem>>)
            %slice3A_363 = vector.extract_strided_slice %get3A_58 {offsets = [14], sizes = [1], strides = [1]} : vector<16xi32> to vector<1xi32>
            %squeeze3A_364 = vector.extract %slice3A_363[0] : i32 from vector<1xi32>
            %shift_right_arithmetic3A_365 = arith.constant 3 : i32
            %shift_right_arithmetic3A_366 = arith.shrsi %squeeze3A_364, %shift_right_arithmetic3A_365 : i32
            %and3A_367 = arith.constant 7 : i32
            %and3A_368 = arith.andi %squeeze3A_364, %and3A_367 : i32
            %mul3A_369 = arith.constant 8 : i32
            %mul3A_370 = arith.muli %scan3A_52, %mul3A_369 : i32
            %add3A_371 = arith.constant 7 : i32
            %add3A_372 = arith.addi %mul3A_370, %add3A_371 : i32
            %dma_start3A_373 = arith.constant 0 : i32
            %dma_start3A_374 = tpu.memref_slice %arg7[%add3A_372, %dma_start3A_373] : memref<64x128xf32, #tpu.memory_space<vmem>> -> memref<1x64xf32, #tpu.memory_space<vmem>>
            %dma_start3A_375 = tpu.memref_squeeze %dma_start3A_374 : memref<1x64xf32, #tpu.memory_space<vmem>> -> memref<64xf32, #tpu.memory_space<vmem>>
            %dma_start3A_376 = arith.constant 0 : i32
            %dma_start3A_377 = tpu.memref_slice %arg3[%shift_right_arithmetic3A_366, %and3A_368, %dma_start3A_376] : memref<125000x8x64xf32, #tpu.memory_space<hbm>> -> memref<1x1x64xf32, #tpu.memory_space<hbm>>
            %dma_start3A_378 = tpu.memref_squeeze %dma_start3A_377 : memref<1x1x64xf32, #tpu.memory_space<hbm>> -> memref<64xf32, #tpu.memory_space<hbm>>
            %dma_start3A_379 = arith.constant 0 : i32
            %dma_start3A_380 = tpu.memref_slice %arg7[%add3A_372, %dma_start3A_379] : memref<64x128xf32, #tpu.memory_space<vmem>> -> memref<1x64xf32, #tpu.memory_space<vmem>>
            %dma_start3A_381 = tpu.memref_squeeze %dma_start3A_380 : memref<1x64xf32, #tpu.memory_space<vmem>> -> memref<64xf32, #tpu.memory_space<vmem>>
            %dma_start3A_382 = arith.constant 0 : i32
            %dma_start3A_383 = tpu.memref_slice %arg3[%shift_right_arithmetic3A_366, %and3A_368, %dma_start3A_382] : memref<125000x8x64xf32, #tpu.memory_space<hbm>> -> memref<1x1x64xf32, #tpu.memory_space<hbm>>
            %dma_start3A_384 = tpu.memref_squeeze %dma_start3A_383 : memref<1x1x64xf32, #tpu.memory_space<hbm>> -> memref<64xf32, #tpu.memory_space<hbm>>
            tpu.enqueue_dma source(%dma_start3A_384 : memref<64xf32, #tpu.memory_space<hbm>>) target(%dma_start3A_381 : memref<64xf32, #tpu.memory_space<vmem>>) target_semaphore(%arg9 : memref<!tpu.dma_semaphore, #tpu.memory_space<semaphore_mem>>)
            %slice3A_385 = vector.extract_strided_slice %get3A_58 {offsets = [15], sizes = [1], strides = [1]} : vector<16xi32> to vector<1xi32>
            %squeeze3A_386 = vector.extract %slice3A_385[0] : i32 from vector<1xi32>
            %shift_right_arithmetic3A_387 = arith.constant 3 : i32
            %shift_right_arithmetic3A_388 = arith.shrsi %squeeze3A_386, %shift_right_arithmetic3A_387 : i32
            %and3A_389 = arith.constant 7 : i32
            %and3A_390 = arith.andi %squeeze3A_386, %and3A_389 : i32
            %mul3A_391 = arith.constant 8 : i32
            %mul3A_392 = arith.muli %scan3A_52, %mul3A_391 : i32
            %add3A_393 = arith.constant 7 : i32
            %add3A_394 = arith.addi %mul3A_392, %add3A_393 : i32
            %dma_start3A_395 = arith.constant 64 : i32
            %dma_start3A_396 = tpu.memref_slice %arg7[%add3A_394, %dma_start3A_395] : memref<64x128xf32, #tpu.memory_space<vmem>> -> memref<1x64xf32, #tpu.memory_space<vmem>>
            %dma_start3A_397 = tpu.memref_squeeze %dma_start3A_396 : memref<1x64xf32, #tpu.memory_space<vmem>> -> memref<64xf32, #tpu.memory_space<vmem>>
            %dma_start3A_398 = arith.constant 0 : i32
            %dma_start3A_399 = tpu.memref_slice %arg3[%shift_right_arithmetic3A_388, %and3A_390, %dma_start3A_398] : memref<125000x8x64xf32, #tpu.memory_space<hbm>> -> memref<1x1x64xf32, #tpu.memory_space<hbm>>
            %dma_start3A_400 = tpu.memref_squeeze %dma_start3A_399 : memref<1x1x64xf32, #tpu.memory_space<hbm>> -> memref<64xf32, #tpu.memory_space<hbm>>
            %dma_start3A_401 = arith.constant 64 : i32
            %dma_start3A_402 = tpu.memref_slice %arg7[%add3A_394, %dma_start3A_401] : memref<64x128xf32, #tpu.memory_space<vmem>> -> memref<1x64xf32, #tpu.memory_space<vmem>>
            %dma_start3A_403 = tpu.memref_squeeze %dma_start3A_402 : memref<1x64xf32, #tpu.memory_space<vmem>> -> memref<64xf32, #tpu.memory_space<vmem>>
            %dma_start3A_404 = arith.constant 0 : i32
            %dma_start3A_405 = tpu.memref_slice %arg3[%shift_right_arithmetic3A_388, %and3A_390, %dma_start3A_404] : memref<125000x8x64xf32, #tpu.memory_space<hbm>> -> memref<1x1x64xf32, #tpu.memory_space<hbm>>
            %dma_start3A_406 = tpu.memref_squeeze %dma_start3A_405 : memref<1x1x64xf32, #tpu.memory_space<hbm>> -> memref<64xf32, #tpu.memory_space<hbm>>
            tpu.enqueue_dma source(%dma_start3A_406 : memref<64xf32, #tpu.memory_space<hbm>>) target(%dma_start3A_403 : memref<64xf32, #tpu.memory_space<vmem>>) target_semaphore(%arg9 : memref<!tpu.dma_semaphore, #tpu.memory_space<semaphore_mem>>)
            %scan3A_407 = arith.constant 0 : i32
            scf.yield %scan3A_407 : i32
          }
          %scan3A_51 = arith.constant 8 : i32
        } else {
        }
        %mul3A_40 = arith.constant 64 : i32
        %mul3A_41 = arith.muli %scan3A_16, %mul3A_40 : i32
        %add3A_42 = arith.addi %mul3A_2, %mul3A_41 : i32
        "tpu.region"() ({
          %run_scoped3A = tpu.sem_alloc : memref<!tpu.dma_semaphore, #tpu.memory_space<semaphore_mem>>
          %dma_start3A = arith.constant 0 : i32
          %dma_start3A_43 = tpu.memref_slice %arg4[%add3A_42, %dma_start3A] : memref<102400x128xf32, #tpu.memory_space<hbm>> -> memref<64x128xf32, #tpu.memory_space<hbm>>
          %dma_start3A_44 = arith.constant 0 : i32
          %dma_start3A_45 = tpu.memref_slice %arg4[%add3A_42, %dma_start3A_44] : memref<102400x128xf32, #tpu.memory_space<hbm>> -> memref<64x128xf32, #tpu.memory_space<hbm>>
          tpu.enqueue_dma source(%arg6 : memref<64x128xf32, #tpu.memory_space<vmem>>) target(%dma_start3A_45 : memref<64x128xf32, #tpu.memory_space<hbm>>) target_semaphore(%run_scoped3A : memref<!tpu.dma_semaphore, #tpu.memory_space<semaphore_mem>>)
          %dma_wait3A = arith.constant 0 : i32
          %dma_wait3A_46 = tpu.memref_slice %arg4[%add3A_42, %dma_wait3A] : memref<102400x128xf32, #tpu.memory_space<hbm>> -> memref<64x128xf32, #tpu.memory_space<hbm>>
          %dma_wait3A_47 = arith.constant 0 : i32
          %dma_wait3A_48 = tpu.memref_slice %arg4[%add3A_42, %dma_wait3A_47] : memref<102400x128xf32, #tpu.memory_space<hbm>> -> memref<64x128xf32, #tpu.memory_space<hbm>>
          tpu.wait_dma2 semaphore(%run_scoped3A : memref<!tpu.dma_semaphore, #tpu.memory_space<semaphore_mem>>) src(%arg6 : memref<64x128xf32, #tpu.memory_space<vmem>>) dst(%dma_wait3A_48 : memref<64x128xf32, #tpu.memory_space<hbm>>)
          tpu.yield
        }) : () -> ()
      } else {
      }
      %and3A_21 = arith.constant 1 : i32
      %and3A_22 = arith.andi %scan3A_16, %and3A_21 : i32
      %eq3A_23 = arith.constant 1 : i32
      %eq3A_24 = arith.cmpi eq, %and3A_22, %eq3A_23 : i32
      %convert_element_type3A_25 = arith.extui %eq3A_24 : i1 to i32
      %cond3A_26 = arith.constant 0 : i32
      %cond3A_27 = arith.cmpi ne, %convert_element_type3A_25, %cond3A_26 : i32
      scf.if %cond3A_27 {
        %scan3A_29 = arith.constant 0 : i32
        %scan3A_30 = arith.constant 0 : i32
        %scan3A_31 = arith.constant 128 : i32
        %scan3A_32 = arith.addi %scan3A_30, %scan3A_31 : i32
        %scan3A_33 = arith.constant 1 : i32
        %scan3A_34 = scf.for %scan3A_43 = %scan3A_30 to %scan3A_32 step %scan3A_33 iter_args(%scan3A_44 = %scan3A_29) -> (i32)  : i32 {
          %dma_wait3A = arith.constant 0 : i32
          %dma_wait3A_45 = arith.constant 0 : i32
          %dma_wait3A_46 = arith.constant 0 : i32
          %dma_wait3A_47 = arith.constant 0 : i32
          %dma_wait3A_48 = tpu.memref_slice %arg7[%dma_wait3A_46, %dma_wait3A_47] : memref<64x128xf32, #tpu.memory_space<vmem>> -> memref<1x64xf32, #tpu.memory_space<vmem>>
          %dma_wait3A_49 = tpu.memref_squeeze %dma_wait3A_48 : memref<1x64xf32, #tpu.memory_space<vmem>> -> memref<64xf32, #tpu.memory_space<vmem>>
          %dma_wait3A_50 = arith.constant 0 : i32
          %dma_wait3A_51 = tpu.memref_slice %arg3[%dma_wait3A, %dma_wait3A_45, %dma_wait3A_50] : memref<125000x8x64xf32, #tpu.memory_space<hbm>> -> memref<1x1x64xf32, #tpu.memory_space<hbm>>
          %dma_wait3A_52 = tpu.memref_squeeze %dma_wait3A_51 : memref<1x1x64xf32, #tpu.memory_space<hbm>> -> memref<64xf32, #tpu.memory_space<hbm>>
          %dma_wait3A_53 = arith.constant 0 : i32
          %dma_wait3A_54 = tpu.memref_slice %arg7[%dma_wait3A_46, %dma_wait3A_53] : memref<64x128xf32, #tpu.memory_space<vmem>> -> memref<1x64xf32, #tpu.memory_space<vmem>>
          %dma_wait3A_55 = tpu.memref_squeeze %dma_wait3A_54 : memref<1x64xf32, #tpu.memory_space<vmem>> -> memref<64xf32, #tpu.memory_space<vmem>>
          %dma_wait3A_56 = arith.constant 0 : i32
          %dma_wait3A_57 = tpu.memref_slice %arg3[%dma_wait3A, %dma_wait3A_45, %dma_wait3A_56] : memref<125000x8x64xf32, #tpu.memory_space<hbm>> -> memref<1x1x64xf32, #tpu.memory_space<hbm>>
          %dma_wait3A_58 = tpu.memref_squeeze %dma_wait3A_57 : memref<1x1x64xf32, #tpu.memory_space<hbm>> -> memref<64xf32, #tpu.memory_space<hbm>>
          tpu.wait_dma2 semaphore(%arg9 : memref<!tpu.dma_semaphore, #tpu.memory_space<semaphore_mem>>) src(%dma_wait3A_58 : memref<64xf32, #tpu.memory_space<hbm>>) dst(%dma_wait3A_55 : memref<64xf32, #tpu.memory_space<vmem>>)
          %scan3A_59 = arith.constant 0 : i32
          scf.yield %scan3A_59 : i32
        }
        %scan3A_35 = arith.constant 128 : i32
        %lt3A = arith.constant 49 : i32
        %lt3A_36 = arith.cmpi slt, %scan3A_16, %lt3A : i32
        %convert_element_type3A_37 = arith.extui %lt3A_36 : i1 to i32
        %cond3A_38 = arith.constant 0 : i32
        %cond3A_39 = arith.cmpi ne, %convert_element_type3A_37, %cond3A_38 : i32
        scf.if %cond3A_39 {
          %add3A_43 = arith.constant 1 : i32
          %add3A_44 = arith.addi %scan3A_16, %add3A_43 : i32
          %scan3A_45 = arith.constant 0 : i32
          %scan3A_46 = arith.constant 0 : i32
          %scan3A_47 = arith.constant 8 : i32
          %scan3A_48 = arith.addi %scan3A_46, %scan3A_47 : i32
          %scan3A_49 = arith.constant 1 : i32
          %scan3A_50 = scf.for %scan3A_52 = %scan3A_46 to %scan3A_48 step %scan3A_49 iter_args(%scan3A_53 = %scan3A_45) -> (i32)  : i32 {
            %mul3A_54 = arith.constant 16 : i32
            %mul3A_55 = arith.muli %scan3A_52, %mul3A_54 : i32
            %get3A = arith.index_cast %add3A_44 : i32 to index
            %get3A_56 = arith.index_cast %mul3A_55 : i32 to index
            %get3A_57 = tpu.vector_load %arg5[%get3A, %get3A_56] {strides = array<i32>} : memref<50x128xi32, #tpu.memory_space<vmem>>, vector<1x16xi32>,
            %get3A_58 = vector.shape_cast %get3A_57 : vector<1x16xi32> to vector<16xi32>
            %slice3A = vector.extract_strided_slice %get3A_58 {offsets = [0], sizes = [1], strides = [1]} : vector<16xi32> to vector<1xi32>
            %squeeze3A = vector.extract %slice3A[0] : i32 from vector<1xi32>
            %shift_right_arithmetic3A = arith.constant 3 : i32
            %shift_right_arithmetic3A_59 = arith.shrsi %squeeze3A, %shift_right_arithmetic3A : i32
            %and3A_60 = arith.constant 7 : i32
            %and3A_61 = arith.andi %squeeze3A, %and3A_60 : i32
            %mul3A_62 = arith.constant 8 : i32
            %mul3A_63 = arith.muli %scan3A_52, %mul3A_62 : i32
            %add3A_64 = arith.constant 0 : i32
            %add3A_65 = arith.addi %mul3A_63, %add3A_64 : i32
            %dma_start3A = arith.constant 0 : i32
            %dma_start3A_66 = tpu.memref_slice %arg6[%add3A_65, %dma_start3A] : memref<64x128xf32, #tpu.memory_space<vmem>> -> memref<1x64xf32, #tpu.memory_space<vmem>>
            %dma_start3A_67 = tpu.memref_squeeze %dma_start3A_66 : memref<1x64xf32, #tpu.memory_space<vmem>> -> memref<64xf32, #tpu.memory_space<vmem>>
            %dma_start3A_68 = arith.constant 0 : i32
            %dma_start3A_69 = tpu.memref_slice %arg3[%shift_right_arithmetic3A_59, %and3A_61, %dma_start3A_68] : memref<125000x8x64xf32, #tpu.memory_space<hbm>> -> memref<1x1x64xf32, #tpu.memory_space<hbm>>
            %dma_start3A_70 = tpu.memref_squeeze %dma_start3A_69 : memref<1x1x64xf32, #tpu.memory_space<hbm>> -> memref<64xf32, #tpu.memory_space<hbm>>
            %dma_start3A_71 = arith.constant 0 : i32
            %dma_start3A_72 = tpu.memref_slice %arg6[%add3A_65, %dma_start3A_71] : memref<64x128xf32, #tpu.memory_space<vmem>> -> memref<1x64xf32, #tpu.memory_space<vmem>>
            %dma_start3A_73 = tpu.memref_squeeze %dma_start3A_72 : memref<1x64xf32, #tpu.memory_space<vmem>> -> memref<64xf32, #tpu.memory_space<vmem>>
            %dma_start3A_74 = arith.constant 0 : i32
            %dma_start3A_75 = tpu.memref_slice %arg3[%shift_right_arithmetic3A_59, %and3A_61, %dma_start3A_74] : memref<125000x8x64xf32, #tpu.memory_space<hbm>> -> memref<1x1x64xf32, #tpu.memory_space<hbm>>
            %dma_start3A_76 = tpu.memref_squeeze %dma_start3A_75 : memref<1x1x64xf32, #tpu.memory_space<hbm>> -> memref<64xf32, #tpu.memory_space<hbm>>
            tpu.enqueue_dma source(%dma_start3A_76 : memref<64xf32, #tpu.memory_space<hbm>>) target(%dma_start3A_73 : memref<64xf32, #tpu.memory_space<vmem>>) target_semaphore(%arg8 : memref<!tpu.dma_semaphore, #tpu.memory_space<semaphore_mem>>)
            %slice3A_77 = vector.extract_strided_slice %get3A_58 {offsets = [1], sizes = [1], strides = [1]} : vector<16xi32> to vector<1xi32>
            %squeeze3A_78 = vector.extract %slice3A_77[0] : i32 from vector<1xi32>
            %shift_right_arithmetic3A_79 = arith.constant 3 : i32
            %shift_right_arithmetic3A_80 = arith.shrsi %squeeze3A_78, %shift_right_arithmetic3A_79 : i32
            %and3A_81 = arith.constant 7 : i32
            %and3A_82 = arith.andi %squeeze3A_78, %and3A_81 : i32
            %mul3A_83 = arith.constant 8 : i32
            %mul3A_84 = arith.muli %scan3A_52, %mul3A_83 : i32
            %add3A_85 = arith.constant 0 : i32
            %add3A_86 = arith.addi %mul3A_84, %add3A_85 : i32
            %dma_start3A_87 = arith.constant 64 : i32
            %dma_start3A_88 = tpu.memref_slice %arg6[%add3A_86, %dma_start3A_87] : memref<64x128xf32, #tpu.memory_space<vmem>> -> memref<1x64xf32, #tpu.memory_space<vmem>>
            %dma_start3A_89 = tpu.memref_squeeze %dma_start3A_88 : memref<1x64xf32, #tpu.memory_space<vmem>> -> memref<64xf32, #tpu.memory_space<vmem>>
            %dma_start3A_90 = arith.constant 0 : i32
            %dma_start3A_91 = tpu.memref_slice %arg3[%shift_right_arithmetic3A_80, %and3A_82, %dma_start3A_90] : memref<125000x8x64xf32, #tpu.memory_space<hbm>> -> memref<1x1x64xf32, #tpu.memory_space<hbm>>
            %dma_start3A_92 = tpu.memref_squeeze %dma_start3A_91 : memref<1x1x64xf32, #tpu.memory_space<hbm>> -> memref<64xf32, #tpu.memory_space<hbm>>
            %dma_start3A_93 = arith.constant 64 : i32
            %dma_start3A_94 = tpu.memref_slice %arg6[%add3A_86, %dma_start3A_93] : memref<64x128xf32, #tpu.memory_space<vmem>> -> memref<1x64xf32, #tpu.memory_space<vmem>>
            %dma_start3A_95 = tpu.memref_squeeze %dma_start3A_94 : memref<1x64xf32, #tpu.memory_space<vmem>> -> memref<64xf32, #tpu.memory_space<vmem>>
            %dma_start3A_96 = arith.constant 0 : i32
            %dma_start3A_97 = tpu.memref_slice %arg3[%shift_right_arithmetic3A_80, %and3A_82, %dma_start3A_96] : memref<125000x8x64xf32, #tpu.memory_space<hbm>> -> memref<1x1x64xf32, #tpu.memory_space<hbm>>
            %dma_start3A_98 = tpu.memref_squeeze %dma_start3A_97 : memref<1x1x64xf32, #tpu.memory_space<hbm>> -> memref<64xf32, #tpu.memory_space<hbm>>
            tpu.enqueue_dma source(%dma_start3A_98 : memref<64xf32, #tpu.memory_space<hbm>>) target(%dma_start3A_95 : memref<64xf32, #tpu.memory_space<vmem>>) target_semaphore(%arg8 : memref<!tpu.dma_semaphore, #tpu.memory_space<semaphore_mem>>)
            %slice3A_99 = vector.extract_strided_slice %get3A_58 {offsets = [2], sizes = [1], strides = [1]} : vector<16xi32> to vector<1xi32>
            %squeeze3A_100 = vector.extract %slice3A_99[0] : i32 from vector<1xi32>
            %shift_right_arithmetic3A_101 = arith.constant 3 : i32
            %shift_right_arithmetic3A_102 = arith.shrsi %squeeze3A_100, %shift_right_arithmetic3A_101 : i32
            %and3A_103 = arith.constant 7 : i32
            %and3A_104 = arith.andi %squeeze3A_100, %and3A_103 : i32
            %mul3A_105 = arith.constant 8 : i32
            %mul3A_106 = arith.muli %scan3A_52, %mul3A_105 : i32
            %add3A_107 = arith.constant 1 : i32
            %add3A_108 = arith.addi %mul3A_106, %add3A_107 : i32
            %dma_start3A_109 = arith.constant 0 : i32
            %dma_start3A_110 = tpu.memref_slice %arg6[%add3A_108, %dma_start3A_109] : memref<64x128xf32, #tpu.memory_space<vmem>> -> memref<1x64xf32, #tpu.memory_space<vmem>>
            %dma_start3A_111 = tpu.memref_squeeze %dma_start3A_110 : memref<1x64xf32, #tpu.memory_space<vmem>> -> memref<64xf32, #tpu.memory_space<vmem>>
            %dma_start3A_112 = arith.constant 0 : i32
            %dma_start3A_113 = tpu.memref_slice %arg3[%shift_right_arithmetic3A_102, %and3A_104, %dma_start3A_112] : memref<125000x8x64xf32, #tpu.memory_space<hbm>> -> memref<1x1x64xf32, #tpu.memory_space<hbm>>
            %dma_start3A_114 = tpu.memref_squeeze %dma_start3A_113 : memref<1x1x64xf32, #tpu.memory_space<hbm>> -> memref<64xf32, #tpu.memory_space<hbm>>
            %dma_start3A_115 = arith.constant 0 : i32
            %dma_start3A_116 = tpu.memref_slice %arg6[%add3A_108, %dma_start3A_115] : memref<64x128xf32, #tpu.memory_space<vmem>> -> memref<1x64xf32, #tpu.memory_space<vmem>>
            %dma_start3A_117 = tpu.memref_squeeze %dma_start3A_116 : memref<1x64xf32, #tpu.memory_space<vmem>> -> memref<64xf32, #tpu.memory_space<vmem>>
            %dma_start3A_118 = arith.constant 0 : i32
            %dma_start3A_119 = tpu.memref_slice %arg3[%shift_right_arithmetic3A_102, %and3A_104, %dma_start3A_118] : memref<125000x8x64xf32, #tpu.memory_space<hbm>> -> memref<1x1x64xf32, #tpu.memory_space<hbm>>
            %dma_start3A_120 = tpu.memref_squeeze %dma_start3A_119 : memref<1x1x64xf32, #tpu.memory_space<hbm>> -> memref<64xf32, #tpu.memory_space<hbm>>
            tpu.enqueue_dma source(%dma_start3A_120 : memref<64xf32, #tpu.memory_space<hbm>>) target(%dma_start3A_117 : memref<64xf32, #tpu.memory_space<vmem>>) target_semaphore(%arg8 : memref<!tpu.dma_semaphore, #tpu.memory_space<semaphore_mem>>)
            %slice3A_121 = vector.extract_strided_slice %get3A_58 {offsets = [3], sizes = [1], strides = [1]} : vector<16xi32> to vector<1xi32>
            %squeeze3A_122 = vector.extract %slice3A_121[0] : i32 from vector<1xi32>
            %shift_right_arithmetic3A_123 = arith.constant 3 : i32
            %shift_right_arithmetic3A_124 = arith.shrsi %squeeze3A_122, %shift_right_arithmetic3A_123 : i32
            %and3A_125 = arith.constant 7 : i32
            %and3A_126 = arith.andi %squeeze3A_122, %and3A_125 : i32
            %mul3A_127 = arith.constant 8 : i32
            %mul3A_128 = arith.muli %scan3A_52, %mul3A_127 : i32
            %add3A_129 = arith.constant 1 : i32
            %add3A_130 = arith.addi %mul3A_128, %add3A_129 : i32
            %dma_start3A_131 = arith.constant 64 : i32
            %dma_start3A_132 = tpu.memref_slice %arg6[%add3A_130, %dma_start3A_131] : memref<64x128xf32, #tpu.memory_space<vmem>> -> memref<1x64xf32, #tpu.memory_space<vmem>>
            %dma_start3A_133 = tpu.memref_squeeze %dma_start3A_132 : memref<1x64xf32, #tpu.memory_space<vmem>> -> memref<64xf32, #tpu.memory_space<vmem>>
            %dma_start3A_134 = arith.constant 0 : i32
            %dma_start3A_135 = tpu.memref_slice %arg3[%shift_right_arithmetic3A_124, %and3A_126, %dma_start3A_134] : memref<125000x8x64xf32, #tpu.memory_space<hbm>> -> memref<1x1x64xf32, #tpu.memory_space<hbm>>
            %dma_start3A_136 = tpu.memref_squeeze %dma_start3A_135 : memref<1x1x64xf32, #tpu.memory_space<hbm>> -> memref<64xf32, #tpu.memory_space<hbm>>
            %dma_start3A_137 = arith.constant 64 : i32
            %dma_start3A_138 = tpu.memref_slice %arg6[%add3A_130, %dma_start3A_137] : memref<64x128xf32, #tpu.memory_space<vmem>> -> memref<1x64xf32, #tpu.memory_space<vmem>>
            %dma_start3A_139 = tpu.memref_squeeze %dma_start3A_138 : memref<1x64xf32, #tpu.memory_space<vmem>> -> memref<64xf32, #tpu.memory_space<vmem>>
            %dma_start3A_140 = arith.constant 0 : i32
            %dma_start3A_141 = tpu.memref_slice %arg3[%shift_right_arithmetic3A_124, %and3A_126, %dma_start3A_140] : memref<125000x8x64xf32, #tpu.memory_space<hbm>> -> memref<1x1x64xf32, #tpu.memory_space<hbm>>
            %dma_start3A_142 = tpu.memref_squeeze %dma_start3A_141 : memref<1x1x64xf32, #tpu.memory_space<hbm>> -> memref<64xf32, #tpu.memory_space<hbm>>
            tpu.enqueue_dma source(%dma_start3A_142 : memref<64xf32, #tpu.memory_space<hbm>>) target(%dma_start3A_139 : memref<64xf32, #tpu.memory_space<vmem>>) target_semaphore(%arg8 : memref<!tpu.dma_semaphore, #tpu.memory_space<semaphore_mem>>)
            %slice3A_143 = vector.extract_strided_slice %get3A_58 {offsets = [4], sizes = [1], strides = [1]} : vector<16xi32> to vector<1xi32>
            %squeeze3A_144 = vector.extract %slice3A_143[0] : i32 from vector<1xi32>
            %shift_right_arithmetic3A_145 = arith.constant 3 : i32
            %shift_right_arithmetic3A_146 = arith.shrsi %squeeze3A_144, %shift_right_arithmetic3A_145 : i32
            %and3A_147 = arith.constant 7 : i32
            %and3A_148 = arith.andi %squeeze3A_144, %and3A_147 : i32
            %mul3A_149 = arith.constant 8 : i32
            %mul3A_150 = arith.muli %scan3A_52, %mul3A_149 : i32
            %add3A_151 = arith.constant 2 : i32
            %add3A_152 = arith.addi %mul3A_150, %add3A_151 : i32
            %dma_start3A_153 = arith.constant 0 : i32
            %dma_start3A_154 = tpu.memref_slice %arg6[%add3A_152, %dma_start3A_153] : memref<64x128xf32, #tpu.memory_space<vmem>> -> memref<1x64xf32, #tpu.memory_space<vmem>>
            %dma_start3A_155 = tpu.memref_squeeze %dma_start3A_154 : memref<1x64xf32, #tpu.memory_space<vmem>> -> memref<64xf32, #tpu.memory_space<vmem>>
            %dma_start3A_156 = arith.constant 0 : i32
            %dma_start3A_157 = tpu.memref_slice %arg3[%shift_right_arithmetic3A_146, %and3A_148, %dma_start3A_156] : memref<125000x8x64xf32, #tpu.memory_space<hbm>> -> memref<1x1x64xf32, #tpu.memory_space<hbm>>
            %dma_start3A_158 = tpu.memref_squeeze %dma_start3A_157 : memref<1x1x64xf32, #tpu.memory_space<hbm>> -> memref<64xf32, #tpu.memory_space<hbm>>
            %dma_start3A_159 = arith.constant 0 : i32
            %dma_start3A_160 = tpu.memref_slice %arg6[%add3A_152, %dma_start3A_159] : memref<64x128xf32, #tpu.memory_space<vmem>> -> memref<1x64xf32, #tpu.memory_space<vmem>>
            %dma_start3A_161 = tpu.memref_squeeze %dma_start3A_160 : memref<1x64xf32, #tpu.memory_space<vmem>> -> memref<64xf32, #tpu.memory_space<vmem>>
            %dma_start3A_162 = arith.constant 0 : i32
            %dma_start3A_163 = tpu.memref_slice %arg3[%shift_right_arithmetic3A_146, %and3A_148, %dma_start3A_162] : memref<125000x8x64xf32, #tpu.memory_space<hbm>> -> memref<1x1x64xf32, #tpu.memory_space<hbm>>
            %dma_start3A_164 = tpu.memref_squeeze %dma_start3A_163 : memref<1x1x64xf32, #tpu.memory_space<hbm>> -> memref<64xf32, #tpu.memory_space<hbm>>
            tpu.enqueue_dma source(%dma_start3A_164 : memref<64xf32, #tpu.memory_space<hbm>>) target(%dma_start3A_161 : memref<64xf32, #tpu.memory_space<vmem>>) target_semaphore(%arg8 : memref<!tpu.dma_semaphore, #tpu.memory_space<semaphore_mem>>)
            %slice3A_165 = vector.extract_strided_slice %get3A_58 {offsets = [5], sizes = [1], strides = [1]} : vector<16xi32> to vector<1xi32>
            %squeeze3A_166 = vector.extract %slice3A_165[0] : i32 from vector<1xi32>
            %shift_right_arithmetic3A_167 = arith.constant 3 : i32
            %shift_right_arithmetic3A_168 = arith.shrsi %squeeze3A_166, %shift_right_arithmetic3A_167 : i32
            %and3A_169 = arith.constant 7 : i32
            %and3A_170 = arith.andi %squeeze3A_166, %and3A_169 : i32
            %mul3A_171 = arith.constant 8 : i32
            %mul3A_172 = arith.muli %scan3A_52, %mul3A_171 : i32
            %add3A_173 = arith.constant 2 : i32
            %add3A_174 = arith.addi %mul3A_172, %add3A_173 : i32
            %dma_start3A_175 = arith.constant 64 : i32
            %dma_start3A_176 = tpu.memref_slice %arg6[%add3A_174, %dma_start3A_175] : memref<64x128xf32, #tpu.memory_space<vmem>> -> memref<1x64xf32, #tpu.memory_space<vmem>>
            %dma_start3A_177 = tpu.memref_squeeze %dma_start3A_176 : memref<1x64xf32, #tpu.memory_space<vmem>> -> memref<64xf32, #tpu.memory_space<vmem>>
            %dma_start3A_178 = arith.constant 0 : i32
            %dma_start3A_179 = tpu.memref_slice %arg3[%shift_right_arithmetic3A_168, %and3A_170, %dma_start3A_178] : memref<125000x8x64xf32, #tpu.memory_space<hbm>> -> memref<1x1x64xf32, #tpu.memory_space<hbm>>
            %dma_start3A_180 = tpu.memref_squeeze %dma_start3A_179 : memref<1x1x64xf32, #tpu.memory_space<hbm>> -> memref<64xf32, #tpu.memory_space<hbm>>
            %dma_start3A_181 = arith.constant 64 : i32
            %dma_start3A_182 = tpu.memref_slice %arg6[%add3A_174, %dma_start3A_181] : memref<64x128xf32, #tpu.memory_space<vmem>> -> memref<1x64xf32, #tpu.memory_space<vmem>>
            %dma_start3A_183 = tpu.memref_squeeze %dma_start3A_182 : memref<1x64xf32, #tpu.memory_space<vmem>> -> memref<64xf32, #tpu.memory_space<vmem>>
            %dma_start3A_184 = arith.constant 0 : i32
            %dma_start3A_185 = tpu.memref_slice %arg3[%shift_right_arithmetic3A_168, %and3A_170, %dma_start3A_184] : memref<125000x8x64xf32, #tpu.memory_space<hbm>> -> memref<1x1x64xf32, #tpu.memory_space<hbm>>
            %dma_start3A_186 = tpu.memref_squeeze %dma_start3A_185 : memref<1x1x64xf32, #tpu.memory_space<hbm>> -> memref<64xf32, #tpu.memory_space<hbm>>
            tpu.enqueue_dma source(%dma_start3A_186 : memref<64xf32, #tpu.memory_space<hbm>>) target(%dma_start3A_183 : memref<64xf32, #tpu.memory_space<vmem>>) target_semaphore(%arg8 : memref<!tpu.dma_semaphore, #tpu.memory_space<semaphore_mem>>)
            %slice3A_187 = vector.extract_strided_slice %get3A_58 {offsets = [6], sizes = [1], strides = [1]} : vector<16xi32> to vector<1xi32>
            %squeeze3A_188 = vector.extract %slice3A_187[0] : i32 from vector<1xi32>
            %shift_right_arithmetic3A_189 = arith.constant 3 : i32
            %shift_right_arithmetic3A_190 = arith.shrsi %squeeze3A_188, %shift_right_arithmetic3A_189 : i32
            %and3A_191 = arith.constant 7 : i32
            %and3A_192 = arith.andi %squeeze3A_188, %and3A_191 : i32
            %mul3A_193 = arith.constant 8 : i32
            %mul3A_194 = arith.muli %scan3A_52, %mul3A_193 : i32
            %add3A_195 = arith.constant 3 : i32
            %add3A_196 = arith.addi %mul3A_194, %add3A_195 : i32
            %dma_start3A_197 = arith.constant 0 : i32
            %dma_start3A_198 = tpu.memref_slice %arg6[%add3A_196, %dma_start3A_197] : memref<64x128xf32, #tpu.memory_space<vmem>> -> memref<1x64xf32, #tpu.memory_space<vmem>>
            %dma_start3A_199 = tpu.memref_squeeze %dma_start3A_198 : memref<1x64xf32, #tpu.memory_space<vmem>> -> memref<64xf32, #tpu.memory_space<vmem>>
            %dma_start3A_200 = arith.constant 0 : i32
            %dma_start3A_201 = tpu.memref_slice %arg3[%shift_right_arithmetic3A_190, %and3A_192, %dma_start3A_200] : memref<125000x8x64xf32, #tpu.memory_space<hbm>> -> memref<1x1x64xf32, #tpu.memory_space<hbm>>
            %dma_start3A_202 = tpu.memref_squeeze %dma_start3A_201 : memref<1x1x64xf32, #tpu.memory_space<hbm>> -> memref<64xf32, #tpu.memory_space<hbm>>
            %dma_start3A_203 = arith.constant 0 : i32
            %dma_start3A_204 = tpu.memref_slice %arg6[%add3A_196, %dma_start3A_203] : memref<64x128xf32, #tpu.memory_space<vmem>> -> memref<1x64xf32, #tpu.memory_space<vmem>>
            %dma_start3A_205 = tpu.memref_squeeze %dma_start3A_204 : memref<1x64xf32, #tpu.memory_space<vmem>> -> memref<64xf32, #tpu.memory_space<vmem>>
            %dma_start3A_206 = arith.constant 0 : i32
            %dma_start3A_207 = tpu.memref_slice %arg3[%shift_right_arithmetic3A_190, %and3A_192, %dma_start3A_206] : memref<125000x8x64xf32, #tpu.memory_space<hbm>> -> memref<1x1x64xf32, #tpu.memory_space<hbm>>
            %dma_start3A_208 = tpu.memref_squeeze %dma_start3A_207 : memref<1x1x64xf32, #tpu.memory_space<hbm>> -> memref<64xf32, #tpu.memory_space<hbm>>
            tpu.enqueue_dma source(%dma_start3A_208 : memref<64xf32, #tpu.memory_space<hbm>>) target(%dma_start3A_205 : memref<64xf32, #tpu.memory_space<vmem>>) target_semaphore(%arg8 : memref<!tpu.dma_semaphore, #tpu.memory_space<semaphore_mem>>)
            %slice3A_209 = vector.extract_strided_slice %get3A_58 {offsets = [7], sizes = [1], strides = [1]} : vector<16xi32> to vector<1xi32>
            %squeeze3A_210 = vector.extract %slice3A_209[0] : i32 from vector<1xi32>
            %shift_right_arithmetic3A_211 = arith.constant 3 : i32
            %shift_right_arithmetic3A_212 = arith.shrsi %squeeze3A_210, %shift_right_arithmetic3A_211 : i32
            %and3A_213 = arith.constant 7 : i32
            %and3A_214 = arith.andi %squeeze3A_210, %and3A_213 : i32
            %mul3A_215 = arith.constant 8 : i32
            %mul3A_216 = arith.muli %scan3A_52, %mul3A_215 : i32
            %add3A_217 = arith.constant 3 : i32
            %add3A_218 = arith.addi %mul3A_216, %add3A_217 : i32
            %dma_start3A_219 = arith.constant 64 : i32
            %dma_start3A_220 = tpu.memref_slice %arg6[%add3A_218, %dma_start3A_219] : memref<64x128xf32, #tpu.memory_space<vmem>> -> memref<1x64xf32, #tpu.memory_space<vmem>>
            %dma_start3A_221 = tpu.memref_squeeze %dma_start3A_220 : memref<1x64xf32, #tpu.memory_space<vmem>> -> memref<64xf32, #tpu.memory_space<vmem>>
            %dma_start3A_222 = arith.constant 0 : i32
            %dma_start3A_223 = tpu.memref_slice %arg3[%shift_right_arithmetic3A_212, %and3A_214, %dma_start3A_222] : memref<125000x8x64xf32, #tpu.memory_space<hbm>> -> memref<1x1x64xf32, #tpu.memory_space<hbm>>
            %dma_start3A_224 = tpu.memref_squeeze %dma_start3A_223 : memref<1x1x64xf32, #tpu.memory_space<hbm>> -> memref<64xf32, #tpu.memory_space<hbm>>
            %dma_start3A_225 = arith.constant 64 : i32
            %dma_start3A_226 = tpu.memref_slice %arg6[%add3A_218, %dma_start3A_225] : memref<64x128xf32, #tpu.memory_space<vmem>> -> memref<1x64xf32, #tpu.memory_space<vmem>>
            %dma_start3A_227 = tpu.memref_squeeze %dma_start3A_226 : memref<1x64xf32, #tpu.memory_space<vmem>> -> memref<64xf32, #tpu.memory_space<vmem>>
            %dma_start3A_228 = arith.constant 0 : i32
            %dma_start3A_229 = tpu.memref_slice %arg3[%shift_right_arithmetic3A_212, %and3A_214, %dma_start3A_228] : memref<125000x8x64xf32, #tpu.memory_space<hbm>> -> memref<1x1x64xf32, #tpu.memory_space<hbm>>
            %dma_start3A_230 = tpu.memref_squeeze %dma_start3A_229 : memref<1x1x64xf32, #tpu.memory_space<hbm>> -> memref<64xf32, #tpu.memory_space<hbm>>
            tpu.enqueue_dma source(%dma_start3A_230 : memref<64xf32, #tpu.memory_space<hbm>>) target(%dma_start3A_227 : memref<64xf32, #tpu.memory_space<vmem>>) target_semaphore(%arg8 : memref<!tpu.dma_semaphore, #tpu.memory_space<semaphore_mem>>)
            %slice3A_231 = vector.extract_strided_slice %get3A_58 {offsets = [8], sizes = [1], strides = [1]} : vector<16xi32> to vector<1xi32>
            %squeeze3A_232 = vector.extract %slice3A_231[0] : i32 from vector<1xi32>
            %shift_right_arithmetic3A_233 = arith.constant 3 : i32
            %shift_right_arithmetic3A_234 = arith.shrsi %squeeze3A_232, %shift_right_arithmetic3A_233 : i32
            %and3A_235 = arith.constant 7 : i32
            %and3A_236 = arith.andi %squeeze3A_232, %and3A_235 : i32
            %mul3A_237 = arith.constant 8 : i32
            %mul3A_238 = arith.muli %scan3A_52, %mul3A_237 : i32
            %add3A_239 = arith.constant 4 : i32
            %add3A_240 = arith.addi %mul3A_238, %add3A_239 : i32
            %dma_start3A_241 = arith.constant 0 : i32
            %dma_start3A_242 = tpu.memref_slice %arg6[%add3A_240, %dma_start3A_241] : memref<64x128xf32, #tpu.memory_space<vmem>> -> memref<1x64xf32, #tpu.memory_space<vmem>>
            %dma_start3A_243 = tpu.memref_squeeze %dma_start3A_242 : memref<1x64xf32, #tpu.memory_space<vmem>> -> memref<64xf32, #tpu.memory_space<vmem>>
            %dma_start3A_244 = arith.constant 0 : i32
            %dma_start3A_245 = tpu.memref_slice %arg3[%shift_right_arithmetic3A_234, %and3A_236, %dma_start3A_244] : memref<125000x8x64xf32, #tpu.memory_space<hbm>> -> memref<1x1x64xf32, #tpu.memory_space<hbm>>
            %dma_start3A_246 = tpu.memref_squeeze %dma_start3A_245 : memref<1x1x64xf32, #tpu.memory_space<hbm>> -> memref<64xf32, #tpu.memory_space<hbm>>
            %dma_start3A_247 = arith.constant 0 : i32
            %dma_start3A_248 = tpu.memref_slice %arg6[%add3A_240, %dma_start3A_247] : memref<64x128xf32, #tpu.memory_space<vmem>> -> memref<1x64xf32, #tpu.memory_space<vmem>>
            %dma_start3A_249 = tpu.memref_squeeze %dma_start3A_248 : memref<1x64xf32, #tpu.memory_space<vmem>> -> memref<64xf32, #tpu.memory_space<vmem>>
            %dma_start3A_250 = arith.constant 0 : i32
            %dma_start3A_251 = tpu.memref_slice %arg3[%shift_right_arithmetic3A_234, %and3A_236, %dma_start3A_250] : memref<125000x8x64xf32, #tpu.memory_space<hbm>> -> memref<1x1x64xf32, #tpu.memory_space<hbm>>
            %dma_start3A_252 = tpu.memref_squeeze %dma_start3A_251 : memref<1x1x64xf32, #tpu.memory_space<hbm>> -> memref<64xf32, #tpu.memory_space<hbm>>
            tpu.enqueue_dma source(%dma_start3A_252 : memref<64xf32, #tpu.memory_space<hbm>>) target(%dma_start3A_249 : memref<64xf32, #tpu.memory_space<vmem>>) target_semaphore(%arg8 : memref<!tpu.dma_semaphore, #tpu.memory_space<semaphore_mem>>)
            %slice3A_253 = vector.extract_strided_slice %get3A_58 {offsets = [9], sizes = [1], strides = [1]} : vector<16xi32> to vector<1xi32>
            %squeeze3A_254 = vector.extract %slice3A_253[0] : i32 from vector<1xi32>
            %shift_right_arithmetic3A_255 = arith.constant 3 : i32
            %shift_right_arithmetic3A_256 = arith.shrsi %squeeze3A_254, %shift_right_arithmetic3A_255 : i32
            %and3A_257 = arith.constant 7 : i32
            %and3A_258 = arith.andi %squeeze3A_254, %and3A_257 : i32
            %mul3A_259 = arith.constant 8 : i32
            %mul3A_260 = arith.muli %scan3A_52, %mul3A_259 : i32
            %add3A_261 = arith.constant 4 : i32
            %add3A_262 = arith.addi %mul3A_260, %add3A_261 : i32
            %dma_start3A_263 = arith.constant 64 : i32
            %dma_start3A_264 = tpu.memref_slice %arg6[%add3A_262, %dma_start3A_263] : memref<64x128xf32, #tpu.memory_space<vmem>> -> memref<1x64xf32, #tpu.memory_space<vmem>>
            %dma_start3A_265 = tpu.memref_squeeze %dma_start3A_264 : memref<1x64xf32, #tpu.memory_space<vmem>> -> memref<64xf32, #tpu.memory_space<vmem>>
            %dma_start3A_266 = arith.constant 0 : i32
            %dma_start3A_267 = tpu.memref_slice %arg3[%shift_right_arithmetic3A_256, %and3A_258, %dma_start3A_266] : memref<125000x8x64xf32, #tpu.memory_space<hbm>> -> memref<1x1x64xf32, #tpu.memory_space<hbm>>
            %dma_start3A_268 = tpu.memref_squeeze %dma_start3A_267 : memref<1x1x64xf32, #tpu.memory_space<hbm>> -> memref<64xf32, #tpu.memory_space<hbm>>
            %dma_start3A_269 = arith.constant 64 : i32
            %dma_start3A_270 = tpu.memref_slice %arg6[%add3A_262, %dma_start3A_269] : memref<64x128xf32, #tpu.memory_space<vmem>> -> memref<1x64xf32, #tpu.memory_space<vmem>>
            %dma_start3A_271 = tpu.memref_squeeze %dma_start3A_270 : memref<1x64xf32, #tpu.memory_space<vmem>> -> memref<64xf32, #tpu.memory_space<vmem>>
            %dma_start3A_272 = arith.constant 0 : i32
            %dma_start3A_273 = tpu.memref_slice %arg3[%shift_right_arithmetic3A_256, %and3A_258, %dma_start3A_272] : memref<125000x8x64xf32, #tpu.memory_space<hbm>> -> memref<1x1x64xf32, #tpu.memory_space<hbm>>
            %dma_start3A_274 = tpu.memref_squeeze %dma_start3A_273 : memref<1x1x64xf32, #tpu.memory_space<hbm>> -> memref<64xf32, #tpu.memory_space<hbm>>
            tpu.enqueue_dma source(%dma_start3A_274 : memref<64xf32, #tpu.memory_space<hbm>>) target(%dma_start3A_271 : memref<64xf32, #tpu.memory_space<vmem>>) target_semaphore(%arg8 : memref<!tpu.dma_semaphore, #tpu.memory_space<semaphore_mem>>)
            %slice3A_275 = vector.extract_strided_slice %get3A_58 {offsets = [10], sizes = [1], strides = [1]} : vector<16xi32> to vector<1xi32>
            %squeeze3A_276 = vector.extract %slice3A_275[0] : i32 from vector<1xi32>
            %shift_right_arithmetic3A_277 = arith.constant 3 : i32
            %shift_right_arithmetic3A_278 = arith.shrsi %squeeze3A_276, %shift_right_arithmetic3A_277 : i32
            %and3A_279 = arith.constant 7 : i32
            %and3A_280 = arith.andi %squeeze3A_276, %and3A_279 : i32
            %mul3A_281 = arith.constant 8 : i32
            %mul3A_282 = arith.muli %scan3A_52, %mul3A_281 : i32
            %add3A_283 = arith.constant 5 : i32
            %add3A_284 = arith.addi %mul3A_282, %add3A_283 : i32
            %dma_start3A_285 = arith.constant 0 : i32
            %dma_start3A_286 = tpu.memref_slice %arg6[%add3A_284, %dma_start3A_285] : memref<64x128xf32, #tpu.memory_space<vmem>> -> memref<1x64xf32, #tpu.memory_space<vmem>>
            %dma_start3A_287 = tpu.memref_squeeze %dma_start3A_286 : memref<1x64xf32, #tpu.memory_space<vmem>> -> memref<64xf32, #tpu.memory_space<vmem>>
            %dma_start3A_288 = arith.constant 0 : i32
            %dma_start3A_289 = tpu.memref_slice %arg3[%shift_right_arithmetic3A_278, %and3A_280, %dma_start3A_288] : memref<125000x8x64xf32, #tpu.memory_space<hbm>> -> memref<1x1x64xf32, #tpu.memory_space<hbm>>
            %dma_start3A_290 = tpu.memref_squeeze %dma_start3A_289 : memref<1x1x64xf32, #tpu.memory_space<hbm>> -> memref<64xf32, #tpu.memory_space<hbm>>
            %dma_start3A_291 = arith.constant 0 : i32
            %dma_start3A_292 = tpu.memref_slice %arg6[%add3A_284, %dma_start3A_291] : memref<64x128xf32, #tpu.memory_space<vmem>> -> memref<1x64xf32, #tpu.memory_space<vmem>>
            %dma_start3A_293 = tpu.memref_squeeze %dma_start3A_292 : memref<1x64xf32, #tpu.memory_space<vmem>> -> memref<64xf32, #tpu.memory_space<vmem>>
            %dma_start3A_294 = arith.constant 0 : i32
            %dma_start3A_295 = tpu.memref_slice %arg3[%shift_right_arithmetic3A_278, %and3A_280, %dma_start3A_294] : memref<125000x8x64xf32, #tpu.memory_space<hbm>> -> memref<1x1x64xf32, #tpu.memory_space<hbm>>
            %dma_start3A_296 = tpu.memref_squeeze %dma_start3A_295 : memref<1x1x64xf32, #tpu.memory_space<hbm>> -> memref<64xf32, #tpu.memory_space<hbm>>
            tpu.enqueue_dma source(%dma_start3A_296 : memref<64xf32, #tpu.memory_space<hbm>>) target(%dma_start3A_293 : memref<64xf32, #tpu.memory_space<vmem>>) target_semaphore(%arg8 : memref<!tpu.dma_semaphore, #tpu.memory_space<semaphore_mem>>)
            %slice3A_297 = vector.extract_strided_slice %get3A_58 {offsets = [11], sizes = [1], strides = [1]} : vector<16xi32> to vector<1xi32>
            %squeeze3A_298 = vector.extract %slice3A_297[0] : i32 from vector<1xi32>
            %shift_right_arithmetic3A_299 = arith.constant 3 : i32
            %shift_right_arithmetic3A_300 = arith.shrsi %squeeze3A_298, %shift_right_arithmetic3A_299 : i32
            %and3A_301 = arith.constant 7 : i32
            %and3A_302 = arith.andi %squeeze3A_298, %and3A_301 : i32
            %mul3A_303 = arith.constant 8 : i32
            %mul3A_304 = arith.muli %scan3A_52, %mul3A_303 : i32
            %add3A_305 = arith.constant 5 : i32
            %add3A_306 = arith.addi %mul3A_304, %add3A_305 : i32
            %dma_start3A_307 = arith.constant 64 : i32
            %dma_start3A_308 = tpu.memref_slice %arg6[%add3A_306, %dma_start3A_307] : memref<64x128xf32, #tpu.memory_space<vmem>> -> memref<1x64xf32, #tpu.memory_space<vmem>>
            %dma_start3A_309 = tpu.memref_squeeze %dma_start3A_308 : memref<1x64xf32, #tpu.memory_space<vmem>> -> memref<64xf32, #tpu.memory_space<vmem>>
            %dma_start3A_310 = arith.constant 0 : i32
            %dma_start3A_311 = tpu.memref_slice %arg3[%shift_right_arithmetic3A_300, %and3A_302, %dma_start3A_310] : memref<125000x8x64xf32, #tpu.memory_space<hbm>> -> memref<1x1x64xf32, #tpu.memory_space<hbm>>
            %dma_start3A_312 = tpu.memref_squeeze %dma_start3A_311 : memref<1x1x64xf32, #tpu.memory_space<hbm>> -> memref<64xf32, #tpu.memory_space<hbm>>
            %dma_start3A_313 = arith.constant 64 : i32
            %dma_start3A_314 = tpu.memref_slice %arg6[%add3A_306, %dma_start3A_313] : memref<64x128xf32, #tpu.memory_space<vmem>> -> memref<1x64xf32, #tpu.memory_space<vmem>>
            %dma_start3A_315 = tpu.memref_squeeze %dma_start3A_314 : memref<1x64xf32, #tpu.memory_space<vmem>> -> memref<64xf32, #tpu.memory_space<vmem>>
            %dma_start3A_316 = arith.constant 0 : i32
            %dma_start3A_317 = tpu.memref_slice %arg3[%shift_right_arithmetic3A_300, %and3A_302, %dma_start3A_316] : memref<125000x8x64xf32, #tpu.memory_space<hbm>> -> memref<1x1x64xf32, #tpu.memory_space<hbm>>
            %dma_start3A_318 = tpu.memref_squeeze %dma_start3A_317 : memref<1x1x64xf32, #tpu.memory_space<hbm>> -> memref<64xf32, #tpu.memory_space<hbm>>
            tpu.enqueue_dma source(%dma_start3A_318 : memref<64xf32, #tpu.memory_space<hbm>>) target(%dma_start3A_315 : memref<64xf32, #tpu.memory_space<vmem>>) target_semaphore(%arg8 : memref<!tpu.dma_semaphore, #tpu.memory_space<semaphore_mem>>)
            %slice3A_319 = vector.extract_strided_slice %get3A_58 {offsets = [12], sizes = [1], strides = [1]} : vector<16xi32> to vector<1xi32>
            %squeeze3A_320 = vector.extract %slice3A_319[0] : i32 from vector<1xi32>
            %shift_right_arithmetic3A_321 = arith.constant 3 : i32
            %shift_right_arithmetic3A_322 = arith.shrsi %squeeze3A_320, %shift_right_arithmetic3A_321 : i32
            %and3A_323 = arith.constant 7 : i32
            %and3A_324 = arith.andi %squeeze3A_320, %and3A_323 : i32
            %mul3A_325 = arith.constant 8 : i32
            %mul3A_326 = arith.muli %scan3A_52, %mul3A_325 : i32
            %add3A_327 = arith.constant 6 : i32
            %add3A_328 = arith.addi %mul3A_326, %add3A_327 : i32
            %dma_start3A_329 = arith.constant 0 : i32
            %dma_start3A_330 = tpu.memref_slice %arg6[%add3A_328, %dma_start3A_329] : memref<64x128xf32, #tpu.memory_space<vmem>> -> memref<1x64xf32, #tpu.memory_space<vmem>>
            %dma_start3A_331 = tpu.memref_squeeze %dma_start3A_330 : memref<1x64xf32, #tpu.memory_space<vmem>> -> memref<64xf32, #tpu.memory_space<vmem>>
            %dma_start3A_332 = arith.constant 0 : i32
            %dma_start3A_333 = tpu.memref_slice %arg3[%shift_right_arithmetic3A_322, %and3A_324, %dma_start3A_332] : memref<125000x8x64xf32, #tpu.memory_space<hbm>> -> memref<1x1x64xf32, #tpu.memory_space<hbm>>
            %dma_start3A_334 = tpu.memref_squeeze %dma_start3A_333 : memref<1x1x64xf32, #tpu.memory_space<hbm>> -> memref<64xf32, #tpu.memory_space<hbm>>
            %dma_start3A_335 = arith.constant 0 : i32
            %dma_start3A_336 = tpu.memref_slice %arg6[%add3A_328, %dma_start3A_335] : memref<64x128xf32, #tpu.memory_space<vmem>> -> memref<1x64xf32, #tpu.memory_space<vmem>>
            %dma_start3A_337 = tpu.memref_squeeze %dma_start3A_336 : memref<1x64xf32, #tpu.memory_space<vmem>> -> memref<64xf32, #tpu.memory_space<vmem>>
            %dma_start3A_338 = arith.constant 0 : i32
            %dma_start3A_339 = tpu.memref_slice %arg3[%shift_right_arithmetic3A_322, %and3A_324, %dma_start3A_338] : memref<125000x8x64xf32, #tpu.memory_space<hbm>> -> memref<1x1x64xf32, #tpu.memory_space<hbm>>
            %dma_start3A_340 = tpu.memref_squeeze %dma_start3A_339 : memref<1x1x64xf32, #tpu.memory_space<hbm>> -> memref<64xf32, #tpu.memory_space<hbm>>
            tpu.enqueue_dma source(%dma_start3A_340 : memref<64xf32, #tpu.memory_space<hbm>>) target(%dma_start3A_337 : memref<64xf32, #tpu.memory_space<vmem>>) target_semaphore(%arg8 : memref<!tpu.dma_semaphore, #tpu.memory_space<semaphore_mem>>)
            %slice3A_341 = vector.extract_strided_slice %get3A_58 {offsets = [13], sizes = [1], strides = [1]} : vector<16xi32> to vector<1xi32>
            %squeeze3A_342 = vector.extract %slice3A_341[0] : i32 from vector<1xi32>
            %shift_right_arithmetic3A_343 = arith.constant 3 : i32
            %shift_right_arithmetic3A_344 = arith.shrsi %squeeze3A_342, %shift_right_arithmetic3A_343 : i32
            %and3A_345 = arith.constant 7 : i32
            %and3A_346 = arith.andi %squeeze3A_342, %and3A_345 : i32
            %mul3A_347 = arith.constant 8 : i32
            %mul3A_348 = arith.muli %scan3A_52, %mul3A_347 : i32
            %add3A_349 = arith.constant 6 : i32
            %add3A_350 = arith.addi %mul3A_348, %add3A_349 : i32
            %dma_start3A_351 = arith.constant 64 : i32
            %dma_start3A_352 = tpu.memref_slice %arg6[%add3A_350, %dma_start3A_351] : memref<64x128xf32, #tpu.memory_space<vmem>> -> memref<1x64xf32, #tpu.memory_space<vmem>>
            %dma_start3A_353 = tpu.memref_squeeze %dma_start3A_352 : memref<1x64xf32, #tpu.memory_space<vmem>> -> memref<64xf32, #tpu.memory_space<vmem>>
            %dma_start3A_354 = arith.constant 0 : i32
            %dma_start3A_355 = tpu.memref_slice %arg3[%shift_right_arithmetic3A_344, %and3A_346, %dma_start3A_354] : memref<125000x8x64xf32, #tpu.memory_space<hbm>> -> memref<1x1x64xf32, #tpu.memory_space<hbm>>
            %dma_start3A_356 = tpu.memref_squeeze %dma_start3A_355 : memref<1x1x64xf32, #tpu.memory_space<hbm>> -> memref<64xf32, #tpu.memory_space<hbm>>
            %dma_start3A_357 = arith.constant 64 : i32
            %dma_start3A_358 = tpu.memref_slice %arg6[%add3A_350, %dma_start3A_357] : memref<64x128xf32, #tpu.memory_space<vmem>> -> memref<1x64xf32, #tpu.memory_space<vmem>>
            %dma_start3A_359 = tpu.memref_squeeze %dma_start3A_358 : memref<1x64xf32, #tpu.memory_space<vmem>> -> memref<64xf32, #tpu.memory_space<vmem>>
            %dma_start3A_360 = arith.constant 0 : i32
            %dma_start3A_361 = tpu.memref_slice %arg3[%shift_right_arithmetic3A_344, %and3A_346, %dma_start3A_360] : memref<125000x8x64xf32, #tpu.memory_space<hbm>> -> memref<1x1x64xf32, #tpu.memory_space<hbm>>
            %dma_start3A_362 = tpu.memref_squeeze %dma_start3A_361 : memref<1x1x64xf32, #tpu.memory_space<hbm>> -> memref<64xf32, #tpu.memory_space<hbm>>
            tpu.enqueue_dma source(%dma_start3A_362 : memref<64xf32, #tpu.memory_space<hbm>>) target(%dma_start3A_359 : memref<64xf32, #tpu.memory_space<vmem>>) target_semaphore(%arg8 : memref<!tpu.dma_semaphore, #tpu.memory_space<semaphore_mem>>)
            %slice3A_363 = vector.extract_strided_slice %get3A_58 {offsets = [14], sizes = [1], strides = [1]} : vector<16xi32> to vector<1xi32>
            %squeeze3A_364 = vector.extract %slice3A_363[0] : i32 from vector<1xi32>
            %shift_right_arithmetic3A_365 = arith.constant 3 : i32
            %shift_right_arithmetic3A_366 = arith.shrsi %squeeze3A_364, %shift_right_arithmetic3A_365 : i32
            %and3A_367 = arith.constant 7 : i32
            %and3A_368 = arith.andi %squeeze3A_364, %and3A_367 : i32
            %mul3A_369 = arith.constant 8 : i32
            %mul3A_370 = arith.muli %scan3A_52, %mul3A_369 : i32
            %add3A_371 = arith.constant 7 : i32
            %add3A_372 = arith.addi %mul3A_370, %add3A_371 : i32
            %dma_start3A_373 = arith.constant 0 : i32
            %dma_start3A_374 = tpu.memref_slice %arg6[%add3A_372, %dma_start3A_373] : memref<64x128xf32, #tpu.memory_space<vmem>> -> memref<1x64xf32, #tpu.memory_space<vmem>>
            %dma_start3A_375 = tpu.memref_squeeze %dma_start3A_374 : memref<1x64xf32, #tpu.memory_space<vmem>> -> memref<64xf32, #tpu.memory_space<vmem>>
            %dma_start3A_376 = arith.constant 0 : i32
            %dma_start3A_377 = tpu.memref_slice %arg3[%shift_right_arithmetic3A_366, %and3A_368, %dma_start3A_376] : memref<125000x8x64xf32, #tpu.memory_space<hbm>> -> memref<1x1x64xf32, #tpu.memory_space<hbm>>
            %dma_start3A_378 = tpu.memref_squeeze %dma_start3A_377 : memref<1x1x64xf32, #tpu.memory_space<hbm>> -> memref<64xf32, #tpu.memory_space<hbm>>
            %dma_start3A_379 = arith.constant 0 : i32
            %dma_start3A_380 = tpu.memref_slice %arg6[%add3A_372, %dma_start3A_379] : memref<64x128xf32, #tpu.memory_space<vmem>> -> memref<1x64xf32, #tpu.memory_space<vmem>>
            %dma_start3A_381 = tpu.memref_squeeze %dma_start3A_380 : memref<1x64xf32, #tpu.memory_space<vmem>> -> memref<64xf32, #tpu.memory_space<vmem>>
            %dma_start3A_382 = arith.constant 0 : i32
            %dma_start3A_383 = tpu.memref_slice %arg3[%shift_right_arithmetic3A_366, %and3A_368, %dma_start3A_382] : memref<125000x8x64xf32, #tpu.memory_space<hbm>> -> memref<1x1x64xf32, #tpu.memory_space<hbm>>
            %dma_start3A_384 = tpu.memref_squeeze %dma_start3A_383 : memref<1x1x64xf32, #tpu.memory_space<hbm>> -> memref<64xf32, #tpu.memory_space<hbm>>
            tpu.enqueue_dma source(%dma_start3A_384 : memref<64xf32, #tpu.memory_space<hbm>>) target(%dma_start3A_381 : memref<64xf32, #tpu.memory_space<vmem>>) target_semaphore(%arg8 : memref<!tpu.dma_semaphore, #tpu.memory_space<semaphore_mem>>)
            %slice3A_385 = vector.extract_strided_slice %get3A_58 {offsets = [15], sizes = [1], strides = [1]} : vector<16xi32> to vector<1xi32>
            %squeeze3A_386 = vector.extract %slice3A_385[0] : i32 from vector<1xi32>
            %shift_right_arithmetic3A_387 = arith.constant 3 : i32
            %shift_right_arithmetic3A_388 = arith.shrsi %squeeze3A_386, %shift_right_arithmetic3A_387 : i32
            %and3A_389 = arith.constant 7 : i32
            %and3A_390 = arith.andi %squeeze3A_386, %and3A_389 : i32
            %mul3A_391 = arith.constant 8 : i32
            %mul3A_392 = arith.muli %scan3A_52, %mul3A_391 : i32
            %add3A_393 = arith.constant 7 : i32
            %add3A_394 = arith.addi %mul3A_392, %add3A_393 : i32
            %dma_start3A_395 = arith.constant 64 : i32
            %dma_start3A_396 = tpu.memref_slice %arg6[%add3A_394, %dma_start3A_395] : memref<64x128xf32, #tpu.memory_space<vmem>> -> memref<1x64xf32, #tpu.memory_space<vmem>>
            %dma_start3A_397 = tpu.memref_squeeze %dma_start3A_396 : memref<1x64xf32, #tpu.memory_space<vmem>> -> memref<64xf32, #tpu.memory_space<vmem>>
            %dma_start3A_398 = arith.constant 0 : i32
            %dma_start3A_399 = tpu.memref_slice %arg3[%shift_right_arithmetic3A_388, %and3A_390, %dma_start3A_398] : memref<125000x8x64xf32, #tpu.memory_space<hbm>> -> memref<1x1x64xf32, #tpu.memory_space<hbm>>
            %dma_start3A_400 = tpu.memref_squeeze %dma_start3A_399 : memref<1x1x64xf32, #tpu.memory_space<hbm>> -> memref<64xf32, #tpu.memory_space<hbm>>
            %dma_start3A_401 = arith.constant 64 : i32
            %dma_start3A_402 = tpu.memref_slice %arg6[%add3A_394, %dma_start3A_401] : memref<64x128xf32, #tpu.memory_space<vmem>> -> memref<1x64xf32, #tpu.memory_space<vmem>>
            %dma_start3A_403 = tpu.memref_squeeze %dma_start3A_402 : memref<1x64xf32, #tpu.memory_space<vmem>> -> memref<64xf32, #tpu.memory_space<vmem>>
            %dma_start3A_404 = arith.constant 0 : i32
            %dma_start3A_405 = tpu.memref_slice %arg3[%shift_right_arithmetic3A_388, %and3A_390, %dma_start3A_404] : memref<125000x8x64xf32, #tpu.memory_space<hbm>> -> memref<1x1x64xf32, #tpu.memory_space<hbm>>
            %dma_start3A_406 = tpu.memref_squeeze %dma_start3A_405 : memref<1x1x64xf32, #tpu.memory_space<hbm>> -> memref<64xf32, #tpu.memory_space<hbm>>
            tpu.enqueue_dma source(%dma_start3A_406 : memref<64xf32, #tpu.memory_space<hbm>>) target(%dma_start3A_403 : memref<64xf32, #tpu.memory_space<vmem>>) target_semaphore(%arg8 : memref<!tpu.dma_semaphore, #tpu.memory_space<semaphore_mem>>)
            %scan3A_407 = arith.constant 0 : i32
            scf.yield %scan3A_407 : i32
          }
          %scan3A_51 = arith.constant 8 : i32
        } else {
        }
        %mul3A_40 = arith.constant 64 : i32
        %mul3A_41 = arith.muli %scan3A_16, %mul3A_40 : i32
        %add3A_42 = arith.addi %mul3A_2, %mul3A_41 : i32
        "tpu.region"() ({
          %run_scoped3A = tpu.sem_alloc : memref<!tpu.dma_semaphore, #tpu.memory_space<semaphore_mem>>
          %dma_start3A = arith.constant 0 : i32
          %dma_start3A_43 = tpu.memref_slice %arg4[%add3A_42, %dma_start3A] : memref<102400x128xf32, #tpu.memory_space<hbm>> -> memref<64x128xf32, #tpu.memory_space<hbm>>
          %dma_start3A_44 = arith.constant 0 : i32
          %dma_start3A_45 = tpu.memref_slice %arg4[%add3A_42, %dma_start3A_44] : memref<102400x128xf32, #tpu.memory_space<hbm>> -> memref<64x128xf32, #tpu.memory_space<hbm>>
          tpu.enqueue_dma source(%arg7 : memref<64x128xf32, #tpu.memory_space<vmem>>) target(%dma_start3A_45 : memref<64x128xf32, #tpu.memory_space<hbm>>) target_semaphore(%run_scoped3A : memref<!tpu.dma_semaphore, #tpu.memory_space<semaphore_mem>>)
          %dma_wait3A = arith.constant 0 : i32
          %dma_wait3A_46 = tpu.memref_slice %arg4[%add3A_42, %dma_wait3A] : memref<102400x128xf32, #tpu.memory_space<hbm>> -> memref<64x128xf32, #tpu.memory_space<hbm>>
          %dma_wait3A_47 = arith.constant 0 : i32
          %dma_wait3A_48 = tpu.memref_slice %arg4[%add3A_42, %dma_wait3A_47] : memref<102400x128xf32, #tpu.memory_space<hbm>> -> memref<64x128xf32, #tpu.memory_space<hbm>>
          tpu.wait_dma2 semaphore(%run_scoped3A : memref<!tpu.dma_semaphore, #tpu.memory_space<semaphore_mem>>) src(%arg7 : memref<64x128xf32, #tpu.memory_space<vmem>>) dst(%dma_wait3A_48 : memref<64x128xf32, #tpu.memory_space<hbm>>)
          tpu.yield
        }) : () -> ()
      } else {
      }
      %scan3A_28 = arith.constant 0 : i32
      scf.yield %scan3A_28 : i32
    }
    %scan3A_15 = arith.constant 50 : i32
    return
  }
}

module attributes {stable_mosaic.version = 14 : i64} {
  func.func @_mm_body(%arg0: i32, %arg1: memref<1024x128xf32, #tpu.memory_space<vmem>>, %arg2: memref<1024x128xf32, #tpu.memory_space<vmem>>, %arg3: memref<128x128xf32, #tpu.memory_space<vmem>>, %arg4: memref<128x128xf32, #tpu.memory_space<vmem>>, %arg5: memref<1x128xf32, #tpu.memory_space<vmem>>, %arg6: memref<1024x128xf32, #tpu.memory_space<vmem>>) attributes {dimension_semantics = [#tpu.dimension_semantics<arbitrary>], iteration_bounds = array<i64: 100>, scalar_prefetch = 0 : i64, scratch_operands = 0 : i64, tpu.core_type = #tpu.core_type<tc>, window_params = [{transform_indices = @transform_0, window_bounds = array<i64: 1024, 128>}, {transform_indices = @transform_1, window_bounds = array<i64: 1024, 128>}, {pipeline_mode = #tpu.pipeline_mode<synchronous>, transform_indices = @transform_2, window_bounds = array<i64: 128, 128>}, {pipeline_mode = #tpu.pipeline_mode<synchronous>, transform_indices = @transform_3, window_bounds = array<i64: 128, 128>}, {pipeline_mode = #tpu.pipeline_mode<synchronous>, transform_indices = @transform_4, window_bounds = array<i64: 1, 128>}, {transform_indices = @transform_5, window_bounds = array<i64: 1024, 128>}]} {
    %get3A = arith.constant 0 : index
    %get3A_0 = arith.constant 0 : index
    %get3A_1 = vector.load %arg1[%get3A, %get3A_0] : memref<1024x128xf32, #tpu.memory_space<vmem>>, vector<1024x128xf32>
    %get3A_2 = arith.constant 0 : index
    %get3A_3 = arith.constant 0 : index
    %get3A_4 = vector.load %arg3[%get3A_2, %get3A_3] : memref<128x128xf32, #tpu.memory_space<vmem>>, vector<128x128xf32>
    %dot_general3A = arith.constant dense<0.000000e+00> : vector<1024x128xf32>
    %dot_general3A_5 = tpu.matmul %get3A_1, %get3A_4, %dot_general3A {dimension_numbers = #tpu.dot_dimension_numbers<[1], [0], [0], [1], [0, 0, 1, 1], [], []>, transpose_lhs_hint = false} : vector<1024x128xf32>, vector<128x128xf32>, vector<1024x128xf32> -> vector<1024x128xf32>
    %get3A_6 = arith.constant 0 : index
    %get3A_7 = arith.constant 0 : index
    %get3A_8 = vector.load %arg2[%get3A_6, %get3A_7] : memref<1024x128xf32, #tpu.memory_space<vmem>>, vector<1024x128xf32>
    %get3A_9 = arith.constant 0 : index
    %get3A_10 = arith.constant 0 : index
    %get3A_11 = vector.load %arg4[%get3A_9, %get3A_10] : memref<128x128xf32, #tpu.memory_space<vmem>>, vector<128x128xf32>
    %dot_general3A_12 = arith.constant dense<0.000000e+00> : vector<1024x128xf32>
    %dot_general3A_13 = tpu.matmul %get3A_8, %get3A_11, %dot_general3A_12 {dimension_numbers = #tpu.dot_dimension_numbers<[1], [0], [0], [1], [0, 0, 1, 1], [], []>, transpose_lhs_hint = false} : vector<1024x128xf32>, vector<128x128xf32>, vector<1024x128xf32> -> vector<1024x128xf32>
    %add3A = arith.addf %dot_general3A_5, %dot_general3A_13 : vector<1024x128xf32>
    %get3A_14 = arith.constant 0 : index
    %get3A_15 = arith.constant 0 : index
    %get3A_16 = vector.load %arg5[%get3A_14, %get3A_15] : memref<1x128xf32, #tpu.memory_space<vmem>>, vector<1x128xf32>
    %add3A_17 = vector.broadcast %get3A_16 : vector<1x128xf32> to vector<1024x128xf32>
    %add3A_18 = arith.addf %add3A, %add3A_17 : vector<1024x128xf32>
    %max3A = arith.constant 0.000000e+00 : f32
    %max3A_19 = vector.broadcast %max3A : f32 to vector<1024x128xf32>
    %max3A_20 = arith.maximumf %add3A_18, %max3A_19 : vector<1024x128xf32>
    %swap3A = arith.constant 0 : index
    %swap3A_21 = arith.constant 0 : index
    %swap3A_22 = vector.load %arg6[%swap3A, %swap3A_21] : memref<1024x128xf32, #tpu.memory_space<vmem>>, vector<1024x128xf32>
    tpu.vector_store %arg6[%swap3A, %swap3A_21], %max3A_20 {strides = array<i32>} : memref<1024x128xf32, #tpu.memory_space<vmem>>, vector<1024x128xf32>,
    return
  }
  func.func @transform_0(%arg0: i32) -> (i32, i32) {
    %c0_i32 = arith.constant 0 : i32
    %c0_i32_0 = arith.constant 0 : i32
    return %arg0, %c0_i32 : i32, i32
  }
  func.func @transform_1(%arg0: i32) -> (i32, i32) {
    %c0_i32 = arith.constant 0 : i32
    %c0_i32_0 = arith.constant 0 : i32
    return %arg0, %c0_i32 : i32, i32
  }
  func.func @transform_2(%arg0: i32) -> (i32, i32) {
    %c0_i32 = arith.constant 0 : i32
    %c0_i32_0 = arith.constant 0 : i32
    %c0_i32_1 = arith.constant 0 : i32
    return %c0_i32, %c0_i32_0 : i32, i32
  }
  func.func @transform_3(%arg0: i32) -> (i32, i32) {
    %c0_i32 = arith.constant 0 : i32
    %c0_i32_0 = arith.constant 0 : i32
    %c0_i32_1 = arith.constant 0 : i32
    return %c0_i32, %c0_i32_0 : i32, i32
  }
  func.func @transform_4(%arg0: i32) -> (i32, i32) {
    %c0_i32 = arith.constant 0 : i32
    %c0_i32_0 = arith.constant 0 : i32
    %c0_i32_1 = arith.constant 0 : i32
    return %c0_i32, %c0_i32_0 : i32, i32
  }
  func.func @transform_5(%arg0: i32) -> (i32, i32) {
    %c0_i32 = arith.constant 0 : i32
    %c0_i32_0 = arith.constant 0 : i32
    return %arg0, %c0_i32 : i32, i32
  }
}

</mosaic_0001>

<sc_bundles>
// kernel: kernel.4.cloned.1.call-start
scs
__scs_entry_jumppad:
0x0: {  	(pc) =	sbr.rel $0x88, $3  }
0x1: {  	(tag) =	ssettag $0x0;
	lr =	simm.s32 $0x1  }
0x2: {  	[smem:$0x3F9C] =	sst lr;
	_ =	strace $0xD0000000  }
0x3: {  	_ = 	snop  }
0x4: {  	_ = 	snop  }
0x5: {  	_ = 	snop  }
0x6: {  	_ = 	snop  }
0x7: {  	_ = 	snop  }
__scs_overlays_trampoline_lowered:
0x8: {  	[smem:$0x3FAB] =	sst s0  }
0x9: {  	[smem:$0x3FAC] =	sst s1  }
0xa: {  	[smem:$0x3FAD] =	sst s2  }
0xb: {  	[smem:$0x3FAE] =	sst s3  }
0xc: {  	[smem:$0x3FAF] =	sst s4  }
0xd: {  	[smem:$0x3FB0] =	sst s5  }
0xe: {  	[smem:$0x3FB1] =	sst s6  }
0xf: {  	[smem:$0x3FB2] =	sst s7  }
0x10: {  	[smem:$0x3FB3] =	sst s8  }
0x11: {  	[smem:$0x3FB4] =	sst s9;
	s0 =	simm.s32 @!p0 $0x0  }
0x12: {  	s1 =	sld [smem:$0x3F9A];
	s0 =	simm.s32 @p0 $0x1  }
0x13: {  	[smem:$0x3FB5] =	sst s0;
	s0 =	simm.s32 @!p1 $0x0  }
0x14: {  	s2 =	sld [smem:$0x3F99];
	s0 =	simm.s32 @p1 $0x1  }
0x15: {  	[smem:$0x3FB6] =	sst s0;
	s0 =	simm.s32 @!p2 $0x0  }
0x16: {  	s3 =	sld [smem:$0x3FDB];
	s0 =	simm.s32 @p2 $0x1  }
0x17: {  	s4 =	simm.s32 $0x1BF5;
	[smem:$0x3FB8] =	sst s0  }
0x18: {  	s0 =	sld [smem:$0x3F9B];
	_ =	swait.ge [sflag:s4], $0x0  }
0x19: {  	s7 =	sld [smem:$0x3F9C]  }
0x1a: {  	s8 =	sadd.s32 $0xFFFFE003, lr  }
0x1b: {  	s9 =	sadd.s32 $0xFFFFFEF7, lr;
	s5 =	simm.s32 $0xFFFFFFFF;
	p2 =	slt.u32 s8, $0xFFFFF086  }
0x1c: {  	p1 =	slt.u32 s9, $0xF7A;
	s5 =	simm.s32 @!p2 $0x0  }
0x1d: {  	s5 =	simm.s32 @p1 $0x1;
	p0 =	seq.s32 s7, s2  }
0x1e: {  	s7 =	smul.u32 @!p0 $0xF7A, s2;
	p2 =	seq.s32 @!p0 s5, $0x0  }
0x1f: {  	s9 =	smul.u32 $0xF7A, s1;
	s8 =	simm.s32 @!p0 $0x1BF5;
	p2 =	por !p2, p0  }
0x20: {  	[sflag:s8] =	ssyncset.s32 @!p0 $0xFFFFF086;
	s6 =	sadd.s32 @!p0 s3, s7;
	s7 =	simm.s32 @!p0 $0x108  }
0x21: {  	s3 =	sadd.s32 s3, s9;
	s6 =	sadd.s32 @!p0 $0x88, s6;
	s7 =	simm.s32 @p2 $0x1082  }
0x22: {  	[simem:s7], [sflag:s8] =	dma.local @!p0 [hbm:s6], $0xF7A  }
0x23: {  	s9 =	sor.u32 $0xD0000000, s2;
	s6 =	simm.s32 $0x108;
	_ =	swait.ge @!p0 [sflag:s8], $0x0  }
0x24: {  	s3 =	sadd.s32 $0x88, s3;
	s6 =	simm.s32 @!p1 $0x1082;
	[sflag:s4] =	ssyncset.s32 $0xFFFFF086  }
0x25: {  	[simem:s6], [sflag:s4] =	dma.local [hbm:s3], $0xF7A  }
0x26: {  	[smem:$0x3F9C] =	sst s1;
	(tag) =	ssettag s2;
	_ =	strace s9  }
0x27: {  	s1 =	sld [smem:$0x3FAC]  }
0x28: {  	s2 =	sld [smem:$0x3FAD]  }
0x29: {  	s4 =	sld [smem:$0x3FAF]  }
0x2a: {  	p0 =	seq.s32 s5, $0x0;
	s5 =	sld [smem:$0x3FB0]  }
0x2b: {  	s6 =	sld [smem:$0x3FB1]  }
0x2c: {  	s7 =	sld [smem:$0x3FB2]  }
0x2d: {  	s3 =	simm.s32 $0x108;
	s8 =	sld [smem:$0x3FB3]  }
0x2e: {  	s3 =	simm.s32 @!p0 $0x1082;
	s9 =	sld [smem:$0x3FB4]  }
0x2f: {  	lr =	sadd.s32 s0, s3;
	s0 =	sld [smem:$0x3FAB]  }
0x30: {  	s3 =	sld [smem:$0x3FAE]  }
0x31: {  	[smem:$0x3FB7] =	sst s10  }
0x32: {  	s10 =	sld [smem:$0x3FB5];
	_ =	sdelay $0x3  }
0x33: {  	p0 =	seq.s32 s10, $0x1;
	s10 =	sld [smem:$0x3FB7];
	_ =	sdelay $0x3  }
0x34: {  	[smem:$0x3FB7] =	sst s10  }
0x35: {  	s10 =	sld [smem:$0x3FB6];
	_ =	sdelay $0x3  }
0x36: {  	p1 =	seq.s32 s10, $0x1;
	s10 =	sld [smem:$0x3FB7];
	_ =	sdelay $0x3  }
0x37: {  	[smem:$0x3FB7] =	sst s10  }
0x38: {  	s10 =	sld [smem:$0x3FB8]  }
0x39: {  	_ = 	snop;
	(pc) =	sbr.ind lr, $3  }
0x3a: {  	_ = 	snop  }
0x3b: {  	_ = 	snop  }
0x3c: {  	p2 =	seq.s32 s10, $0x1;
	s10 =	sld [smem:$0x3FB7]  }
0x3d: {  	_ =	shalt  }
0x3e: {  	_ =	shalt  }
0x3f: {  	_ =	shalt  }
0x40: {  	_ =	shalt  }
0x41: {  	_ =	shalt  }
0x42: {  	_ =	shalt  }
0x43: {  	_ =	shalt  }
0x44: {  	_ =	shalt  }
0x45: {  	_ =	shalt  }
0x46: {  	_ =	shalt  }
0x47: {  	_ =	shalt  }
0x48: {  	_ =	shalt  }
0x49: {  	_ =	shalt  }
0x4a: {  	_ =	shalt  }
0x4b: {  	_ =	shalt  }
0x4c: {  	_ =	shalt  }
0x4d: {  	_ =	shalt  }
0x4e: {  	_ =	shalt  }
0x4f: {  	_ =	shalt  }
0x50: {  	_ =	shalt  }
0x51: {  	_ =	shalt  }
0x52: {  	_ =	shalt  }
0x53: {  	_ =	shalt  }
0x54: {  	_ =	shalt  }
0x55: {  	_ =	shalt  }
0x56: {  	_ =	shalt  }
0x57: {  	_ =	shalt  }
0x58: {  	_ =	shalt  }
0x59: {  	_ =	shalt  }
0x5a: {  	_ =	shalt  }
0x5b: {  	_ =	shalt  }
0x5c: {  	_ =	shalt  }
0x5d: {  	_ =	shalt  }
0x5e: {  	_ =	shalt  }
0x5f: {  	_ =	shalt  }
0x60: {  	_ =	shalt  }
0x61: {  	_ =	shalt  }
0x62: {  	_ =	shalt  }
0x63: {  	_ =	shalt  }
0x64: {  	_ =	shalt  }
0x65: {  	_ =	shalt  }
0x66: {  	_ =	shalt  }
0x67: {  	_ =	shalt  }
0x68: {  	_ =	shalt  }
0x69: {  	_ =	shalt  }
0x6a: {  	_ =	shalt  }
0x6b: {  	_ =	shalt  }
0x6c: {  	_ =	shalt  }
0x6d: {  	_ =	shalt  }
0x6e: {  	_ =	shalt  }
0x6f: {  	_ =	shalt  }
0x70: {  	_ =	shalt  }
0x71: {  	_ =	shalt  }
0x72: {  	_ =	shalt  }
0x73: {  	_ =	shalt  }
0x74: {  	_ =	shalt  }
0x75: {  	_ =	shalt  }
0x76: {  	_ =	shalt  }
0x77: {  	_ =	shalt  }
0x78: {  	_ =	shalt  }
0x79: {  	_ =	shalt  }
0x7a: {  	_ =	shalt  }
0x7b: {  	_ =	shalt  }
0x7c: {  	_ =	shalt  }
0x7d: {  	_ =	shalt  }
0x7e: {  	_ =	shalt  }
0x7f: {  	_ =	shalt  }
0x80: {  	_ =	shalt  }
0x81: {  	_ =	shalt  }
0x82: {  	_ =	shalt  }
0x83: {  	_ =	shalt  }
0x84: {  	_ =	shalt  }
0x85: {  	_ =	shalt  }
0x86: {  	_ =	shalt  }
0x87: {  	_ =	shalt  }
.Lfunc_end0:
.L_simem_size_0:
called_computation.1_lowered:
.L_overlay_start_0:
0x88: {  	s2 =	sld [smem:$0x3FD9]  }
0x89: {  	s3 =	sld [smem:$0x3FFE];
	_ =	sdelay $0x1  }
0x8a: {  	s1 =	srdreg.scid  }
0x8b: {  	s0 =	sand.u32 $0x1, s1  }
0x8c: {  	s16 =	sshll.u32 s0, $0xA;
	s2 =	sadd.s32 s3, s2  }
0x8d: {  	s2 =	sadd.s32 s2, s16  }
0x8e: {  	[smem:$0x3FC3] =	sst s2  }
0x8f: {  	_ = 	snop  }
0x90: {  	(tm) =	ssettm $0x1  }
0x91: {  	s17 =	sld [smem:$0x3FFB];
	_ =	sdelay $0x3  }
0x92: {  	_ =	strace s17  }
0x93: {  	s2 =	sld [smem:$0x3FFC];
	_ =	sdelay $0x3  }
0x94: {  	_ =	strace s2  }
0x95: {  	s2 =	sld [smem:$0x3FFD];
	_ =	sdelay $0x3  }
0x96: {  	_ =	strace s2  }
0x97: {  	_ =	strace $0x8FFFFFFF  }
0x98: {  	s18 =	sld [smem:$0x3FDB];
	_ =	sdelay $0x1  }
0x99: {  	s19 =	simm.s32 $_scs_section_size  }
0x9a: {  	s4 =	simm.s32 $_size__tile_overlayer_lowered;
	s5 =	simm.s32 $_tile_overlayer_lowered  }
0x9b: {  	s22 =	simm.s32 $0x1BFF;
	s21 =	sshll.u32 s5, $0x1;
	s2 =	sadd.s32 s19, s18  }
0x9c: {  	s6 =	simm.s32 $0x0;
	s20 =	sshll.u32 s4, $0x1;
	s4 =	sadd.s32 s21, s2  }
0x9d: {  	[timem:s6], [sflag:s22] =	dma.local [hbm:s4], s20  }
0x9e: {  	_ =	swait.ge [sflag:s22], s20  }
0x9f: {  	s3 =	ssub.s32 $0x0, s20;
	[sflag:s22] =	ssyncset.done $0x0  }
0xa0: {  	[sflag:s22] =	ssyncadd.s32 s3;
	_ =	sdelay $0x1  }
0xa1: {  	s23 =	simm.s32 $0x1B8B  }
0xa2: {  	_ =	swait.ge [sflag:s23], $0x1  }
0xa3: {  	[sflag:s23] =	ssyncset.done $0x0  }
0xa4: {  	s25 =	simm.s32 $0x1B8E;
	s24 =	sld [smem:$0x3FFE];
	[sflag:s23] =	ssyncadd.s32 $0xFFFFFFFF  }
0xa5: {  	s26 =	simm.s32 $execute0_lowered;
	[smem:$0x3FD2] =	sst s25  }
0xa6: {  	s4 =	sshll.u32 s26, $0x1;
	_ =	strace $0x80000046;
	[dreg:$0x1] =	wrdreg $0xFFFFFFFF  }
0xa7: {  	s28 =	simm.s32 $_size_execute0_lowered;
	s2 =	sadd.s32 s2, s4;
	[dreg:$0x0] =	wrdreg $0x0  }
0xa8: {  	s4 =	sshll.u32 s28, $0x1;
	[dreg:$0x2] =	wrdreg s2  }
0xa9: {  	[dreg:$0x3] =	wrdreg s4  }
0xaa: {  	[dreg:$0x4] =	wrdreg $0xC0  }
0xab: {  	_ =	task [dreg:s6], $0x5FFFF  }
0xac: {  	[dreg:$0x1] =	wrdreg $0xFFFFFFFF  }
0xad: {  	[dreg:$0x0] =	wrdreg $0x60  }
0xae: {  	[dreg:$0x2] =	wrdreg s24  }
0xaf: {  	[dreg:$0x3] =	wrdreg $0x9  }
0xb0: {  	_ =	task.clear_ibuf [dreg:s6], $0x4FFFF;
	_ =	strace $0x90000046  }
0xb1: {  	s29 =	simm.s32 $0x9;
	_ =	strace $0x80000048  }
0xb2: {  	_ =	swait.ge [sflag:s29], $0x1  }
0xb3: {  	[sflag:s29] =	ssyncadd.s32 $0xFFFFFFFF  }
0xb4: {  	_ =	strace $0x90000048  }
0xb5: {  	_ =	sfence  }
0xb6: {  	s30 =	sld [smem:$0x0];
	_ =	sdelay $0x2  }
0xb7: {  	s31 =	sshll.u32 s1, $0xD;
	s1 =	sshrl.u32 s1, $0x2  }
0xb8: {  	s3 =	sand.u32 $0x4000, s31;
	s1 =	sadd.s32 s1, s30  }
0xb9: {  	s0 =	sor.u32 s3, s0;
	s1 =	sshll.u32 s1, $0x11  }
0xba: {  	s0 =	sor.u32 s1, s0  }
0xbb: {  	s0 =	sadd.s32 $0x8F2B, s0  }
0xbc: {  	[sflag:s0] =	ssyncadd.remote.s32 $0x1  }
0xbd: {  	_ =	sfence.sel $0xFFFF  }
0xbe: {  	[dreg:$0x0] =	wrdreg $0xFFFFFFFF;
	(pc) =	sbr.abs _section_cstart, $3  }
0xbf: {  	[dreg:$0x1] =	wrdreg $0xFFFFFFFF  }
0xc0: {  	_ =	task.clear_ibuf [dreg:s6], $0x2FFFF;
	_ =	strace $0x9FFFFFFF  }
0xc1: {  	(tm) =	ssettm $0x7FFFFFFF  }
tec
execute0_lowered:
.L_overlay_start_1:
0x0: {  	(tag) =	ssettag $0x1  }
0x1: {  	s1 =	srdreg.scid  }
0x2: {  	s0 =	stileid.u32;
	s4 =	rddreg [dreg:$0x0];
	s2 =	simm.s32 $0x0  }
0x3: {  	s9 =	simm.s32 $0x400;
	s10 =	simm.s32 $0x1;
	s11 =	simm.s32 $0x80  }
0x4: {  	s12 =	simm.s32 $0x1C00;
	s13 =	simm.s32 $0x2;
	s14 =	simm.s32 $0x3C00  }
0x5: {  	s15 =	simm.s32 $0x0;
	s3 =	sand.u32 $0x1, s1;
	s31 =	sshll.u32 s0, $0x1  }
.Ltmp0:
0x6: {  	[smem:$0x7FF] =	sst s2;
	s6 =	sor.u32 s3, s31;
	(pc) =	sbr.rel .LBB2_1-.Ltmp0, $4  }
0x7: {  	_ =	strace $0x80000047;
	s7 =	ssub.s32 $0x2, s3;
	s5 =	smul.u32 $0x380, s6  }
0x8: {  	s3 =	sadd.s32 $0x1200, s4;
	s8 =	sshrl.u32 s7, $0x1;
	s6 =	smul.u32 $0x64000, s6  }
0x9: {  	s7 =	ssub.s32 s7, s8;
	s8 =	simm.s32 $0x3;
	s5 =	sadd.s32 s5, s4  }
0xa: {  	s4 =	sadd.s32 $0xF4A600, s4;
	s7 =	smax.u32 s7, $0x1;
	s5 =	sadd.s32 $0xF43600, s5  }
.LBB2_17:
0xb: {  	s15 =	sadd.s32 $0x1, s15  }
0xc: {  	p0 =	sne.s32 s15, s7  }
.Ltmp1:
0xd: {  	_ = 	snop;
	(pc) =	sbr.rel @!p0 .LBB2_18-.Ltmp1, $1  }
0xe: {  	_ =	sdelay $0x3  }
.LBB2_1:
0xf: {  	[tilespmem:s2], [sflag:$0x3] =	stream.linear.gather [hbm4b:s5+s2], $0x1900, $0x38;
	[tilespmem:$0x5C00] =	vst v63  }
0x10: {  	_ =	swait.ge [sflag:s8], $0x1900  }
0x11: {  	[sflag:s8] =	ssyncset.done $0x0  }
0x12: {  	[sflag:s8] =	ssyncadd.s32 $0xFFFFE700  }
0x13: {  	v0 =	vld [tilespmem:s2+$0x0];
	_ =	sdelay $0x4  }
0x14: {  	v0 =	vshll.u32 v0, $0x4  }
0x15: {  	(v2sf) =	vpush v0, $0x0;
	_ =	sdelay $0x1  }
0x16: {  	(v2sf) =	vpush v0, $0x1;
	_ =	sdelay $0x3  }
0x17: {  	(v2sf) =	vpush v0, $0x2;
	_ =	sdelay $0x3  }
0x18: {  	(v2sf) =	vpush v0, $0x3;
	_ =	sdelay $0x3  }
0x19: {  	(v2sf) =	vpush v0, $0x4  }
0x1a: {  	s16 =	spop (v2sf)  }
0x1b: {  	s16 =	sand.u32 $0x1FFFFFF0, s16  }
0x1c: {  	s18 =	simm.s32 $0x1C00;
	s17 =	spop (v2sf);
	s16 =	sadd.s32 s3, s16  }
0x1d: {  	(v2sf) =	vpush v0, $0x5;
	[tilespmem:s18], [sflag:$0x1] =	stream.strided.gather [hbm4b:s16+s11], $0x0, s9, s11, $0x38;
	[tilespmem:$0x5C00] =	vst v63  }
0x1e: {  	s17 =	sand.u32 $0x1FFFFFF0, s17  }
0x1f: {  	[tilespmem:s18], [sflag:$0x1] =	stream.linear.gather [hbm4b:s16+s2], $0x40, $0x38;
	[tilespmem:$0x5C00] =	vst v63  }
0x20: {  	s31 =	simm.s32 $0x1C40;
	s1 =	spop (v2sf);
	s17 =	sadd.s32 s3, s17  }
0x21: {  	(v2sf) =	vpush v0, $0x6;
	[tilespmem:s31], [sflag:$0x1] =	stream.strided.gather [hbm4b:s17+s11], $0x0, s9, s11, $0x38;
	[tilespmem:$0x5C00] =	vst v63  }
0x22: {  	s18 =	sand.u32 $0x1FFFFFF0, s1  }
0x23: {  	[tilespmem:s31], [sflag:$0x1] =	stream.linear.gather [hbm4b:s17+s2], $0x40, $0x38;
	[tilespmem:$0x5C00] =	vst v63  }
0x24: {  	s19 =	simm.s32 $0x1C80;
	s18 =	sadd.s32 s3, s18;
	s17 =	spop (v2sf)  }
0x25: {  	(v2sf) =	vpush v0, $0x7;
	[tilespmem:s19], [sflag:$0x1] =	stream.strided.gather [hbm4b:s18+s11], $0x0, s9, s11, $0x38;
	[tilespmem:$0x5C00] =	vst v63  }
0x26: {  	s16 =	sand.u32 $0x1FFFFFF0, s17  }
0x27: {  	[tilespmem:s19], [sflag:$0x1] =	stream.linear.gather [hbm4b:s18+s2], $0x40, $0x38;
	[tilespmem:$0x5C00] =	vst v63  }
0x28: {  	s21 =	simm.s32 $0x1CC0;
	s20 =	spop (v2sf);
	s16 =	sadd.s32 s3, s16  }
0x29: {  	(v2sf) =	vpush v0, $0x8;
	[tilespmem:s21], [sflag:$0x1] =	stream.strided.gather [hbm4b:s16+s11], $0x0, s9, s11, $0x38;
	[tilespmem:$0x5C00] =	vst v63  }
0x2a: {  	s17 =	sand.u32 $0x1FFFFFF0, s20  }
0x2b: {  	[tilespmem:s21], [sflag:$0x1] =	stream.linear.gather [hbm4b:s16+s2], $0x40, $0x38;
	[tilespmem:$0x5C00] =	vst v63  }
0x2c: {  	s23 =	simm.s32 $0x1D00;
	s17 =	sadd.s32 s3, s17;
	s22 =	spop (v2sf)  }
0x2d: {  	(v2sf) =	vpush v0, $0x9;
	[tilespmem:s23], [sflag:$0x1] =	stream.strided.gather [hbm4b:s17+s11], $0x0, s9, s11, $0x38;
	[tilespmem:$0x5C00] =	vst v63  }
0x2e: {  	s16 =	sand.u32 $0x1FFFFFF0, s22  }
0x2f: {  	[tilespmem:s23], [sflag:$0x1] =	stream.linear.gather [hbm4b:s17+s2], $0x40, $0x38;
	[tilespmem:$0x5C00] =	vst v63  }
0x30: {  	s25 =	simm.s32 $0x1D40;
	s24 =	spop (v2sf);
	s16 =	sadd.s32 s3, s16  }
0x31: {  	(v2sf) =	vpush v0, $0xA;
	[tilespmem:s25], [sflag:$0x1] =	stream.strided.gather [hbm4b:s16+s11], $0x0, s9, s11, $0x38;
	[tilespmem:$0x5C00] =	vst v63  }
0x32: {  	s17 =	sand.u32 $0x1FFFFFF0, s24  }
0x33: {  	[tilespmem:s25], [sflag:$0x1] =	stream.linear.gather [hbm4b:s16+s2], $0x40, $0x38;
	[tilespmem:$0x5C00] =	vst v63  }
0x34: {  	s28 =	simm.s32 $0x1D80;
	s26 =	spop (v2sf);
	s17 =	sadd.s32 s3, s17  }
0x35: {  	(v2sf) =	vpush v0, $0xB;
	[tilespmem:s28], [sflag:$0x1] =	stream.strided.gather [hbm4b:s17+s11], $0x0, s9, s11, $0x38;
	[tilespmem:$0x5C00] =	vst v63  }
0x36: {  	s16 =	sand.u32 $0x1FFFFFF0, s26  }
0x37: {  	[tilespmem:s28], [sflag:$0x1] =	stream.linear.gather [hbm4b:s17+s2], $0x40, $0x38;
	[tilespmem:$0x5C00] =	vst v63  }
0x38: {  	s30 =	simm.s32 $0x1DC0;
	s29 =	spop (v2sf);
	s16 =	sadd.s32 s3, s16  }
0x39: {  	(v2sf) =	vpush v0, $0xC;
	[tilespmem:s30], [sflag:$0x1] =	stream.strided.gather [hbm4b:s16+s11], $0x0, s9, s11, $0x38;
	[tilespmem:$0x5C00] =	vst v63  }
0x3a: {  	s17 =	sand.u32 $0x1FFFFFF0, s29  }
0x3b: {  	[tilespmem:s30], [sflag:$0x1] =	stream.linear.gather [hbm4b:s16+s2], $0x40, $0x38;
	[tilespmem:$0x5C00] =	vst v63  }
0x3c: {  	s1 =	simm.s32 $0x1E00;
	s31 =	spop (v2sf);
	s17 =	sadd.s32 s3, s17  }
0x3d: {  	(v2sf) =	vpush v0, $0xD;
	[tilespmem:s1], [sflag:$0x1] =	stream.strided.gather [hbm4b:s17+s11], $0x0, s9, s11, $0x38;
	[tilespmem:$0x5C00] =	vst v63  }
0x3e: {  	s16 =	sand.u32 $0x1FFFFFF0, s31  }
0x3f: {  	[tilespmem:s1], [sflag:$0x1] =	stream.linear.gather [hbm4b:s17+s2], $0x40, $0x38;
	[tilespmem:$0x5C00] =	vst v63  }
0x40: {  	s20 =	simm.s32 $0x1E40;
	s19 =	spop (v2sf);
	s16 =	sadd.s32 s3, s16  }
0x41: {  	(v2sf) =	vpush v0, $0xE;
	[tilespmem:s20], [sflag:$0x1] =	stream.strided.gather [hbm4b:s16+s11], $0x0, s9, s11, $0x38;
	[tilespmem:$0x5C00] =	vst v63  }
0x42: {  	s17 =	sand.u32 $0x1FFFFFF0, s19  }
0x43: {  	[tilespmem:s20], [sflag:$0x1] =	stream.linear.gather [hbm4b:s16+s2], $0x40, $0x38;
	[tilespmem:$0x5C00] =	vst v63  }
0x44: {  	s22 =	simm.s32 $0x1E80;
	s21 =	spop (v2sf);
	s17 =	sadd.s32 s3, s17  }
0x45: {  	(v2sf) =	vpush v0, $0xF;
	[tilespmem:s22], [sflag:$0x1] =	stream.strided.gather [hbm4b:s17+s11], $0x0, s9, s11, $0x38;
	[tilespmem:$0x5C00] =	vst v63  }
0x46: {  	s16 =	sand.u32 $0x1FFFFFF0, s21  }
0x47: {  	[tilespmem:s22], [sflag:$0x1] =	stream.linear.gather [hbm4b:s17+s2], $0x40, $0x38;
	[tilespmem:$0x5C00] =	vst v63  }
0x48: {  	s24 =	simm.s32 $0x1EC0;
	s23 =	spop (v2sf);
	s16 =	sadd.s32 s3, s16  }
0x49: {  	[tilespmem:s24], [sflag:$0x1] =	stream.strided.gather [hbm4b:s16+s11], $0x0, s9, s11, $0x38;
	[tilespmem:$0x5C00] =	vst v63  }
0x4a: {  	s17 =	sand.u32 $0x1FFFFFF0, s23  }
0x4b: {  	[tilespmem:s24], [sflag:$0x1] =	stream.linear.gather [hbm4b:s16+s2], $0x40, $0x38;
	[tilespmem:$0x5C00] =	vst v63  }
0x4c: {  	s26 =	simm.s32 $0x1F00;
	s25 =	spop (v2sf);
	s17 =	sadd.s32 s3, s17  }
0x4d: {  	[tilespmem:s26], [sflag:$0x1] =	stream.strided.gather [hbm4b:s17+s11], $0x0, s9, s11, $0x38;
	[tilespmem:$0x5C00] =	vst v63  }
0x4e: {  	s16 =	sand.u32 $0x1FFFFFF0, s25  }
0x4f: {  	[tilespmem:s26], [sflag:$0x1] =	stream.linear.gather [hbm4b:s17+s2], $0x40, $0x38;
	[tilespmem:$0x5C00] =	vst v63  }
0x50: {  	s29 =	simm.s32 $0x1F40;
	s28 =	spop (v2sf);
	s16 =	sadd.s32 s3, s16  }
0x51: {  	[tilespmem:s29], [sflag:$0x1] =	stream.strided.gather [hbm4b:s16+s11], $0x0, s9, s11, $0x38;
	[tilespmem:$0x5C00] =	vst v63  }
0x52: {  	s17 =	sand.u32 $0x1FFFFFF0, s28  }
0x53: {  	[tilespmem:s29], [sflag:$0x1] =	stream.linear.gather [hbm4b:s16+s2], $0x40, $0x38;
	[tilespmem:$0x5C00] =	vst v63  }
0x54: {  	s31 =	simm.s32 $0x1F80;
	s30 =	spop (v2sf);
	s17 =	sadd.s32 s3, s17  }
0x55: {  	[tilespmem:s31], [sflag:$0x1] =	stream.strided.gather [hbm4b:s17+s11], $0x0, s9, s11, $0x38;
	[tilespmem:$0x5C00] =	vst v63  }
0x56: {  	s18 =	simm.s32 $0x1000;
	s19 =	simm.s32 $0x0;
	s16 =	sand.u32 $0x1FFFFFF0, s30  }
0x57: {  	[tilespmem:s31], [sflag:$0x1] =	stream.linear.gather [hbm4b:s17+s2], $0x40, $0x38;
	[tilespmem:$0x5C00] =	vst v63  }
0x58: {  	s20 =	simm.s32 $0x1FC0;
	s21 =	sadd.s32 s3, s16;
	s16 =	simm.s32 $0x0  }
0x59: {  	[tilespmem:s20], [sflag:$0x1] =	stream.strided.gather [hbm4b:s21+s11], $0x0, s9, s11, $0x38;
	[tilespmem:$0x5C00] =	vst v63  }
.LBB2_2:
0x5a: {  	p0 =	sne.s32 s18, $0x7000  }
0x5b: {  	s19 =	sadd.s32 $0x10, s19;
	s22 =	smov.u32 s18;
	s18 =	sadd.s32 $0x1000, s18  }
0x5c: {  	[tilespmem:s20], [sflag:$0x1] =	stream.linear.gather [hbm4b:s21+s16], $0x40, $0x38;
	[tilespmem:$0x5C00] =	vst v63  }
0x5d: {  	v0 =	vld [tilespmem:s19+$0x0];
	_ =	sdelay $0x4  }
0x5e: {  	v0 =	vshll.u32 v0, $0x4  }
0x5f: {  	(v2sf) =	vpush v0, $0x0  }
0x60: {  	(v2sf) =	vpush v0, $0x1  }
0x61: {  	(v2sf) =	vpush v0, $0x2;
	_ =	sdelay $0x2  }
0x62: {  	(v2sf) =	vpush v0, $0x3;
	_ =	sdelay $0x1  }
0x63: {  	(v2sf) =	vpush v0, $0x4;
	_ =	sdelay $0x1  }
0x64: {  	(v2sf) =	vpush v0, $0x5;
	_ =	sdelay $0x1  }
0x65: {  	(v2sf) =	vpush v0, $0x6;
	_ =	sdelay $0x1  }
0x66: {  	(v2sf) =	vpush v0, $0x7;
	_ =	sdelay $0x1  }
0x67: {  	s17 =	simm.s32 $0x80;
	s16 =	simm.s32 $0x0;
	s21 =	spop (v2sf);
	(v2sf) =	vpush v0, $0x8  }
0x68: {  	s20 =	sshra.s32 s22, $0x2;
	s21 =	sand.u32 $0x1FFFFFF0, s21;
	s22 =	spop (v2sf)  }
0x69: {  	s23 =	sadd.s32 $0x1C40, s20;
	s21 =	sadd.s32 s3, s21;
	s24 =	spop (v2sf);
	(v2sf) =	vpush v0, $0x9  }
0x6a: {  	s25 =	sadd.s32 $0x1C00, s20;
	s22 =	sand.u32 $0x1FFFFFF0, s22;
	s24 =	sand.u32 $0x1FFFFFF0, s24  }
0x6b: {  	[tilespmem:s25], [sflag:$0x1] =	stream.strided.gather [hbm4b:s21+s17], $0x0, s9, s17, $0x38;
	(v2sf) =	vpush v0, $0xA;
	[tilespmem:$0x5C00] =	vst v63  }
0x6c: {  	s26 =	spop (v2sf)  }
0x6d: {  	[tilespmem:s25], [sflag:$0x1] =	stream.linear.gather [hbm4b:s21+s16], $0x40, $0x38;
	(v2sf) =	vpush v0, $0xB;
	[tilespmem:$0x5C00] =	vst v63  }
0x6e: {  	s21 =	sadd.s32 s3, s22;
	s22 =	sand.u32 $0x1FFFFFF0, s26;
	s25 =	spop (v2sf)  }
0x6f: {  	[tilespmem:s23], [sflag:$0x1] =	stream.strided.gather [hbm4b:s21+s17], $0x0, s9, s17, $0x38;
	(v2sf) =	vpush v0, $0xC;
	[tilespmem:$0x5C00] =	vst v63  }
0x70: {  	s26 =	sadd.s32 $0x1C80, s20;
	s25 =	sand.u32 $0x1FFFFFF0, s25;
	s28 =	spop (v2sf)  }
0x71: {  	[tilespmem:s23], [sflag:$0x1] =	stream.linear.gather [hbm4b:s21+s16], $0x40, $0x38;
	[tilespmem:$0x5C00] =	vst v63  }
0x72: {  	s21 =	sadd.s32 s3, s24;
	s23 =	sand.u32 $0x1FFFFFF0, s28;
	s24 =	spop (v2sf)  }
0x73: {  	[tilespmem:s26], [sflag:$0x1] =	stream.strided.gather [hbm4b:s21+s17], $0x0, s9, s17, $0x38;
	(v2sf) =	vpush v0, $0xD;
	[tilespmem:$0x5C00] =	vst v63  }
0x74: {  	s28 =	sadd.s32 $0x1CC0, s20;
	s24 =	sand.u32 $0x1FFFFFF0, s24;
	s29 =	spop (v2sf)  }
0x75: {  	[tilespmem:s26], [sflag:$0x1] =	stream.linear.gather [hbm4b:s21+s16], $0x40, $0x38;
	[tilespmem:$0x5C00] =	vst v63  }
0x76: {  	s21 =	sadd.s32 s3, s22;
	s22 =	sand.u32 $0x1FFFFFF0, s29;
	s26 =	spop (v2sf)  }
0x77: {  	[tilespmem:s28], [sflag:$0x1] =	stream.strided.gather [hbm4b:s21+s17], $0x0, s9, s17, $0x38;
	(v2sf) =	vpush v0, $0xE;
	[tilespmem:$0x5C00] =	vst v63  }
0x78: {  	s29 =	sadd.s32 $0x1D00, s20;
	s26 =	sand.u32 $0x1FFFFFF0, s26;
	s30 =	spop (v2sf)  }
0x79: {  	[tilespmem:s28], [sflag:$0x1] =	stream.linear.gather [hbm4b:s21+s16], $0x40, $0x38;
	[tilespmem:$0x5C00] =	vst v63  }
0x7a: {  	s21 =	sadd.s32 s3, s25;
	s25 =	sand.u32 $0x1FFFFFF0, s30;
	s28 =	spop (v2sf)  }
0x7b: {  	[tilespmem:s29], [sflag:$0x1] =	stream.strided.gather [hbm4b:s21+s17], $0x0, s9, s17, $0x38;
	(v2sf) =	vpush v0, $0xF;
	[tilespmem:$0x5C00] =	vst v63  }
0x7c: {  	s30 =	sadd.s32 $0x1D40, s20;
	s28 =	sand.u32 $0x1FFFFFF0, s28;
	s31 =	spop (v2sf)  }
0x7d: {  	[tilespmem:s29], [sflag:$0x1] =	stream.linear.gather [hbm4b:s21+s16], $0x40, $0x38;
	[tilespmem:$0x5C00] =	vst v63  }
0x7e: {  	s21 =	sadd.s32 s3, s23;
	s23 =	sand.u32 $0x1FFFFFF0, s31;
	s29 =	spop (v2sf)  }
0x7f: {  	[tilespmem:s30], [sflag:$0x1] =	stream.strided.gather [hbm4b:s21+s17], $0x0, s9, s17, $0x38;
	[tilespmem:$0x5C00] =	vst v63  }
0x80: {  	s24 =	sadd.s32 s3, s24;
	s31 =	sadd.s32 $0x1D80, s20;
	s29 =	sand.u32 $0x1FFFFFF0, s29  }
0x81: {  	[tilespmem:s30], [sflag:$0x1] =	stream.linear.gather [hbm4b:s21+s16], $0x40, $0x38;
	[tilespmem:$0x5C00] =	vst v63  }
0x82: {  	s21 =	spop (v2sf)  }
0x83: {  	[tilespmem:s31], [sflag:$0x1] =	stream.strided.gather [hbm4b:s24+s17], $0x0, s9, s17, $0x38;
	[tilespmem:$0x5C00] =	vst v63  }
0x84: {  	s22 =	sadd.s32 s3, s22;
	s30 =	sadd.s32 $0x1DC0, s20;
	s21 =	sand.u32 $0x1FFFFFF0, s21  }
0x85: {  	[tilespmem:s31], [sflag:$0x1] =	stream.linear.gather [hbm4b:s24+s16], $0x40, $0x38;
	[tilespmem:$0x5C00] =	vst v63  }
0x86: {  	s24 =	spop (v2sf)  }
0x87: {  	[tilespmem:s30], [sflag:$0x1] =	stream.strided.gather [hbm4b:s22+s17], $0x0, s9, s17, $0x38;
	[tilespmem:$0x5C00] =	vst v63  }
0x88: {  	s26 =	sadd.s32 s3, s26;
	s31 =	sadd.s32 $0x1E00, s20;
	s24 =	sand.u32 $0x1FFFFFF0, s24  }
0x89: {  	[tilespmem:s30], [sflag:$0x1] =	stream.linear.gather [hbm4b:s22+s16], $0x40, $0x38;
	[tilespmem:$0x5C00] =	vst v63  }
0x8a: {  	s22 =	spop (v2sf)  }
0x8b: {  	[tilespmem:s31], [sflag:$0x1] =	stream.strided.gather [hbm4b:s26+s17], $0x0, s9, s17, $0x38;
	[tilespmem:$0x5C00] =	vst v63  }
0x8c: {  	s25 =	sadd.s32 s3, s25;
	s30 =	sadd.s32 $0x1E40, s20;
	s22 =	sand.u32 $0x1FFFFFF0, s22  }
0x8d: {  	[tilespmem:s31], [sflag:$0x1] =	stream.linear.gather [hbm4b:s26+s16], $0x40, $0x38;
	[tilespmem:$0x5C00] =	vst v63  }
0x8e: {  	_ = 	snop  }
0x8f: {  	[tilespmem:s30], [sflag:$0x1] =	stream.strided.gather [hbm4b:s25+s17], $0x0, s9, s17, $0x38;
	[tilespmem:$0x5C00] =	vst v63  }
0x90: {  	s28 =	sadd.s32 s3, s28;
	s26 =	sadd.s32 $0x1E80, s20  }
0x91: {  	[tilespmem:s30], [sflag:$0x1] =	stream.linear.gather [hbm4b:s25+s16], $0x40, $0x38;
	[tilespmem:$0x5C00] =	vst v63  }
0x92: {  	_ = 	snop  }
0x93: {  	[tilespmem:s26], [sflag:$0x1] =	stream.strided.gather [hbm4b:s28+s17], $0x0, s9, s17, $0x38;
	[tilespmem:$0x5C00] =	vst v63  }
0x94: {  	s23 =	sadd.s32 s3, s23;
	s25 =	sadd.s32 $0x1EC0, s20  }
0x95: {  	[tilespmem:s26], [sflag:$0x1] =	stream.linear.gather [hbm4b:s28+s16], $0x40, $0x38;
	[tilespmem:$0x5C00] =	vst v63  }
0x96: {  	_ = 	snop  }
0x97: {  	[tilespmem:s25], [sflag:$0x1] =	stream.strided.gather [hbm4b:s23+s17], $0x0, s9, s17, $0x38;
	[tilespmem:$0x5C00] =	vst v63  }
0x98: {  	s26 =	sadd.s32 $0x1F00, s20;
	s28 =	sadd.s32 s3, s29  }
0x99: {  	[tilespmem:s25], [sflag:$0x1] =	stream.linear.gather [hbm4b:s23+s16], $0x40, $0x38;
	[tilespmem:$0x5C00] =	vst v63  }
0x9a: {  	_ = 	snop  }
0x9b: {  	[tilespmem:s26], [sflag:$0x1] =	stream.strided.gather [hbm4b:s28+s17], $0x0, s9, s17, $0x38;
	[tilespmem:$0x5C00] =	vst v63  }
0x9c: {  	s21 =	sadd.s32 s3, s21;
	s23 =	sadd.s32 $0x1F40, s20  }
0x9d: {  	[tilespmem:s26], [sflag:$0x1] =	stream.linear.gather [hbm4b:s28+s16], $0x40, $0x38;
	[tilespmem:$0x5C00] =	vst v63  }
0x9e: {  	_ = 	snop  }
0x9f: {  	[tilespmem:s23], [sflag:$0x1] =	stream.strided.gather [hbm4b:s21+s17], $0x0, s9, s17, $0x38;
	[tilespmem:$0x5C00] =	vst v63  }
0xa0: {  	s24 =	sadd.s32 s3, s24;
	s25 =	sadd.s32 $0x1F80, s20  }
0xa1: {  	[tilespmem:s23], [sflag:$0x1] =	stream.linear.gather [hbm4b:s21+s16], $0x40, $0x38;
	[tilespmem:$0x5C00] =	vst v63  }
0xa2: {  	_ = 	snop  }
0xa3: {  	[tilespmem:s25], [sflag:$0x1] =	stream.strided.gather [hbm4b:s24+s17], $0x0, s9, s17, $0x38;
	[tilespmem:$0x5C00] =	vst v63  }
.Ltmp2:
0xa4: {  	_ = 	snop;
	(pc) =	sbr.rel @p0 .LBB2_2-.Ltmp2, $4  }
0xa5: {  	s20 =	sadd.s32 $0x1FC0, s20;
	s21 =	sadd.s32 s3, s22  }
0xa6: {  	[tilespmem:s25], [sflag:$0x1] =	stream.linear.gather [hbm4b:s24+s16], $0x40, $0x38;
	[tilespmem:$0x5C00] =	vst v63  }
0xa7: {  	_ = 	snop  }
0xa8: {  	[tilespmem:s20], [sflag:$0x1] =	stream.strided.gather [hbm4b:s21+s17], $0x0, s9, s17, $0x38;
	[tilespmem:$0x5C00] =	vst v63  }
.Ltmp3:
0xa9: {  	(pc) =	sbr.rel .LBB2_4-.Ltmp3, $3  }
0xaa: {  	_ =	sdelay $0x1  }
0xab: {  	[tilespmem:s20], [sflag:$0x1] =	stream.linear.gather [hbm4b:s21+s16], $0x40, $0x38;
	[tilespmem:$0x5C00] =	vst v63  }
0xac: {  	s18 =	simm.s32 $0x80  }
.LBB2_14:
0xad: {  	[tilespmem:s21], [sflag:$0x1] =	stream.linear.gather [hbm4b:s22+s2], $0x40, $0x38;
	[tilespmem:$0x5C00] =	vst v63  }
.LBB2_15:
0xae: {  	s1 =	sshll.u32 s16, $0xD  }
0xaf: {  	s1 =	sadd.s32 s6, s1  }
0xb0: {  	s1 =	sshrl.u32 s1, $0x3  }
0xb1: {  	s19 =	simm.s32 $0x3;
	s1 =	sadd.s32 s4, s1  }
0xb2: {  	[hbm4b:s1+s2] =	stream.linear.scatter [tilespmem:s14], [sflag:$0x3], $0x2000, $0x38;
	[tilespmem:$0x5C00] =	vst v63  }
.LBB2_16:
0xb3: {  	s16 =	sadd.s32 $0x1, s16  }
0xb4: {  	p0 =	sne.s32 s16, $0x32  }
.Ltmp4:
0xb5: {  	_ = 	snop;
	(pc) =	sbr.rel @!p0 .LBB2_17-.Ltmp4, $4  }
0xb6: {  	_ = 	snop  }
0xb7: {  	_ =	swait.ge [sflag:s19], $0x2000  }
0xb8: {  	[sflag:s19] =	ssyncset.done $0x0  }
0xb9: {  	s18 =	sadd.s32 $0x80, s18;
	[sflag:s19] =	ssyncadd.s32 $0xFFFFE000  }
.LBB2_4:
0xba: {  	s19 =	sand.u32 $0x1, s16  }
0xbb: {  	p0 =	seq.s32 s19, $0x1  }
.Ltmp5:
0xbc: {  	_ = 	snop;
	(pc) =	sbr.rel @p0 .LBB2_9-.Ltmp5, $2  }
0xbd: {  	_ =	sdelay $0x2  }
0xbe: {  	s19 =	simm.s32 $0x80  }
.LBB2_5:
0xbf: {  	p0 =	sne.s32 s19, $0x1  }
.Ltmp6:
0xc0: {  	_ = 	snop;
	(pc) =	sbr.rel @p0 .LBB2_5-.Ltmp6, $4  }
0xc1: {  	_ = 	snop  }
0xc2: {  	_ =	swait.ge [sflag:s10], $0x40  }
0xc3: {  	[sflag:s10] =	ssyncset.done $0x0  }
0xc4: {  	s19 =	sadd.s32 $0xFFFFFFFF, s19;
	[sflag:s10] =	ssyncadd.s32 $0xFFFFFFC0  }
0xc5: {  	v0 =	vld [tilespmem:s18+$0x0];
	_ =	sdelay $0x4  }
0xc6: {  	v0 =	vshll.u32 v0, $0x4  }
0xc7: {  	(v2sf) =	vpush v0, $0x0;
	_ =	sdelay $0x1  }
0xc8: {  	(v2sf) =	vpush v0, $0x1;
	_ =	sdelay $0x3  }
0xc9: {  	(v2sf) =	vpush v0, $0x2;
	_ =	sdelay $0x3  }
0xca: {  	(v2sf) =	vpush v0, $0x3;
	_ =	sdelay $0x3  }
0xcb: {  	(v2sf) =	vpush v0, $0x4  }
0xcc: {  	s19 =	spop (v2sf)  }
0xcd: {  	s19 =	sand.u32 $0x1FFFFFF0, s19  }
0xce: {  	s21 =	simm.s32 $0x3C00;
	s20 =	spop (v2sf);
	s19 =	sadd.s32 s3, s19  }
0xcf: {  	(v2sf) =	vpush v0, $0x5;
	[tilespmem:s21], [sflag:$0x2] =	stream.strided.gather [hbm4b:s19+s11], $0x0, s9, s11, $0x38;
	[tilespmem:$0x5C00] =	vst v63  }
0xd0: {  	s20 =	sand.u32 $0x1FFFFFF0, s20  }
0xd1: {  	[tilespmem:s21], [sflag:$0x2] =	stream.linear.gather [hbm4b:s19+s2], $0x40, $0x38;
	[tilespmem:$0x5C00] =	vst v63  }
0xd2: {  	s24 =	simm.s32 $0x3C40;
	s25 =	spop (v2sf);
	s20 =	sadd.s32 s3, s20  }
0xd3: {  	(v2sf) =	vpush v0, $0x6;
	[tilespmem:s24], [sflag:$0x2] =	stream.strided.gather [hbm4b:s20+s11], $0x0, s9, s11, $0x38;
	[tilespmem:$0x5C00] =	vst v63  }
0xd4: {  	s21 =	sand.u32 $0x1FFFFFF0, s25  }
0xd5: {  	[tilespmem:s24], [sflag:$0x2] =	stream.linear.gather [hbm4b:s20+s2], $0x40, $0x38;
	[tilespmem:$0x5C00] =	vst v63  }
0xd6: {  	s28 =	simm.s32 $0x3C80;
	s26 =	spop (v2sf);
	s21 =	sadd.s32 s3, s21  }
0xd7: {  	(v2sf) =	vpush v0, $0x7;
	[tilespmem:s28], [sflag:$0x2] =	stream.strided.gather [hbm4b:s21+s11], $0x0, s9, s11, $0x38;
	[tilespmem:$0x5C00] =	vst v63  }
0xd8: {  	s19 =	sand.u32 $0x1FFFFFF0, s26  }
0xd9: {  	[tilespmem:s28], [sflag:$0x2] =	stream.linear.gather [hbm4b:s21+s2], $0x40, $0x38;
	[tilespmem:$0x5C00] =	vst v63  }
0xda: {  	s30 =	simm.s32 $0x3CC0;
	s29 =	spop (v2sf);
	s19 =	sadd.s32 s3, s19  }
0xdb: {  	(v2sf) =	vpush v0, $0x8;
	[tilespmem:s30], [sflag:$0x2] =	stream.strided.gather [hbm4b:s19+s11], $0x0, s9, s11, $0x38;
	[tilespmem:$0x5C00] =	vst v63  }
0xdc: {  	s20 =	sand.u32 $0x1FFFFFF0, s29  }
0xdd: {  	[tilespmem:s30], [sflag:$0x2] =	stream.linear.gather [hbm4b:s19+s2], $0x40, $0x38;
	[tilespmem:$0x5C00] =	vst v63  }
0xde: {  	s1 =	simm.s32 $0x3D00;
	s20 =	sadd.s32 s3, s20;
	s31 =	spop (v2sf)  }
0xdf: {  	(v2sf) =	vpush v0, $0x9;
	[tilespmem:s1], [sflag:$0x2] =	stream.strided.gather [hbm4b:s20+s11], $0x0, s9, s11, $0x38;
	[tilespmem:$0x5C00] =	vst v63  }
0xe0: {  	s19 =	sand.u32 $0x1FFFFFF0, s31  }
0xe1: {  	[tilespmem:s1], [sflag:$0x2] =	stream.linear.gather [hbm4b:s20+s2], $0x40, $0x38;
	[tilespmem:$0x5C00] =	vst v63  }
0xe2: {  	s23 =	simm.s32 $0x3D40;
	s22 =	spop (v2sf);
	s19 =	sadd.s32 s3, s19  }
0xe3: {  	(v2sf) =	vpush v0, $0xA;
	[tilespmem:s23], [sflag:$0x2] =	stream.strided.gather [hbm4b:s19+s11], $0x0, s9, s11, $0x38;
	[tilespmem:$0x5C00] =	vst v63  }
0xe4: {  	s20 =	sand.u32 $0x1FFFFFF0, s22  }
0xe5: {  	[tilespmem:s23], [sflag:$0x2] =	stream.linear.gather [hbm4b:s19+s2], $0x40, $0x38;
	[tilespmem:$0x5C00] =	vst v63  }
0xe6: {  	s25 =	simm.s32 $0x3D80;
	s24 =	spop (v2sf);
	s20 =	sadd.s32 s3, s20  }
0xe7: {  	(v2sf) =	vpush v0, $0xB;
	[tilespmem:s25], [sflag:$0x2] =	stream.strided.gather [hbm4b:s20+s11], $0x0, s9, s11, $0x38;
	[tilespmem:$0x5C00] =	vst v63  }
0xe8: {  	s19 =	sand.u32 $0x1FFFFFF0, s24  }
0xe9: {  	[tilespmem:s25], [sflag:$0x2] =	stream.linear.gather [hbm4b:s20+s2], $0x40, $0x38;
	[tilespmem:$0x5C00] =	vst v63  }
0xea: {  	s28 =	simm.s32 $0x3DC0;
	s26 =	spop (v2sf);
	s19 =	sadd.s32 s3, s19  }
0xeb: {  	(v2sf) =	vpush v0, $0xC;
	[tilespmem:s28], [sflag:$0x2] =	stream.strided.gather [hbm4b:s19+s11], $0x0, s9, s11, $0x38;
	[tilespmem:$0x5C00] =	vst v63  }
0xec: {  	s20 =	sand.u32 $0x1FFFFFF0, s26  }
0xed: {  	[tilespmem:s28], [sflag:$0x2] =	stream.linear.gather [hbm4b:s19+s2], $0x40, $0x38;
	[tilespmem:$0x5C00] =	vst v63  }
0xee: {  	s30 =	simm.s32 $0x3E00;
	s29 =	spop (v2sf);
	s20 =	sadd.s32 s3, s20  }
0xef: {  	(v2sf) =	vpush v0, $0xD;
	[tilespmem:s30], [sflag:$0x2] =	stream.strided.gather [hbm4b:s20+s11], $0x0, s9, s11, $0x38;
	[tilespmem:$0x5C00] =	vst v63  }
0xf0: {  	s19 =	sand.u32 $0x1FFFFFF0, s29  }
0xf1: {  	[tilespmem:s30], [sflag:$0x2] =	stream.linear.gather [hbm4b:s20+s2], $0x40, $0x38;
	[tilespmem:$0x5C00] =	vst v63  }
0xf2: {  	s1 =	simm.s32 $0x3E40;
	s31 =	spop (v2sf);
	s19 =	sadd.s32 s3, s19  }
0xf3: {  	(v2sf) =	vpush v0, $0xE;
	[tilespmem:s1], [sflag:$0x2] =	stream.strided.gather [hbm4b:s19+s11], $0x0, s9, s11, $0x38;
	[tilespmem:$0x5C00] =	vst v63  }
0xf4: {  	s20 =	sand.u32 $0x1FFFFFF0, s31  }
0xf5: {  	[tilespmem:s1], [sflag:$0x2] =	stream.linear.gather [hbm4b:s19+s2], $0x40, $0x38;
	[tilespmem:$0x5C00] =	vst v63  }
0xf6: {  	s22 =	simm.s32 $0x3E80;
	s21 =	spop (v2sf);
	s20 =	sadd.s32 s3, s20  }
0xf7: {  	(v2sf) =	vpush v0, $0xF;
	[tilespmem:s22], [sflag:$0x2] =	stream.strided.gather [hbm4b:s20+s11], $0x0, s9, s11, $0x38;
	[tilespmem:$0x5C00] =	vst v63  }
0xf8: {  	s19 =	sand.u32 $0x1FFFFFF0, s21  }
0xf9: {  	[tilespmem:s22], [sflag:$0x2] =	stream.linear.gather [hbm4b:s20+s2], $0x40, $0x38;
	[tilespmem:$0x5C00] =	vst v63  }
0xfa: {  	s24 =	simm.s32 $0x3EC0;
	s23 =	spop (v2sf);
	s19 =	sadd.s32 s3, s19  }
0xfb: {  	[tilespmem:s24], [sflag:$0x2] =	stream.strided.gather [hbm4b:s19+s11], $0x0, s9, s11, $0x38;
	[tilespmem:$0x5C00] =	vst v63  }
0xfc: {  	s20 =	sand.u32 $0x1FFFFFF0, s23  }
0xfd: {  	[tilespmem:s24], [sflag:$0x2] =	stream.linear.gather [hbm4b:s19+s2], $0x40, $0x38;
	[tilespmem:$0x5C00] =	vst v63  }
0xfe: {  	s26 =	simm.s32 $0x3F00;
	s25 =	spop (v2sf);
	s20 =	sadd.s32 s3, s20  }
0xff: {  	[tilespmem:s26], [sflag:$0x2] =	stream.strided.gather [hbm4b:s20+s11], $0x0, s9, s11, $0x38;
	[tilespmem:$0x5C00] =	vst v63  }
0x100: {  	s19 =	sand.u32 $0x1FFFFFF0, s25  }
0x101: {  	[tilespmem:s26], [sflag:$0x2] =	stream.linear.gather [hbm4b:s20+s2], $0x40, $0x38;
	[tilespmem:$0x5C00] =	vst v63  }
0x102: {  	s29 =	simm.s32 $0x3F40;
	s28 =	spop (v2sf);
	s19 =	sadd.s32 s3, s19  }
0x103: {  	[tilespmem:s29], [sflag:$0x2] =	stream.strided.gather [hbm4b:s19+s11], $0x0, s9, s11, $0x38;
	[tilespmem:$0x5C00] =	vst v63  }
0x104: {  	s20 =	sand.u32 $0x1FFFFFF0, s28  }
0x105: {  	[tilespmem:s29], [sflag:$0x2] =	stream.linear.gather [hbm4b:s19+s2], $0x40, $0x38;
	[tilespmem:$0x5C00] =	vst v63  }
0x106: {  	s31 =	simm.s32 $0x3F80;
	s30 =	spop (v2sf);
	s20 =	sadd.s32 s3, s20  }
0x107: {  	[tilespmem:s31], [sflag:$0x2] =	stream.strided.gather [hbm4b:s20+s11], $0x0, s9, s11, $0x38;
	[tilespmem:$0x5C00] =	vst v63  }
0x108: {  	s21 =	simm.s32 $0x3FC0;
	s19 =	sand.u32 $0x1FFFFFF0, s30  }
0x109: {  	[tilespmem:s31], [sflag:$0x2] =	stream.linear.gather [hbm4b:s20+s2], $0x40, $0x38;
	[tilespmem:$0x5C00] =	vst v63  }
0x10a: {  	s22 =	sadd.s32 s3, s19;
	s19 =	simm.s32 $0x1000;
	s20 =	smov.u32 s18  }
0x10b: {  	[tilespmem:s21], [sflag:$0x2] =	stream.strided.gather [hbm4b:s22+s11], $0x0, s9, s11, $0x38;
	[tilespmem:$0x5C00] =	vst v63  }
.LBB2_7:
0x10c: {  	p0 =	sne.s32 s19, $0x7000  }
0x10d: {  	s20 =	sadd.s32 $0x10, s20;
	s23 =	smov.u32 s19;
	s19 =	sadd.s32 $0x1000, s19  }
0x10e: {  	[tilespmem:s21], [sflag:$0x2] =	stream.linear.gather [hbm4b:s22+s2], $0x40, $0x38;
	[tilespmem:$0x5C00] =	vst v63  }
0x10f: {  	v0 =	vld [tilespmem:s20+$0x0];
	_ =	sdelay $0x4  }
0x110: {  	v0 =	vshll.u32 v0, $0x4  }
0x111: {  	(v2sf) =	vpush v0, $0x0  }
0x112: {  	(v2sf) =	vpush v0, $0x1  }
0x113: {  	(v2sf) =	vpush v0, $0x2;
	_ =	sdelay $0x2  }
0x114: {  	(v2sf) =	vpush v0, $0x3;
	_ =	sdelay $0x1  }
0x115: {  	(v2sf) =	vpush v0, $0x4;
	_ =	sdelay $0x1  }
0x116: {  	(v2sf) =	vpush v0, $0x5;
	_ =	sdelay $0x1  }
0x117: {  	(v2sf) =	vpush v0, $0x6;
	_ =	sdelay $0x1  }
0x118: {  	(v2sf) =	vpush v0, $0x7;
	_ =	sdelay $0x1  }
0x119: {  	s22 =	spop (v2sf);
	(v2sf) =	vpush v0, $0x8  }
0x11a: {  	s21 =	sshra.s32 s23, $0x2;
	s22 =	sand.u32 $0x1FFFFFF0, s22;
	s23 =	spop (v2sf)  }
0x11b: {  	s24 =	sadd.s32 $0x3C40, s21;
	s22 =	sadd.s32 s3, s22;
	s25 =	spop (v2sf);
	(v2sf) =	vpush v0, $0x9  }
0x11c: {  	s26 =	sadd.s32 $0x3C00, s21;
	s23 =	sand.u32 $0x1FFFFFF0, s23;
	s25 =	sand.u32 $0x1FFFFFF0, s25  }
0x11d: {  	[tilespmem:s26], [sflag:$0x2] =	stream.strided.gather [hbm4b:s22+s11], $0x0, s9, s11, $0x38;
	(v2sf) =	vpush v0, $0xA;
	[tilespmem:$0x5C00] =	vst v63  }
0x11e: {  	s28 =	spop (v2sf)  }
0x11f: {  	[tilespmem:s26], [sflag:$0x2] =	stream.linear.gather [hbm4b:s22+s2], $0x40, $0x38;
	(v2sf) =	vpush v0, $0xB;
	[tilespmem:$0x5C00] =	vst v63  }
0x120: {  	s22 =	sadd.s32 s3, s23;
	s23 =	sand.u32 $0x1FFFFFF0, s28;
	s26 =	spop (v2sf)  }
0x121: {  	[tilespmem:s24], [sflag:$0x2] =	stream.strided.gather [hbm4b:s22+s11], $0x0, s9, s11, $0x38;
	(v2sf) =	vpush v0, $0xC;
	[tilespmem:$0x5C00] =	vst v63  }
0x122: {  	s28 =	sadd.s32 $0x3C80, s21;
	s26 =	sand.u32 $0x1FFFFFF0, s26;
	s29 =	spop (v2sf)  }
0x123: {  	[tilespmem:s24], [sflag:$0x2] =	stream.linear.gather [hbm4b:s22+s2], $0x40, $0x38;
	[tilespmem:$0x5C00] =	vst v63  }
0x124: {  	s22 =	sadd.s32 s3, s25;
	s24 =	sand.u32 $0x1FFFFFF0, s29;
	s25 =	spop (v2sf)  }
0x125: {  	[tilespmem:s28], [sflag:$0x2] =	stream.strided.gather [hbm4b:s22+s11], $0x0, s9, s11, $0x38;
	(v2sf) =	vpush v0, $0xD;
	[tilespmem:$0x5C00] =	vst v63  }
0x126: {  	s29 =	sadd.s32 $0x3CC0, s21;
	s25 =	sand.u32 $0x1FFFFFF0, s25;
	s30 =	spop (v2sf)  }
0x127: {  	[tilespmem:s28], [sflag:$0x2] =	stream.linear.gather [hbm4b:s22+s2], $0x40, $0x38;
	[tilespmem:$0x5C00] =	vst v63  }
0x128: {  	s22 =	sadd.s32 s3, s23;
	s23 =	sand.u32 $0x1FFFFFF0, s30;
	s28 =	spop (v2sf)  }
0x129: {  	[tilespmem:s29], [sflag:$0x2] =	stream.strided.gather [hbm4b:s22+s11], $0x0, s9, s11, $0x38;
	(v2sf) =	vpush v0, $0xE;
	[tilespmem:$0x5C00] =	vst v63  }
0x12a: {  	s30 =	sadd.s32 $0x3D00, s21;
	s28 =	sand.u32 $0x1FFFFFF0, s28;
	s31 =	spop (v2sf)  }
0x12b: {  	[tilespmem:s29], [sflag:$0x2] =	stream.linear.gather [hbm4b:s22+s2], $0x40, $0x38;
	[tilespmem:$0x5C00] =	vst v63  }
0x12c: {  	s22 =	sadd.s32 s3, s26;
	s26 =	sand.u32 $0x1FFFFFF0, s31;
	s29 =	spop (v2sf)  }
0x12d: {  	[tilespmem:s30], [sflag:$0x2] =	stream.strided.gather [hbm4b:s22+s11], $0x0, s9, s11, $0x38;
	(v2sf) =	vpush v0, $0xF;
	[tilespmem:$0x5C00] =	vst v63  }
0x12e: {  	s31 =	sadd.s32 $0x3D40, s21;
	s29 =	sand.u32 $0x1FFFFFF0, s29;
	s1 =	spop (v2sf)  }
0x12f: {  	[tilespmem:s30], [sflag:$0x2] =	stream.linear.gather [hbm4b:s22+s2], $0x40, $0x38;
	[tilespmem:$0x5C00] =	vst v63  }
0x130: {  	s22 =	sadd.s32 s3, s24;
	s1 =	sand.u32 $0x1FFFFFF0, s1;
	s24 =	spop (v2sf)  }
0x131: {  	[tilespmem:s31], [sflag:$0x2] =	stream.strided.gather [hbm4b:s22+s11], $0x0, s9, s11, $0x38;
	[tilespmem:$0x5C00] =	vst v63  }
0x132: {  	s25 =	sadd.s32 s3, s25;
	s30 =	sadd.s32 $0x3D80, s21;
	s24 =	sand.u32 $0x1FFFFFF0, s24  }
0x133: {  	[tilespmem:s31], [sflag:$0x2] =	stream.linear.gather [hbm4b:s22+s2], $0x40, $0x38;
	[tilespmem:$0x5C00] =	vst v63  }
0x134: {  	s22 =	spop (v2sf)  }
0x135: {  	[tilespmem:s30], [sflag:$0x2] =	stream.strided.gather [hbm4b:s25+s11], $0x0, s9, s11, $0x38;
	[tilespmem:$0x5C00] =	vst v63  }
0x136: {  	s23 =	sadd.s32 s3, s23;
	s31 =	sadd.s32 $0x3DC0, s21;
	s22 =	sand.u32 $0x1FFFFFF0, s22  }
0x137: {  	[tilespmem:s30], [sflag:$0x2] =	stream.linear.gather [hbm4b:s25+s2], $0x40, $0x38;
	[tilespmem:$0x5C00] =	vst v63  }
0x138: {  	s25 =	spop (v2sf)  }
0x139: {  	[tilespmem:s31], [sflag:$0x2] =	stream.strided.gather [hbm4b:s23+s11], $0x0, s9, s11, $0x38;
	[tilespmem:$0x5C00] =	vst v63  }
0x13a: {  	s28 =	sadd.s32 s3, s28;
	s30 =	sadd.s32 $0x3E00, s21;
	s25 =	sand.u32 $0x1FFFFFF0, s25  }
0x13b: {  	[tilespmem:s31], [sflag:$0x2] =	stream.linear.gather [hbm4b:s23+s2], $0x40, $0x38;
	[tilespmem:$0x5C00] =	vst v63  }
0x13c: {  	s23 =	spop (v2sf)  }
0x13d: {  	[tilespmem:s30], [sflag:$0x2] =	stream.strided.gather [hbm4b:s28+s11], $0x0, s9, s11, $0x38;
	[tilespmem:$0x5C00] =	vst v63  }
0x13e: {  	s26 =	sadd.s32 s3, s26;
	s31 =	sadd.s32 $0x3E40, s21;
	s23 =	sand.u32 $0x1FFFFFF0, s23  }
0x13f: {  	[tilespmem:s30], [sflag:$0x2] =	stream.linear.gather [hbm4b:s28+s2], $0x40, $0x38;
	[tilespmem:$0x5C00] =	vst v63  }
0x140: {  	_ = 	snop  }
0x141: {  	[tilespmem:s31], [sflag:$0x2] =	stream.strided.gather [hbm4b:s26+s11], $0x0, s9, s11, $0x38;
	[tilespmem:$0x5C00] =	vst v63  }
0x142: {  	s29 =	sadd.s32 s3, s29;
	s28 =	sadd.s32 $0x3E80, s21  }
0x143: {  	[tilespmem:s31], [sflag:$0x2] =	stream.linear.gather [hbm4b:s26+s2], $0x40, $0x38;
	[tilespmem:$0x5C00] =	vst v63  }
0x144: {  	_ = 	snop  }
0x145: {  	[tilespmem:s28], [sflag:$0x2] =	stream.strided.gather [hbm4b:s29+s11], $0x0, s9, s11, $0x38;
	[tilespmem:$0x5C00] =	vst v63  }
0x146: {  	s1 =	sadd.s32 s3, s1;
	s26 =	sadd.s32 $0x3EC0, s21  }
0x147: {  	[tilespmem:s28], [sflag:$0x2] =	stream.linear.gather [hbm4b:s29+s2], $0x40, $0x38;
	[tilespmem:$0x5C00] =	vst v63  }
0x148: {  	_ = 	snop  }
0x149: {  	[tilespmem:s26], [sflag:$0x2] =	stream.strided.gather [hbm4b:s1+s11], $0x0, s9, s11, $0x38;
	[tilespmem:$0x5C00] =	vst v63  }
0x14a: {  	s24 =	sadd.s32 s3, s24;
	s28 =	sadd.s32 $0x3F00, s21  }
0x14b: {  	[tilespmem:s26], [sflag:$0x2] =	stream.linear.gather [hbm4b:s1+s2], $0x40, $0x38;
	[tilespmem:$0x5C00] =	vst v63  }
0x14c: {  	_ = 	snop  }
0x14d: {  	[tilespmem:s28], [sflag:$0x2] =	stream.strided.gather [hbm4b:s24+s11], $0x0, s9, s11, $0x38;
	[tilespmem:$0x5C00] =	vst v63  }
0x14e: {  	s22 =	sadd.s32 s3, s22;
	s1 =	sadd.s32 $0x3F40, s21  }
0x14f: {  	[tilespmem:s28], [sflag:$0x2] =	stream.linear.gather [hbm4b:s24+s2], $0x40, $0x38;
	[tilespmem:$0x5C00] =	vst v63  }
0x150: {  	_ = 	snop  }
0x151: {  	[tilespmem:s1], [sflag:$0x2] =	stream.strided.gather [hbm4b:s22+s11], $0x0, s9, s11, $0x38;
	[tilespmem:$0x5C00] =	vst v63  }
0x152: {  	s25 =	sadd.s32 s3, s25;
	s24 =	sadd.s32 $0x3F80, s21  }
0x153: {  	[tilespmem:s1], [sflag:$0x2] =	stream.linear.gather [hbm4b:s22+s2], $0x40, $0x38;
	[tilespmem:$0x5C00] =	vst v63  }
0x154: {  	_ = 	snop  }
0x155: {  	[tilespmem:s24], [sflag:$0x2] =	stream.strided.gather [hbm4b:s25+s11], $0x0, s9, s11, $0x38;
	[tilespmem:$0x5C00] =	vst v63  }
.Ltmp7:
0x156: {  	_ = 	snop;
	(pc) =	sbr.rel @p0 .LBB2_7-.Ltmp7, $4  }
0x157: {  	s21 =	sadd.s32 $0x3FC0, s21;
	s22 =	sadd.s32 s3, s23  }
0x158: {  	[tilespmem:s24], [sflag:$0x2] =	stream.linear.gather [hbm4b:s25+s2], $0x40, $0x38;
	[tilespmem:$0x5C00] =	vst v63  }
0x159: {  	_ = 	snop  }
0x15a: {  	[tilespmem:s21], [sflag:$0x2] =	stream.strided.gather [hbm4b:s22+s11], $0x0, s9, s11, $0x38;
	[tilespmem:$0x5C00] =	vst v63  }
0x15b: {  	[tilespmem:s21], [sflag:$0x2] =	stream.linear.gather [hbm4b:s22+s2], $0x40, $0x38;
	[tilespmem:$0x5C00] =	vst v63  }
.Ltmp8:
0x15c: {  	s1 =	sshll.u32 s16, $0xD;
	(pc) =	sbr.rel .LBB2_16-.Ltmp8, $4  }
0x15d: {  	s1 =	sadd.s32 s6, s1  }
0x15e: {  	s1 =	sshrl.u32 s1, $0x3  }
0x15f: {  	s19 =	simm.s32 $0x4;
	s1 =	sadd.s32 s4, s1  }
0x160: {  	[hbm4b:s1+s2] =	stream.linear.scatter [tilespmem:s12], [sflag:$0x4], $0x2000, $0x38;
	[tilespmem:$0x5C00] =	vst v63  }
.LBB2_9:
0x161: {  	_ =	swait.ge [sflag:s13], $0x40  }
0x162: {  	s19 =	sadd.s32 $0xFFFFFFFF, s17;
	[sflag:s13] =	ssyncset.done $0x0  }
.LBB2_10:
0x163: {  	p0 =	sne.s32 s19, $0x1;
	s19 =	sadd.s32 $0xFFFFFFFF, s19;
	[sflag:s13] =	ssyncadd.s32 $0xFFFFFFC0  }
.Ltmp9:
0x164: {  	(pc) =	sbr.rel @p0 .LBB2_10-.Ltmp9, $3  }
0x165: {  	_ =	sdelay $0x1  }
0x166: {  	_ =	swait.ge [sflag:s13], $0x40  }
0x167: {  	[sflag:s13] =	ssyncset.done $0x0  }
0x168: {  	p0 =	seq.s32 s16, $0x31  }
.Ltmp10:
0x169: {  	_ = 	snop;
	(pc) =	sbr.rel @p0 .LBB2_15-.Ltmp10, $2  }
0x16a: {  	_ =	sdelay $0x2  }
0x16b: {  	[sflag:s13] =	ssyncadd.s32 $0xFFFFFFC0  }
0x16c: {  	v0 =	vld [tilespmem:s18+$0x0];
	_ =	sdelay $0x4  }
0x16d: {  	v0 =	vshll.u32 v0, $0x4  }
0x16e: {  	(v2sf) =	vpush v0, $0x0;
	_ =	sdelay $0x1  }
0x16f: {  	(v2sf) =	vpush v0, $0x1;
	_ =	sdelay $0x3  }
0x170: {  	(v2sf) =	vpush v0, $0x2;
	_ =	sdelay $0x3  }
0x171: {  	(v2sf) =	vpush v0, $0x3;
	_ =	sdelay $0x3  }
0x172: {  	(v2sf) =	vpush v0, $0x4  }
0x173: {  	s1 =	spop (v2sf)  }
0x174: {  	s1 =	sand.u32 $0x1FFFFFF0, s1  }
0x175: {  	s20 =	simm.s32 $0x1C00;
	s19 =	spop (v2sf);
	s1 =	sadd.s32 s3, s1  }
0x176: {  	(v2sf) =	vpush v0, $0x5;
	[tilespmem:s20], [sflag:$0x1] =	stream.strided.gather [hbm4b:s1+s11], $0x0, s9, s11, $0x38;
	[tilespmem:$0x5C00] =	vst v63  }
0x177: {  	s19 =	sand.u32 $0x1FFFFFF0, s19  }
0x178: {  	[tilespmem:s20], [sflag:$0x1] =	stream.linear.gather [hbm4b:s1+s2], $0x40, $0x38;
	[tilespmem:$0x5C00] =	vst v63  }
0x179: {  	s23 =	simm.s32 $0x1C40;
	s24 =	spop (v2sf);
	s19 =	sadd.s32 s3, s19  }
0x17a: {  	(v2sf) =	vpush v0, $0x6;
	[tilespmem:s23], [sflag:$0x1] =	stream.strided.gather [hbm4b:s19+s11], $0x0, s9, s11, $0x38;
	[tilespmem:$0x5C00] =	vst v63  }
0x17b: {  	s20 =	sand.u32 $0x1FFFFFF0, s24  }
0x17c: {  	[tilespmem:s23], [sflag:$0x1] =	stream.linear.gather [hbm4b:s19+s2], $0x40, $0x38;
	[tilespmem:$0x5C00] =	vst v63  }
0x17d: {  	s26 =	simm.s32 $0x1C80;
	s25 =	spop (v2sf);
	s20 =	sadd.s32 s3, s20  }
0x17e: {  	(v2sf) =	vpush v0, $0x7;
	[tilespmem:s26], [sflag:$0x1] =	stream.strided.gather [hbm4b:s20+s11], $0x0, s9, s11, $0x38;
	[tilespmem:$0x5C00] =	vst v63  }
0x17f: {  	s1 =	sand.u32 $0x1FFFFFF0, s25  }
0x180: {  	[tilespmem:s26], [sflag:$0x1] =	stream.linear.gather [hbm4b:s20+s2], $0x40, $0x38;
	[tilespmem:$0x5C00] =	vst v63  }
0x181: {  	s29 =	simm.s32 $0x1CC0;
	s28 =	spop (v2sf);
	s1 =	sadd.s32 s3, s1  }
0x182: {  	(v2sf) =	vpush v0, $0x8;
	[tilespmem:s29], [sflag:$0x1] =	stream.strided.gather [hbm4b:s1+s11], $0x0, s9, s11, $0x38;
	[tilespmem:$0x5C00] =	vst v63  }
0x183: {  	s19 =	sand.u32 $0x1FFFFFF0, s28  }
0x184: {  	[tilespmem:s29], [sflag:$0x1] =	stream.linear.gather [hbm4b:s1+s2], $0x40, $0x38;
	[tilespmem:$0x5C00] =	vst v63  }
0x185: {  	s31 =	simm.s32 $0x1D00;
	s19 =	sadd.s32 s3, s19;
	s30 =	spop (v2sf)  }
0x186: {  	(v2sf) =	vpush v0, $0x9;
	[tilespmem:s31], [sflag:$0x1] =	stream.strided.gather [hbm4b:s19+s11], $0x0, s9, s11, $0x38;
	[tilespmem:$0x5C00] =	vst v63  }
0x187: {  	s1 =	sand.u32 $0x1FFFFFF0, s30  }
0x188: {  	[tilespmem:s31], [sflag:$0x1] =	stream.linear.gather [hbm4b:s19+s2], $0x40, $0x38;
	[tilespmem:$0x5C00] =	vst v63  }
0x189: {  	s22 =	simm.s32 $0x1D40;
	s21 =	spop (v2sf);
	s1 =	sadd.s32 s3, s1  }
0x18a: {  	(v2sf) =	vpush v0, $0xA;
	[tilespmem:s22], [sflag:$0x1] =	stream.strided.gather [hbm4b:s1+s11], $0x0, s9, s11, $0x38;
	[tilespmem:$0x5C00] =	vst v63  }
0x18b: {  	s19 =	sand.u32 $0x1FFFFFF0, s21  }
0x18c: {  	[tilespmem:s22], [sflag:$0x1] =	stream.linear.gather [hbm4b:s1+s2], $0x40, $0x38;
	[tilespmem:$0x5C00] =	vst v63  }
0x18d: {  	s24 =	simm.s32 $0x1D80;
	s23 =	spop (v2sf);
	s19 =	sadd.s32 s3, s19  }
0x18e: {  	(v2sf) =	vpush v0, $0xB;
	[tilespmem:s24], [sflag:$0x1] =	stream.strided.gather [hbm4b:s19+s11], $0x0, s9, s11, $0x38;
	[tilespmem:$0x5C00] =	vst v63  }
0x18f: {  	s1 =	sand.u32 $0x1FFFFFF0, s23  }
0x190: {  	[tilespmem:s24], [sflag:$0x1] =	stream.linear.gather [hbm4b:s19+s2], $0x40, $0x38;
	[tilespmem:$0x5C00] =	vst v63  }
0x191: {  	s26 =	simm.s32 $0x1DC0;
	s25 =	spop (v2sf);
	s1 =	sadd.s32 s3, s1  }
0x192: {  	(v2sf) =	vpush v0, $0xC;
	[tilespmem:s26], [sflag:$0x1] =	stream.strided.gather [hbm4b:s1+s11], $0x0, s9, s11, $0x38;
	[tilespmem:$0x5C00] =	vst v63  }
0x193: {  	s19 =	sand.u32 $0x1FFFFFF0, s25  }
0x194: {  	[tilespmem:s26], [sflag:$0x1] =	stream.linear.gather [hbm4b:s1+s2], $0x40, $0x38;
	[tilespmem:$0x5C00] =	vst v63  }
0x195: {  	s29 =	simm.s32 $0x1E00;
	s28 =	spop (v2sf);
	s19 =	sadd.s32 s3, s19  }
0x196: {  	(v2sf) =	vpush v0, $0xD;
	[tilespmem:s29], [sflag:$0x1] =	stream.strided.gather [hbm4b:s19+s11], $0x0, s9, s11, $0x38;
	[tilespmem:$0x5C00] =	vst v63  }
0x197: {  	s1 =	sand.u32 $0x1FFFFFF0, s28  }
0x198: {  	[tilespmem:s29], [sflag:$0x1] =	stream.linear.gather [hbm4b:s19+s2], $0x40, $0x38;
	[tilespmem:$0x5C00] =	vst v63  }
0x199: {  	s31 =	simm.s32 $0x1E40;
	s30 =	spop (v2sf);
	s1 =	sadd.s32 s3, s1  }
0x19a: {  	(v2sf) =	vpush v0, $0xE;
	[tilespmem:s31], [sflag:$0x1] =	stream.strided.gather [hbm4b:s1+s11], $0x0, s9, s11, $0x38;
	[tilespmem:$0x5C00] =	vst v63  }
0x19b: {  	s19 =	sand.u32 $0x1FFFFFF0, s30  }
0x19c: {  	[tilespmem:s31], [sflag:$0x1] =	stream.linear.gather [hbm4b:s1+s2], $0x40, $0x38;
	[tilespmem:$0x5C00] =	vst v63  }
0x19d: {  	s22 =	simm.s32 $0x1E80;
	s21 =	spop (v2sf);
	s19 =	sadd.s32 s3, s19  }
0x19e: {  	(v2sf) =	vpush v0, $0xF;
	[tilespmem:s22], [sflag:$0x1] =	stream.strided.gather [hbm4b:s19+s11], $0x0, s9, s11, $0x38;
	[tilespmem:$0x5C00] =	vst v63  }
0x19f: {  	s1 =	sand.u32 $0x1FFFFFF0, s21  }
0x1a0: {  	[tilespmem:s22], [sflag:$0x1] =	stream.linear.gather [hbm4b:s19+s2], $0x40, $0x38;
	[tilespmem:$0x5C00] =	vst v63  }
0x1a1: {  	s24 =	simm.s32 $0x1EC0;
	s23 =	spop (v2sf);
	s1 =	sadd.s32 s3, s1  }
0x1a2: {  	[tilespmem:s24], [sflag:$0x1] =	stream.strided.gather [hbm4b:s1+s11], $0x0, s9, s11, $0x38;
	[tilespmem:$0x5C00] =	vst v63  }
0x1a3: {  	s19 =	sand.u32 $0x1FFFFFF0, s23  }
0x1a4: {  	[tilespmem:s24], [sflag:$0x1] =	stream.linear.gather [hbm4b:s1+s2], $0x40, $0x38;
	[tilespmem:$0x5C00] =	vst v63  }
0x1a5: {  	s26 =	simm.s32 $0x1F00;
	s25 =	spop (v2sf);
	s19 =	sadd.s32 s3, s19  }
0x1a6: {  	[tilespmem:s26], [sflag:$0x1] =	stream.strided.gather [hbm4b:s19+s11], $0x0, s9, s11, $0x38;
	[tilespmem:$0x5C00] =	vst v63  }
0x1a7: {  	s1 =	sand.u32 $0x1FFFFFF0, s25  }
0x1a8: {  	[tilespmem:s26], [sflag:$0x1] =	stream.linear.gather [hbm4b:s19+s2], $0x40, $0x38;
	[tilespmem:$0x5C00] =	vst v63  }
0x1a9: {  	s29 =	simm.s32 $0x1F40;
	s28 =	spop (v2sf);
	s1 =	sadd.s32 s3, s1  }
0x1aa: {  	[tilespmem:s29], [sflag:$0x1] =	stream.strided.gather [hbm4b:s1+s11], $0x0, s9, s11, $0x38;
	[tilespmem:$0x5C00] =	vst v63  }
0x1ab: {  	s19 =	sand.u32 $0x1FFFFFF0, s28  }
0x1ac: {  	[tilespmem:s29], [sflag:$0x1] =	stream.linear.gather [hbm4b:s1+s2], $0x40, $0x38;
	[tilespmem:$0x5C00] =	vst v63  }
0x1ad: {  	s31 =	simm.s32 $0x1F80;
	s30 =	spop (v2sf);
	s19 =	sadd.s32 s3, s19  }
0x1ae: {  	[tilespmem:s31], [sflag:$0x1] =	stream.strided.gather [hbm4b:s19+s11], $0x0, s9, s11, $0x38;
	[tilespmem:$0x5C00] =	vst v63  }
0x1af: {  	s20 =	smov.u32 s18;
	s1 =	sand.u32 $0x1FFFFFF0, s30  }
0x1b0: {  	[tilespmem:s31], [sflag:$0x1] =	stream.linear.gather [hbm4b:s19+s2], $0x40, $0x38;
	[tilespmem:$0x5C00] =	vst v63  }
0x1b1: {  	s21 =	simm.s32 $0x1FC0;
	s22 =	sadd.s32 s3, s1;
	s19 =	simm.s32 $0x1000  }
0x1b2: {  	[tilespmem:s21], [sflag:$0x1] =	stream.strided.gather [hbm4b:s22+s11], $0x0, s9, s11, $0x38;
	[tilespmem:$0x5C00] =	vst v63  }
.LBB2_13:
0x1b3: {  	p0 =	sne.s32 s19, $0x7000  }
0x1b4: {  	s20 =	sadd.s32 $0x10, s20;
	s1 =	smov.u32 s19;
	s19 =	sadd.s32 $0x1000, s19  }
0x1b5: {  	[tilespmem:s21], [sflag:$0x1] =	stream.linear.gather [hbm4b:s22+s2], $0x40, $0x38;
	[tilespmem:$0x5C00] =	vst v63  }
0x1b6: {  	v0 =	vld [tilespmem:s20+$0x0];
	_ =	sdelay $0x4  }
0x1b7: {  	v0 =	vshll.u32 v0, $0x4  }
0x1b8: {  	(v2sf) =	vpush v0, $0x0  }
0x1b9: {  	(v2sf) =	vpush v0, $0x1  }
0x1ba: {  	(v2sf) =	vpush v0, $0x2;
	_ =	sdelay $0x2  }
0x1bb: {  	(v2sf) =	vpush v0, $0x3;
	_ =	sdelay $0x1  }
0x1bc: {  	(v2sf) =	vpush v0, $0x4;
	_ =	sdelay $0x1  }
0x1bd: {  	(v2sf) =	vpush v0, $0x5;
	_ =	sdelay $0x1  }
0x1be: {  	(v2sf) =	vpush v0, $0x6;
	_ =	sdelay $0x1  }
0x1bf: {  	(v2sf) =	vpush v0, $0x7;
	_ =	sdelay $0x1  }
0x1c0: {  	s22 =	spop (v2sf);
	(v2sf) =	vpush v0, $0x8  }
0x1c1: {  	s21 =	sshra.s32 s1, $0x2;
	s1 =	sand.u32 $0x1FFFFFF0, s22;
	s22 =	spop (v2sf)  }
0x1c2: {  	s23 =	sadd.s32 $0x1C40, s21;
	s1 =	sadd.s32 s3, s1;
	s24 =	spop (v2sf);
	(v2sf) =	vpush v0, $0x9  }
0x1c3: {  	s25 =	sadd.s32 $0x1C00, s21;
	s22 =	sand.u32 $0x1FFFFFF0, s22;
	s24 =	sand.u32 $0x1FFFFFF0, s24  }
0x1c4: {  	[tilespmem:s25], [sflag:$0x1] =	stream.strided.gather [hbm4b:s1+s11], $0x0, s9, s11, $0x38;
	(v2sf) =	vpush v0, $0xA;
	[tilespmem:$0x5C00] =	vst v63  }
0x1c5: {  	s26 =	spop (v2sf)  }
0x1c6: {  	[tilespmem:s25], [sflag:$0x1] =	stream.linear.gather [hbm4b:s1+s2], $0x40, $0x38;
	(v2sf) =	vpush v0, $0xB;
	[tilespmem:$0x5C00] =	vst v63  }
0x1c7: {  	s1 =	sadd.s32 s3, s22;
	s22 =	sand.u32 $0x1FFFFFF0, s26;
	s25 =	spop (v2sf)  }
0x1c8: {  	[tilespmem:s23], [sflag:$0x1] =	stream.strided.gather [hbm4b:s1+s11], $0x0, s9, s11, $0x38;
	(v2sf) =	vpush v0, $0xC;
	[tilespmem:$0x5C00] =	vst v63  }
0x1c9: {  	s26 =	sadd.s32 $0x1C80, s21;
	s25 =	sand.u32 $0x1FFFFFF0, s25;
	s28 =	spop (v2sf)  }
0x1ca: {  	[tilespmem:s23], [sflag:$0x1] =	stream.linear.gather [hbm4b:s1+s2], $0x40, $0x38;
	[tilespmem:$0x5C00] =	vst v63  }
0x1cb: {  	s1 =	sadd.s32 s3, s24;
	s23 =	sand.u32 $0x1FFFFFF0, s28;
	s24 =	spop (v2sf)  }
0x1cc: {  	[tilespmem:s26], [sflag:$0x1] =	stream.strided.gather [hbm4b:s1+s11], $0x0, s9, s11, $0x38;
	(v2sf) =	vpush v0, $0xD;
	[tilespmem:$0x5C00] =	vst v63  }
0x1cd: {  	s28 =	sadd.s32 $0x1CC0, s21;
	s24 =	sand.u32 $0x1FFFFFF0, s24;
	s29 =	spop (v2sf)  }
0x1ce: {  	[tilespmem:s26], [sflag:$0x1] =	stream.linear.gather [hbm4b:s1+s2], $0x40, $0x38;
	[tilespmem:$0x5C00] =	vst v63  }
0x1cf: {  	s1 =	sadd.s32 s3, s22;
	s22 =	sand.u32 $0x1FFFFFF0, s29;
	s26 =	spop (v2sf)  }
0x1d0: {  	[tilespmem:s28], [sflag:$0x1] =	stream.strided.gather [hbm4b:s1+s11], $0x0, s9, s11, $0x38;
	(v2sf) =	vpush v0, $0xE;
	[tilespmem:$0x5C00] =	vst v63  }
0x1d1: {  	s29 =	sadd.s32 $0x1D00, s21;
	s26 =	sand.u32 $0x1FFFFFF0, s26;
	s30 =	spop (v2sf)  }
0x1d2: {  	[tilespmem:s28], [sflag:$0x1] =	stream.linear.gather [hbm4b:s1+s2], $0x40, $0x38;
	[tilespmem:$0x5C00] =	vst v63  }
0x1d3: {  	s1 =	sadd.s32 s3, s25;
	s25 =	sand.u32 $0x1FFFFFF0, s30;
	s28 =	spop (v2sf)  }
0x1d4: {  	[tilespmem:s29], [sflag:$0x1] =	stream.strided.gather [hbm4b:s1+s11], $0x0, s9, s11, $0x38;
	(v2sf) =	vpush v0, $0xF;
	[tilespmem:$0x5C00] =	vst v63  }
0x1d5: {  	s30 =	sadd.s32 $0x1D40, s21;
	s28 =	sand.u32 $0x1FFFFFF0, s28;
	s31 =	spop (v2sf)  }
0x1d6: {  	[tilespmem:s29], [sflag:$0x1] =	stream.linear.gather [hbm4b:s1+s2], $0x40, $0x38;
	[tilespmem:$0x5C00] =	vst v63  }
0x1d7: {  	s1 =	sadd.s32 s3, s23;
	s23 =	sand.u32 $0x1FFFFFF0, s31;
	s29 =	spop (v2sf)  }
0x1d8: {  	[tilespmem:s30], [sflag:$0x1] =	stream.strided.gather [hbm4b:s1+s11], $0x0, s9, s11, $0x38;
	[tilespmem:$0x5C00] =	vst v63  }
0x1d9: {  	s24 =	sadd.s32 s3, s24;
	s31 =	sadd.s32 $0x1D80, s21;
	s29 =	sand.u32 $0x1FFFFFF0, s29  }
0x1da: {  	[tilespmem:s30], [sflag:$0x1] =	stream.linear.gather [hbm4b:s1+s2], $0x40, $0x38;
	[tilespmem:$0x5C00] =	vst v63  }
0x1db: {  	s1 =	spop (v2sf)  }
0x1dc: {  	[tilespmem:s31], [sflag:$0x1] =	stream.strided.gather [hbm4b:s24+s11], $0x0, s9, s11, $0x38;
	[tilespmem:$0x5C00] =	vst v63  }
0x1dd: {  	s22 =	sadd.s32 s3, s22;
	s30 =	sadd.s32 $0x1DC0, s21;
	s1 =	sand.u32 $0x1FFFFFF0, s1  }
0x1de: {  	[tilespmem:s31], [sflag:$0x1] =	stream.linear.gather [hbm4b:s24+s2], $0x40, $0x38;
	[tilespmem:$0x5C00] =	vst v63  }
0x1df: {  	s24 =	spop (v2sf)  }
0x1e0: {  	[tilespmem:s30], [sflag:$0x1] =	stream.strided.gather [hbm4b:s22+s11], $0x0, s9, s11, $0x38;
	[tilespmem:$0x5C00] =	vst v63  }
0x1e1: {  	s26 =	sadd.s32 s3, s26;
	s31 =	sadd.s32 $0x1E00, s21;
	s24 =	sand.u32 $0x1FFFFFF0, s24  }
0x1e2: {  	[tilespmem:s30], [sflag:$0x1] =	stream.linear.gather [hbm4b:s22+s2], $0x40, $0x38;
	[tilespmem:$0x5C00] =	vst v63  }
0x1e3: {  	s22 =	spop (v2sf)  }
0x1e4: {  	[tilespmem:s31], [sflag:$0x1] =	stream.strided.gather [hbm4b:s26+s11], $0x0, s9, s11, $0x38;
	[tilespmem:$0x5C00] =	vst v63  }
0x1e5: {  	s25 =	sadd.s32 s3, s25;
	s30 =	sadd.s32 $0x1E40, s21;
	s22 =	sand.u32 $0x1FFFFFF0, s22  }
0x1e6: {  	[tilespmem:s31], [sflag:$0x1] =	stream.linear.gather [hbm4b:s26+s2], $0x40, $0x38;
	[tilespmem:$0x5C00] =	vst v63  }
0x1e7: {  	_ = 	snop  }
0x1e8: {  	[tilespmem:s30], [sflag:$0x1] =	stream.strided.gather [hbm4b:s25+s11], $0x0, s9, s11, $0x38;
	[tilespmem:$0x5C00] =	vst v63  }
0x1e9: {  	s28 =	sadd.s32 s3, s28;
	s26 =	sadd.s32 $0x1E80, s21  }
0x1ea: {  	[tilespmem:s30], [sflag:$0x1] =	stream.linear.gather [hbm4b:s25+s2], $0x40, $0x38;
	[tilespmem:$0x5C00] =	vst v63  }
0x1eb: {  	_ = 	snop  }
0x1ec: {  	[tilespmem:s26], [sflag:$0x1] =	stream.strided.gather [hbm4b:s28+s11], $0x0, s9, s11, $0x38;
	[tilespmem:$0x5C00] =	vst v63  }
0x1ed: {  	s23 =	sadd.s32 s3, s23;
	s25 =	sadd.s32 $0x1EC0, s21  }
0x1ee: {  	[tilespmem:s26], [sflag:$0x1] =	stream.linear.gather [hbm4b:s28+s2], $0x40, $0x38;
	[tilespmem:$0x5C00] =	vst v63  }
0x1ef: {  	_ = 	snop  }
0x1f0: {  	[tilespmem:s25], [sflag:$0x1] =	stream.strided.gather [hbm4b:s23+s11], $0x0, s9, s11, $0x38;
	[tilespmem:$0x5C00] =	vst v63  }
0x1f1: {  	s26 =	sadd.s32 $0x1F00, s21;
	s28 =	sadd.s32 s3, s29  }
0x1f2: {  	[tilespmem:s25], [sflag:$0x1] =	stream.linear.gather [hbm4b:s23+s2], $0x40, $0x38;
	[tilespmem:$0x5C00] =	vst v63  }
0x1f3: {  	_ = 	snop  }
0x1f4: {  	[tilespmem:s26], [sflag:$0x1] =	stream.strided.gather [hbm4b:s28+s11], $0x0, s9, s11, $0x38;
	[tilespmem:$0x5C00] =	vst v63  }
0x1f5: {  	s1 =	sadd.s32 s3, s1;
	s23 =	sadd.s32 $0x1F40, s21  }
0x1f6: {  	[tilespmem:s26], [sflag:$0x1] =	stream.linear.gather [hbm4b:s28+s2], $0x40, $0x38;
	[tilespmem:$0x5C00] =	vst v63  }
0x1f7: {  	_ = 	snop  }
0x1f8: {  	[tilespmem:s23], [sflag:$0x1] =	stream.strided.gather [hbm4b:s1+s11], $0x0, s9, s11, $0x38;
	[tilespmem:$0x5C00] =	vst v63  }
0x1f9: {  	s24 =	sadd.s32 s3, s24;
	s25 =	sadd.s32 $0x1F80, s21  }
0x1fa: {  	[tilespmem:s23], [sflag:$0x1] =	stream.linear.gather [hbm4b:s1+s2], $0x40, $0x38;
	[tilespmem:$0x5C00] =	vst v63  }
0x1fb: {  	_ = 	snop  }
0x1fc: {  	[tilespmem:s25], [sflag:$0x1] =	stream.strided.gather [hbm4b:s24+s11], $0x0, s9, s11, $0x38;
	[tilespmem:$0x5C00] =	vst v63  }
.Ltmp11:
0x1fd: {  	_ = 	snop;
	(pc) =	sbr.rel @p0 .LBB2_13-.Ltmp11, $4  }
0x1fe: {  	s22 =	sadd.s32 s3, s22;
	s21 =	sadd.s32 $0x1FC0, s21  }
0x1ff: {  	[tilespmem:s25], [sflag:$0x1] =	stream.linear.gather [hbm4b:s24+s2], $0x40, $0x38;
	[tilespmem:$0x5C00] =	vst v63  }
0x200: {  	_ = 	snop  }
0x201: {  	[tilespmem:s21], [sflag:$0x1] =	stream.strided.gather [hbm4b:s22+s11], $0x0, s9, s11, $0x38;
	[tilespmem:$0x5C00] =	vst v63  }
.Ltmp12:
0x202: {  	_ = 	snop;
	(pc) =	sbr.rel .LBB2_14-.Ltmp12, $1  }
0x203: {  	_ =	sdelay $0x3  }
.LBB2_18:
0x204: {  	_ =	sfence.sel $0x180000  }
0x205: {  	[bflag:$0x0] =	sbarrier.arrive $0xFFFF  }
0x206: {  	_ =	strace $0x90000047  }
0x207: {  	[bflag:$0x2] =	sbarrier.arrive $0xFFFF  }
0x208: {  	p0 =	sne.s32 s0, $0x0;
	s0 =	rddreg [dreg:$0x1]  }
0x209: {  	s0 =	sadd.s32 @!p0 $0x100000, s0  }
0x20a: {  	[sflag:s0] =	ssyncadd.tile.s32 @!p0 $0x1;
	_ =	shalt  }
.Lfunc_end2:
_tile_overlayer_lowered:
.L_overlay_start_2:
0x20b: {  	(tag) =	ssettag $0x2  }
0x20c: {  	s0 =	rddreg [dreg:$0x0];
	s2 =	stileid.u32  }
0x20d: {  	s1 =	rddreg [dreg:$0x1];
	p0 =	sne.s32 s2, $0x0  }
0x20e: {  	s3 =	rddreg [dreg:$0x2];
	[bflag:$0x3] =	sbarrier.arrive $0xFFFF;
	s2 =	simm.s32 @!p0 $0x1C03  }
0x20f: {  	[timem:s3], [sflag:s2] =	dma.local @!p0 [hbm:s0], s1  }
0x210: {  	s0 =	simm.s32 @!p0 $0x3  }
0x211: {  	_ =	swait.ge @!p0 [sflag:s0], s1  }
0x212: {  	s1 =	ssub.s32 @!p0 $0x0, s1;
	[sflag:s0] =	ssyncset.done @!p0 $0x0  }
0x213: {  	[sflag:s0] =	ssyncadd.s32 @!p0 s1  }
0x214: {  	[bflag:$0x3] =	sbarrier.arrive $0xFFFF  }
0x215: {  	_ =	shalt  }

// kernel: sparse-core-data-format-call.cloned.1.call-start
scs
called_computation_lowered:
.L_overlay_start_0:
0x0: {  	s2 =	sld [smem:$0x3FD9]  }
0x1: {  	s3 =	sld [smem:$0x3FFE];
	_ =	sdelay $0x1  }
0x2: {  	s1 =	srdreg.scid  }
0x3: {  	s0 =	sand.u32 $0x1, s1  }
0x4: {  	s18 =	sshll.u32 s0, $0xA;
	s2 =	sadd.s32 s3, s2  }
0x5: {  	s2 =	sadd.s32 s2, s18  }
0x6: {  	[smem:$0x3FC3] =	sst s2  }
0x7: {  	_ = 	snop  }
0x8: {  	s2 =	sld [smem:$0x3FD0];
	(tm) =	ssettm $0x1  }
0x9: {  	s19 =	sld [smem:$0x3FFB];
	_ =	sdelay $0x3  }
0xa: {  	_ =	strace s19  }
0xb: {  	s3 =	sld [smem:$0x3FFC];
	_ =	sdelay $0x3  }
0xc: {  	_ =	strace s3  }
0xd: {  	s3 =	sld [smem:$0x3FFD];
	_ =	sdelay $0x3  }
0xe: {  	_ =	strace s3  }
0xf: {  	_ =	strace $0x8FFFFFFF  }
0x10: {  	s20 =	sld [smem:$0x3FDB];
	_ =	sdelay $0x1  }
0x11: {  	s4 =	simm.s32 $_scs_section_size  }
0x12: {  	s5 =	simm.s32 $_size__tile_overlayer_lowered;
	s6 =	simm.s32 $_tile_overlayer_lowered  }
0x13: {  	s23 =	simm.s32 $0x1BFF;
	s22 =	sshll.u32 s6, $0x1;
	s3 =	sadd.s32 s4, s20  }
0x14: {  	s7 =	simm.s32 $0x0;
	s21 =	sshll.u32 s5, $0x1;
	s5 =	sadd.s32 s22, s3  }
0x15: {  	[timem:s7], [sflag:s23] =	dma.local [hbm:s5], s21  }
0x16: {  	_ =	swait.ge [sflag:s23], s21  }
0x17: {  	s4 =	ssub.s32 $0x0, s21;
	[sflag:s23] =	ssyncset.done $0x0  }
0x18: {  	[sflag:s23] =	ssyncadd.s32 s4;
	_ =	sdelay $0x1  }
0x19: {  	s24 =	simm.s32 $0x1B8B  }
0x1a: {  	_ =	swait.ge [sflag:s24], $0x1  }
0x1b: {  	[sflag:s24] =	ssyncset.done $0x0  }
0x1c: {  	s26 =	simm.s32 $0x1B8E;
	s25 =	sld [smem:$0x3FFE];
	[sflag:s24] =	ssyncadd.s32 $0xFFFFFFFF  }
0x1d: {  	s27 =	simm.s32 $execute0_lowered;
	[smem:$0x3FD2] =	sst s26  }
0x1e: {  	s5 =	sshll.u32 s27, $0x1;
	_ =	strace $0x80000049;
	[dreg:$0x1] =	wrdreg $0xFFFFFFFF  }
0x1f: {  	s28 =	simm.s32 $_size_execute0_lowered;
	s3 =	sadd.s32 s3, s5;
	[dreg:$0x0] =	wrdreg $0x0  }
0x20: {  	s5 =	sshll.u32 s28, $0x1;
	[dreg:$0x2] =	wrdreg s3  }
0x21: {  	[dreg:$0x3] =	wrdreg s5  }
0x22: {  	[dreg:$0x4] =	wrdreg $0xC0  }
0x23: {  	_ =	task [dreg:s7], $0x5FFFF  }
0x24: {  	[dreg:$0x1] =	wrdreg $0xFFFFFFFF  }
0x25: {  	[dreg:$0x0] =	wrdreg $0x60  }
0x26: {  	[dreg:$0x2] =	wrdreg s25  }
0x27: {  	[dreg:$0x3] =	wrdreg s2  }
0x28: {  	[dreg:$0x4] =	wrdreg $0x9  }
0x29: {  	_ =	task.clear_ibuf [dreg:s7], $0x5FFFF;
	_ =	strace $0x90000049  }
0x2a: {  	s29 =	simm.s32 $0x9;
	_ =	strace $0x8000004B  }
0x2b: {  	_ =	swait.ge [sflag:s29], $0x1  }
0x2c: {  	[sflag:s29] =	ssyncadd.s32 $0xFFFFFFFF  }
0x2d: {  	_ =	strace $0x9000004B  }
0x2e: {  	_ =	sfence  }
0x2f: {  	s30 =	sld [smem:$0x0];
	_ =	sdelay $0x2  }
0x30: {  	s31 =	sshll.u32 s1, $0xD;
	s1 =	sshrl.u32 s1, $0x2  }
0x31: {  	s3 =	sand.u32 $0x4000, s31;
	s1 =	sadd.s32 s1, s30  }
0x32: {  	s0 =	sor.u32 s3, s0;
	s1 =	sshll.u32 s1, $0x11  }
0x33: {  	s0 =	sor.u32 s1, s0  }
0x34: {  	s0 =	sadd.s32 $0x8F2B, s0  }
0x35: {  	[sflag:s0] =	ssyncadd.remote.s32 $0x1  }
0x36: {  	_ =	sfence.sel $0xFFFF  }
0x37: {  	[dreg:$0x0] =	wrdreg $0xFFFFFFFF;
	(pc) =	sbr.abs _section_cstart, $3  }
0x38: {  	[dreg:$0x1] =	wrdreg $0xFFFFFFFF  }
0x39: {  	_ =	task.clear_ibuf [dreg:s7], $0x2FFFF;
	_ =	strace $0x9FFFFFFF  }
0x3a: {  	(tm) =	ssettm $0x7FFFFFFF  }
0x3b: {  	_ =	shalt  }
tec
execute0_lowered:
.L_overlay_start_1:
0x0: {  	(tag) =	ssettag $0x1  }
0x1: {  	s0 =	srdreg.scid  }
0x2: {  	s1 =	sshll.u32 s0, $0x4  }
0x3: {  	s0 =	stileid.u32;
	s1 =	sand.u32 $0x10, s1  }
0x4: {  	s1 =	sor.u32 s0, s1  }
0x5: {  	s6 =	rddreg [dreg:$0x0];
	s4 =	simm.s32 $0x1;
	s2 =	sshll.u32 s1, $0x7  }
0x6: {  	s7 =	simm.s32 $0x2;
	s12 =	simm.s32 $0x0;
	s1 =	ssub.s32 $0x1000, s2  }
0x7: {  	s8 =	simm.s32 $0x8000;
	s13 =	simm.s32 $0x0;
	s3 =	sand.u32 $0xF80, s1  }
0x8: {  	s9 =	simm.s32 $0x0;
	s5 =	sshrl.u32 s1, $0xC;
	p0 =	sne.s32 s3, $0x0  }
.Ltmp0:
0x9: {  	s1 =	rddreg [dreg:$0x2];
	s4 =	simm.s32 @!p0 $0x0;
	(pc) =	sbr.rel .LBB1_1-.Ltmp0, $4  }
0xa: {  	s11 =	simm.s32 $0x0;
	s3 =	rddreg [dreg:$0x1];
	s5 =	sadd.s32 s4, s5  }
0xb: {  	_ =	strace $0x8000004A;
	s4 =	simm.s32 $0x1;
	s5 =	smul.u32 $0x32, s5  }
0xc: {  	s6 =	sadd.s32 $0x191200, s6;
	s10 =	smov.u32 s2;
	[sflag:s4] =	ssyncpa.u1 $0x0  }
0xd: {  	p0 =	por $0x0, $0x0;
	[sflag:s7] =	ssyncpa.u1 $0x0;
	s7 =	sor.u32 $0x1, s5  }
.LBB1_4:
0xe: {  	s16 =	sshll.u32 s13, $0x3;
	s17 =	sand.u32 $0x78, s13  }
0xf: {  	s30 =	sand.u32 $0x7E00, s13;
	s12 =	sshll.u32 s12, $0xF;
	s16 =	sand.u32 $0xC00, s16  }
0x10: {  	[tilespmem:s15+$0x810 ss:$0x81] =	vst.msk $0xffff, v2;
	s31 =	sand.u32 $0x7, s13;
	s16 =	sor.u32 s17, s16;
	s17 =	sadd.s32 s3, s30  }
0x11: {  	[tilespmem:s15+$0x1020 ss:$0x81] =	vst.msk $0xffff, v0;
	s13 =	sshll.u32 s31, $0x12;
	s12 =	sadd.s32 s12, s17;
	s16 =	sshrl.u32 s16, $0x3  }
0x12: {  	[tilespmem:s15+$0x0 ss:$0x81] =	vst.msk $0xffff, v1;
	s13 =	sor.u32 $0x400, s13;
	s12 =	sadd.s32 s16, s12  }
0x13: {  	[hbm4b:s12+s13] =	stream.strided.scatter [tilespmem:s14], [sflag:$0x2], $0x2000, s8, s13, $0x20;
	[tilespmem:$0x8080] =	vst v63  }
.LBB1_5:
0x14: {  	s14 =	sadd.s32 $0x1, s9  }
0x15: {  	s12 =	sadd.s32 $0x1000, s10;
	s16 =	smov.u32 s10;
	p2 =	sgt.s32 s14, $0x31  }
0x16: {  	s16 =	smov.u32 @p2 s12  }
0x17: {  	s14 =	simm.s32 @p2 $0x0;
	p2 =	sgt.s32 s16, $0xFFF  }
0x18: {  	s16 =	smov.u32 @p2 s2;
	p2 =	sne.s32 s11, s7  }
.Ltmp1:
0x19: {  	p1 =	slt.u32 s11, $0x2;
	(pc) =	sbr.rel @!p2 .LBB1_6-.Ltmp1, $4  }
0x1a: {  	s15 =	simm.s32 @!p1 $0x2  }
0x1b: {  	s13 =	smov.u32 s10;
	p0 =	por !p0, !p0;
	_ =	swait.ge @!p1 [sflag:s15], $0x2000  }
0x1c: {  	s12 =	smov.u32 s9;
	[sflag:s15] =	ssyncset.done @!p1 $0x0;
	s9 =	smov.u32 s14  }
0x1d: {  	s11 =	sadd.s32 $0x1, s11;
	[sflag:s15] =	ssyncadd.s32 @!p1 $0xFFFFE000;
	s10 =	smov.u32 s16  }
.LBB1_1:
0x1e: {  	p1 =	sge.u32 s11, s5  }
0x1f: {  	s14 =	sand.u32 @!p1 $0x1FFFFFF, s9  }
0x20: {  	s15 =	smulhi.u32 @!p1 $0x4924925, s14;
	_ =	sdelay $0x1  }
0x21: {  	s15 =	smul.u32 @!p1 $0x38, s15  }
0x22: {  	s16 =	sxor.u32 @!p1 $0xFFFFFFFF, s11;
	s17 =	smul.u32 @!p1 $0x380, s10  }
0x23: {  	s31 =	sadd.s32 $0xFFFFFFFF, s11;
	s16 =	sshll.u32 @!p1 s16, $0xD;
	s14 =	ssub.s32 @!p1 s14, s15  }
0x24: {  	s15 =	sand.u32 @!p1 $0x2000, s16;
	s16 =	sadd.s32 @!p1 s6, s17;
	s14 =	sshll.u32 @!p1 s14, $0x4  }
0x25: {  	s17 =	simm.s32 @!p1 $0x1C00;
	s14 =	sadd.s32 @!p1 s14, s16;
	s16 =	simm.s32 @!p1 $0x40  }
0x26: {  	[tilespmem:s15], [sflag:$0x1] =	stream.strided.gather @!p1 [hbm4b:s14+s16], $0x2000, s17, s16, $0x38;
	[tilespmem:$0x8080] =	vst v63  }
0x27: {  	p1 =	sge.u32 s31, s5  }
.Ltmp2:
0x28: {  	_ = 	snop;
	(pc) =	sbr.rel @p1 .LBB1_5-.Ltmp2, $1  }
0x29: {  	_ =	sdelay $0x3  }
0x2a: {  	s14 =	simm.s32 $0x1  }
0x2b: {  	_ =	swait.ge [sflag:s4], $0x2000;
	s14 =	simm.s32 @!p0 $0x0  }
0x2c: {  	[sflag:s4] =	ssyncset.done $0x0;
	s15 =	sshll.u32 s14, $0xD  }
0x2d: {  	[sflag:s4] =	ssyncadd.s32 $0xFFFFE000;
	s18 =	sor.u32 $0x20, s15  }
0x2e: {  	s14 =	smul.u32 $0x8100, s14;
	v3 =	vld [tilespmem:s18+$0x10]  }
0x2f: {  	s30 =	sand.u32 $0x1, s11;
	v2 =	vld [tilespmem:s18+$0xFFFFFFF0]  }
0x30: {  	s15 =	smul.u32 $0x8100, s30;
	s14 =	sshrl.u32 s14, $0x2;
	v0 =	vld [tilespmem:s18+$0x0]  }
0x31: {  	v1 =	vld [tilespmem:s18+$0xFFFFFFE0];
	s16 =	sor.u32 $0x4000, s14  }
0x32: {  	s31 =	sshrl.u32 s15, $0x2;
	s15 =	sadd.s32 $0x0, s16  }
0x33: {  	s17 =	simm.s32 $0x4;
	s18 =	sadd.s32 $0x40, s18;
	s14 =	sor.u32 $0x4000, s31;
	[tilespmem:s15+$0x1830 ss:$0x81] =	vst.msk $0xffff, v3  }
.LBB1_3:
0x34: {  	v3 =	vld [tilespmem:s18+$0x10];
	p1 =	sne.s32 s17, $0x1FC;
	[tilespmem:s15+$0x810 ss:$0x81] =	vst.msk $0xffff, v2;
	s19 =	smov.u32 s17;
	s17 =	sadd.s32 $0x4, s17  }
.Ltmp3:
0x35: {  	v2 =	vld [tilespmem:s18+$0xFFFFFFF0];
	[tilespmem:s15+$0x1020 ss:$0x81] =	vst.msk $0xffff, v0;
	(pc) =	sbr.rel @p1 .LBB1_3-.Ltmp3, $4  }
0x36: {  	v0 =	vld [tilespmem:s18+$0x0];
	[tilespmem:s15+$0x0 ss:$0x81] =	vst.msk $0xffff, v1  }
0x37: {  	s15 =	sshra.s32 s19, $0x2;
	v1 =	vld [tilespmem:s18+$0xFFFFFFE0]  }
0x38: {  	s15 =	sadd.s32 s15, s16  }
0x39: {  	s18 =	sadd.s32 $0x40, s18;
	[tilespmem:s15+$0x1830 ss:$0x81] =	vst.msk $0xffff, v3  }
.Ltmp4:
0x3a: {  	_ = 	snop;
	(pc) =	sbr.rel .LBB1_4-.Ltmp4, $1  }
0x3b: {  	_ =	sdelay $0x3  }
.LBB1_6:
0x3c: {  	_ =	sfence.sel $0x180000  }
0x3d: {  	s2 =	simm.s32 $0x1;
	[bflag:$0x0] =	sbarrier.arrive $0xFFFF  }
0x3e: {  	s31 =	simm.s32 $0x2;
	[sflag:s2] =	ssyncpa.u1 $0x1  }
0x3f: {  	[sflag:s31] =	ssyncpa.u1 $0x1  }
0x40: {  	p0 =	sne.s32 s0, $0x0;
	_ =	strace $0x9000004A  }
0x41: {  	s0 =	sadd.s32 @!p0 $0x100000, s1;
	[bflag:$0x2] =	sbarrier.arrive $0xFFFF  }
0x42: {  	[sflag:s0] =	ssyncadd.tile.s32 @!p0 $0x1;
	_ =	shalt  }
.Lfunc_end1:
_tile_overlayer_lowered:
.L_overlay_start_2:
0x43: {  	(tag) =	ssettag $0x2  }
0x44: {  	s0 =	rddreg [dreg:$0x0];
	s2 =	stileid.u32  }
0x45: {  	s1 =	rddreg [dreg:$0x1];
	p0 =	sne.s32 s2, $0x0  }
0x46: {  	s3 =	rddreg [dreg:$0x2];
	[bflag:$0x3] =	sbarrier.arrive $0xFFFF;
	s2 =	simm.s32 @!p0 $0x1C01  }
0x47: {  	[timem:s3], [sflag:s2] =	dma.local @!p0 [hbm:s0], s1  }
0x48: {  	s0 =	simm.s32 @!p0 $0x1  }
0x49: {  	_ =	swait.ge @!p0 [sflag:s0], s1  }
0x4a: {  	s1 =	ssub.s32 @!p0 $0x0, s1;
	[sflag:s0] =	ssyncset.done @!p0 $0x0  }
0x4b: {  	[sflag:s0] =	ssyncadd.s32 @!p0 s1  }
0x4c: {  	[bflag:$0x3] =	sbarrier.arrive $0xFFFF  }
0x4d: {  	_ =	shalt  }

</sc_bundles>
